<compile_context>
chip_gen: v7x
topology: tpu7x:2x2x1
jax: 0.10.2.dev20260603
libtpu: 0.0.44.dev20260713+nightly
codegen_flags: <defaults>
</compile_context>

<pallas_src>
import functools

import jax
import jax.numpy as jnp
from jax import lax
from jax.experimental import pallas as pl
from jax.experimental.pallas import tpu as pltpu
from jax.experimental.pallas import tpu_sc as plsc

N = 10000
NPAD = 10240
E = 160000
H = 128
NC, NS, LANES = 2, 16, 16
NW = NC * NS
CHUNK = 128
EPAD = 163840
CPT = EPAD // (NW * CHUNK)
RPS = NPAD // NS
TRASH = N + 16

_MESH = plsc.VectorSubcoreMesh(core_axis_name="c", subcore_axis_name="s")
_BLK = 1000


def _sc_degree(dst2d, zeros16, ones16):
    @functools.partial(
        pl.kernel,
        out_type=jax.ShapeDtypeStruct((NC, NPAD, LANES), jnp.float32),
        mesh=_MESH,
        scratch_types=[
            pltpu.VMEM((CPT, CHUNK), jnp.int32),
            pltpu.VMEM((CHUNK, LANES), jnp.float32),
            pltpu.VMEM_SHARED((NPAD, LANES), jnp.float32),
        ],
    )
    def deg_kernel(dst_hbm, z_hbm, one_hbm, out_hbm, idx_v, ones_v, shared):
        c = lax.axis_index("c")
        s = lax.axis_index("s")
        w = s * NC + c
        pltpu.sync_copy(z_hbm.at[pl.ds(s * RPS, RPS)],
                        shared.at[pl.ds(s * RPS, RPS)])
        pltpu.sync_copy(one_hbm, ones_v)
        pltpu.sync_copy(dst_hbm.at[pl.ds(w * CPT, CPT)], idx_v)
        plsc.subcore_barrier()

        @pl.loop(0, CPT)
        def _(j):
            pltpu.sync_copy(ones_v, shared.at[idx_v.at[j]], add=True)

        plsc.subcore_barrier()
        pltpu.sync_copy(shared.at[pl.ds(s * RPS, RPS)],
                        out_hbm.at[c, pl.ds(s * RPS, RPS)])

    return deg_kernel(dst2d, zeros16, ones16)


def _sc_scatter(g, src2d, dst2d, zeros128):
    @functools.partial(
        pl.kernel,
        out_type=jax.ShapeDtypeStruct((NC, NPAD, H), jnp.float32),
        mesh=_MESH,
        scratch_types=[
            pltpu.VMEM((CPT, CHUNK), jnp.int32),
            pltpu.VMEM((CPT, CHUNK), jnp.int32),
            pltpu.VMEM((CHUNK, H), jnp.float32),
            pltpu.VMEM((CHUNK, H), jnp.float32),
            pltpu.VMEM_SHARED((NPAD, H), jnp.float32),
            pltpu.SemaphoreType.DMA,
            pltpu.SemaphoreType.DMA,
            pltpu.SemaphoreType.DMA,
            pltpu.SemaphoreType.DMA,
        ],
    )
    def scat_kernel(g_hbm, src_hbm, dst_hbm, z_hbm, out_hbm,
                    sidx_v, didx_v, rows_a, rows_b, shared,
                    sem_a, sem_b, ssem_a, ssem_b):
        c = lax.axis_index("c")
        s = lax.axis_index("s")
        w = s * NC + c
        pltpu.sync_copy(z_hbm.at[pl.ds(s * RPS, RPS)],
                        shared.at[pl.ds(s * RPS, RPS)])
        pltpu.sync_copy(src_hbm.at[pl.ds(w * CPT, CPT)], sidx_v)
        pltpu.sync_copy(dst_hbm.at[pl.ds(w * CPT, CPT)], didx_v)
        plsc.subcore_barrier()

        GRP = 8

        bufs = (rows_a, rows_b)
        sems = (sem_a, sem_b)

        @pl.loop(0, CPT, step=GRP)
        def _(base):
            desc = pltpu.async_copy(shared.at[sidx_v.at[base]],
                                    bufs[0], sems[0])
            for t in range(GRP):
                cur = t % 2
                if t + 1 < GRP:
                    nxt = pltpu.async_copy(
                        shared.at[sidx_v.at[base + t + 1]],
                        bufs[1 - cur], sems[1 - cur])
                desc.wait()
                if t + 1 < GRP:
                    desc = nxt

        plsc.subcore_barrier()
        pltpu.sync_copy(shared.at[pl.ds(s * RPS, RPS)],
                        out_hbm.at[c, pl.ds(s * RPS, RPS)])

    return scat_kernel(g, src2d, dst2d, zeros128)


def _tc_in_matmul(x, W1):
    def body(x_ref, w_ref, o_ref):
        o_ref[...] = jnp.dot(x_ref[...], w_ref[...],
                             preferred_element_type=jnp.float32)

    return pl.pallas_call(
        body,
        grid=(N // _BLK,),
        in_specs=[pl.BlockSpec((_BLK, 256), lambda i: (i, 0)),
                  pl.BlockSpec((256, H), lambda i: (0, 0))],
        out_specs=pl.BlockSpec((_BLK, H), lambda i: (i, 0)),
        out_shape=jax.ShapeDtypeStruct((N, H), jnp.float32),
    )(x, W1)


def _tc_prep(degp, h1):
    def body(d_ref, h_ref, g_ref, di_ref):
        deg = d_ref[0, :, 0:1] + d_ref[1, :, 0:1] + 1.0
        dinv = lax.rsqrt(deg)
        di_ref[...] = dinv
        g_ref[...] = h_ref[...] * dinv

    return pl.pallas_call(
        body,
        grid=(N // _BLK,),
        in_specs=[pl.BlockSpec((NC, _BLK, LANES), lambda i: (0, i, 0)),
                  pl.BlockSpec((_BLK, H), lambda i: (i, 0))],
        out_specs=[pl.BlockSpec((_BLK, H), lambda i: (i, 0)),
                   pl.BlockSpec((_BLK, 1), lambda i: (i, 0))],
        out_shape=[jax.ShapeDtypeStruct((N, H), jnp.float32),
                   jax.ShapeDtypeStruct((N, 1), jnp.float32)],
    )(degp, h1)


def _tc_layer(sp, g, dinv, b, W):
    def body(p_ref, g_ref, di_ref, b_ref, w_ref, o_ref):
        agg = p_ref[0] + p_ref[1] + g_ref[...]
        z = jnp.maximum(agg * di_ref[...] + b_ref[...], 0.0)
        h = jnp.dot(z, w_ref[...], preferred_element_type=jnp.float32)
        o_ref[...] = h * di_ref[...]

    return pl.pallas_call(
        body,
        grid=(N // _BLK,),
        in_specs=[pl.BlockSpec((NC, _BLK, H), lambda i: (0, i, 0)),
                  pl.BlockSpec((_BLK, H), lambda i: (i, 0)),
                  pl.BlockSpec((_BLK, 1), lambda i: (i, 0)),
                  pl.BlockSpec((1, H), lambda i: (0, 0)),
                  pl.BlockSpec((H, H), lambda i: (0, 0))],
        out_specs=pl.BlockSpec((_BLK, H), lambda i: (i, 0)),
        out_shape=jax.ShapeDtypeStruct((N, H), jnp.float32),
    )(sp, g, dinv, b.reshape(1, H), W)


def _tc_head(sp, g, dinv, b2, Wh, bh):
    def body(p_ref, g_ref, di_ref, b_ref, w_ref, bh_ref, o_ref):
        agg = p_ref[0] + p_ref[1] + g_ref[...]
        z = jnp.maximum(agg * di_ref[...] + b_ref[...], 0.0)
        o_ref[...] = jnp.dot(z, w_ref[...],
                             preferred_element_type=jnp.float32) + bh_ref[...]

    return pl.pallas_call(
        body,
        grid=(N // _BLK,),
        in_specs=[pl.BlockSpec((NC, _BLK, H), lambda i: (0, i, 0)),
                  pl.BlockSpec((_BLK, H), lambda i: (i, 0)),
                  pl.BlockSpec((_BLK, 1), lambda i: (i, 0)),
                  pl.BlockSpec((1, H), lambda i: (0, 0)),
                  pl.BlockSpec((H, 1), lambda i: (0, 0)),
                  pl.BlockSpec((1, 1), lambda i: (0, 0))],
        out_specs=pl.BlockSpec((_BLK, 1), lambda i: (i, 0)),
        out_shape=jax.ShapeDtypeStruct((N, 1), jnp.float32),
    )(sp, g, dinv, b2.reshape(1, H), Wh, bh.reshape(1, 1))


def kernel(x, edge_index, W1, b1, W2, b2, Wh, bh):
    src = edge_index[0]
    dst = edge_index[1]
    pad = EPAD - E
    src2d = jnp.concatenate(
        [src, jnp.zeros((pad,), src.dtype)]).reshape(EPAD // CHUNK, CHUNK)
    dst2d = jnp.concatenate(
        [dst, jnp.full((pad,), TRASH, dst.dtype)]).reshape(EPAD // CHUNK, CHUNK)
    zeros16 = jnp.zeros((NPAD, LANES), jnp.float32)
    ones16 = jnp.ones((CHUNK, LANES), jnp.float32)
    zeros128 = jnp.zeros((NPAD, H), jnp.float32)

    degp = _sc_degree(dst2d, zeros16, ones16)
    h1 = _tc_in_matmul(x, W1)
    g1, dinv = _tc_prep(degp, h1)
    s1 = _sc_scatter(g1, src2d, dst2d, zeros128)
    g2 = _tc_layer(s1, g1, dinv, b1, W2)
    s2 = _sc_scatter(g2, src2d, dst2d, zeros128)
    logits = _tc_head(s2, g2, dinv, b2, Wh, bh)
    return logits.reshape(N)

# --- scband reference (transcript-rebuilt; emitter-appended) ---
"""Pipeline reference for scband-actor-80796924772855 (READ-ONLY COPY).

The authoritative reference and input builder live on the scoring server;
editing this copy changes nothing except your own understanding.
"""

import jax, jax.numpy as jnp
import numpy as np


def gcn_conv(x, edge_index, W, b):
    N = x.shape[0]
    loop = jnp.arange(N, dtype=edge_index.dtype)
    src = jnp.concatenate([edge_index[0], loop])
    dst = jnp.concatenate([edge_index[1], loop])
    deg = jnp.zeros((N,), dtype=x.dtype).at[dst].add(1.0)
    dinv = jnp.where(deg > 0, deg ** -0.5, 0.0)
    norm = dinv[src] * dinv[dst]
    h = x @ W
    msg = h[src] * norm[:, None]
    out = jnp.zeros((N, W.shape[1]), dtype=x.dtype).at[dst].add(msg)
    return out + b


def setup_inputs(seed: int = 0):
    key = jax.random.key(seed)
    ks = jax.random.split(key, 8)
    N, E, D, H = 10000, 160000, 256, 128
    x = jax.random.normal(ks[0], (N, D), dtype=jnp.float32)
    edge_index = jax.random.randint(ks[1], (2, E), 0, N, dtype=jnp.int32)
    W1 = jax.random.normal(ks[2], (D, H), dtype=jnp.float32) * (1.0 / np.sqrt(D))
    b1 = jnp.zeros((H,), dtype=jnp.float32)
    W2 = jax.random.normal(ks[3], (H, H), dtype=jnp.float32) * (1.0 / np.sqrt(H))
    b2 = jnp.zeros((H,), dtype=jnp.float32)
    Wh = jax.random.normal(ks[4], (H, 1), dtype=jnp.float32) * (1.0 / np.sqrt(H))
    bh = jnp.zeros((1,), dtype=jnp.float32)
    return {"x": x, "edge_index": edge_index, "W1": W1, "b1": b1, "W2": W2, "b2": b2, "Wh": Wh, "bh": bh}


def reference(x, edge_index, W1, b1, W2, b2, Wh, bh):
    h = jax.nn.relu(gcn_conv(x, edge_index, W1, b1))
    h = jax.nn.relu(gcn_conv(h, edge_index, W2, b2))
    logits = (h @ Wh + bh).squeeze(-1)
    return logits

if __name__ == "__main__":
    import jax
    _d = setup_inputs()
    print(jax.jit(kernel)(*tuple(_d.values())))

</pallas_src>

<mosaic_0001>
#map = affine_map<(d0, d1) -> (0, 0)>
#map1 = affine_map<(d0, d1) -> (0, 0, 0)>
module attributes {stable_mosaic.version = 14 : i64} {
  func.func @deg_kernel(%arg0: i32, %arg1: i32, %arg2: memref<1280x128xi32, #tpu.memory_space<hbm>>, %arg3: memref<10240x16xf32, #tpu.memory_space<hbm>>, %arg4: memref<128x16xf32, #tpu.memory_space<hbm>>, %arg5: memref<2x10240x16xf32, #tpu.memory_space<hbm>>, %arg6: memref<40x128xi32, #tpu.memory_space<vmem>>, %arg7: memref<128x16xf32, #tpu.memory_space<vmem>>, %arg8: memref<10240x16xf32, #tpu.memory_space<vmem_shared>>) attributes {dimension_semantics = [#tpu.dimension_semantics<core_parallel>, #tpu.dimension_semantics<subcore_parallel>], iteration_bounds = array<i64: 2, 16>, scalar_prefetch = 0 : i64, scratch_operands = 3 : i64, tpu.core_type = #tpu.core_type<sc_vector_subcore>, window_params = [{transform_indices = #map}, {transform_indices = #map}, {transform_indices = #map}, {transform_indices = #map1}]} {
    %mul3A = arith.constant 2 : i32
    %mul3A_0 = arith.muli %arg1, %mul3A : i32
    %add3A = arith.addi %mul3A_0, %arg0 : i32
    %mul3A_1 = arith.constant 640 : i32
    %mul3A_2 = arith.muli %arg1, %mul3A_1 : i32
    %mul3A_3 = arith.constant 640 : i32
    %mul3A_4 = arith.muli %arg1, %mul3A_3 : i32
    "tpu.region"() ({
      %run_scoped3A = tpu.sem_alloc : memref<!tpu.dma_semaphore, #tpu.memory_space<semaphore_mem>>
      %dma_start3A = arith.constant 0 : i32
      %dma_start3A_16 = tpu.memref_slice %arg8[%mul3A_4, %dma_start3A] : memref<10240x16xf32, #tpu.memory_space<vmem_shared>> -> memref<640x16xf32, #tpu.memory_space<vmem_shared>>
      %dma_start3A_17 = arith.constant 0 : i32
      %dma_start3A_18 = tpu.memref_slice %arg3[%mul3A_2, %dma_start3A_17] : memref<10240x16xf32, #tpu.memory_space<hbm>> -> memref<640x16xf32, #tpu.memory_space<hbm>>
      tpu.enqueue_dma source(%dma_start3A_18 : memref<640x16xf32, #tpu.memory_space<hbm>>) target(%dma_start3A_16 : memref<640x16xf32, #tpu.memory_space<vmem_shared>>) target_semaphore(%run_scoped3A : memref<!tpu.dma_semaphore, #tpu.memory_space<semaphore_mem>>)
      %dma_wait3A = arith.constant 0 : i32
      %dma_wait3A_19 = tpu.memref_slice %arg8[%mul3A_4, %dma_wait3A] : memref<10240x16xf32, #tpu.memory_space<vmem_shared>> -> memref<640x16xf32, #tpu.memory_space<vmem_shared>>
      %dma_wait3A_20 = arith.constant 0 : i32
      %dma_wait3A_21 = tpu.memref_slice %arg3[%mul3A_2, %dma_wait3A_20] : memref<10240x16xf32, #tpu.memory_space<hbm>> -> memref<640x16xf32, #tpu.memory_space<hbm>>
      tpu.wait_dma2 semaphore(%run_scoped3A : memref<!tpu.dma_semaphore, #tpu.memory_space<semaphore_mem>>) src(%dma_wait3A_21 : memref<640x16xf32, #tpu.memory_space<hbm>>) dst(%dma_wait3A_19 : memref<640x16xf32, #tpu.memory_space<vmem_shared>>)
      tpu.yield
    }) : () -> ()
    "tpu.region"() ({
      %run_scoped3A = tpu.sem_alloc : memref<!tpu.dma_semaphore, #tpu.memory_space<semaphore_mem>>
      tpu.enqueue_dma source(%arg4 : memref<128x16xf32, #tpu.memory_space<hbm>>) target(%arg7 : memref<128x16xf32, #tpu.memory_space<vmem>>) target_semaphore(%run_scoped3A : memref<!tpu.dma_semaphore, #tpu.memory_space<semaphore_mem>>)
      tpu.wait_dma2 semaphore(%run_scoped3A : memref<!tpu.dma_semaphore, #tpu.memory_space<semaphore_mem>>) src(%arg4 : memref<128x16xf32, #tpu.memory_space<hbm>>) dst(%arg7 : memref<128x16xf32, #tpu.memory_space<vmem>>)
      tpu.yield
    }) : () -> ()
    %mul3A_5 = arith.constant 40 : i32
    %mul3A_6 = arith.muli %add3A, %mul3A_5 : i32
    "tpu.region"() ({
      %run_scoped3A = tpu.sem_alloc : memref<!tpu.dma_semaphore, #tpu.memory_space<semaphore_mem>>
      %dma_start3A = arith.constant 0 : i32
      %dma_start3A_16 = tpu.memref_slice %arg2[%mul3A_6, %dma_start3A] : memref<1280x128xi32, #tpu.memory_space<hbm>> -> memref<40x128xi32, #tpu.memory_space<hbm>>
      %dma_start3A_17 = arith.constant 0 : i32
      %dma_start3A_18 = tpu.memref_slice %arg2[%mul3A_6, %dma_start3A_17] : memref<1280x128xi32, #tpu.memory_space<hbm>> -> memref<40x128xi32, #tpu.memory_space<hbm>>
      tpu.enqueue_dma source(%dma_start3A_18 : memref<40x128xi32, #tpu.memory_space<hbm>>) target(%arg6 : memref<40x128xi32, #tpu.memory_space<vmem>>) target_semaphore(%run_scoped3A : memref<!tpu.dma_semaphore, #tpu.memory_space<semaphore_mem>>)
      %dma_wait3A = arith.constant 0 : i32
      %dma_wait3A_19 = tpu.memref_slice %arg2[%mul3A_6, %dma_wait3A] : memref<1280x128xi32, #tpu.memory_space<hbm>> -> memref<40x128xi32, #tpu.memory_space<hbm>>
      %dma_wait3A_20 = arith.constant 0 : i32
      %dma_wait3A_21 = tpu.memref_slice %arg2[%mul3A_6, %dma_wait3A_20] : memref<1280x128xi32, #tpu.memory_space<hbm>> -> memref<40x128xi32, #tpu.memory_space<hbm>>
      tpu.wait_dma2 semaphore(%run_scoped3A : memref<!tpu.dma_semaphore, #tpu.memory_space<semaphore_mem>>) src(%dma_wait3A_21 : memref<40x128xi32, #tpu.memory_space<hbm>>) dst(%arg6 : memref<40x128xi32, #tpu.memory_space<vmem>>)
      tpu.yield
    }) : () -> ()
    %barrier3A = arith.constant 0 : index
    tpu.barrier barrier_id(%barrier3A)
    %scan3A = arith.constant 0 : i32
    %scan3A_7 = arith.constant 40 : i32
    %scan3A_8 = arith.addi %scan3A, %scan3A_7 : i32
    %scan3A_9 = arith.constant 1 : i32
    scf.for %scan3A_16 = %scan3A to %scan3A_8 step %scan3A_9  : i32 {
      %mul3A_17 = arith.constant 1 : i32
      %mul3A_18 = arith.muli %scan3A_16, %mul3A_17 : i32
      %add3A_19 = arith.constant 0 : i32
      %add3A_20 = arith.addi %add3A_19, %mul3A_18 : i32
      "tpu.region"() ({
        %run_scoped3A = tpu.sem_alloc : memref<!tpu.dma_semaphore, #tpu.memory_space<semaphore_mem>>
        %dma_start3A = arith.constant 0 : i32
        %dma_start3A_21 = tpu.memref_slice %arg6[%add3A_20, %dma_start3A] : memref<40x128xi32, #tpu.memory_space<vmem>> -> memref<1x128xi32, #tpu.memory_space<vmem>>
        %dma_start3A_22 = tpu.memref_squeeze %dma_start3A_21 : memref<1x128xi32, #tpu.memory_space<vmem>> -> memref<128xi32, #tpu.memory_space<vmem>>
        %dma_start3A_23 = arith.constant 0 : i32
        %dma_start3A_24 = arith.constant 0 : i32
        %dma_start3A_25 = tpu.memref_slice %arg8[%dma_start3A_23, %dma_start3A_24] : memref<10240x16xf32, #tpu.memory_space<vmem_shared>> -> memref<10240x16xf32, #tpu.memory_space<vmem_shared>>
        tpu.enqueue_indirect_dma source(%arg7 : memref<128x16xf32, #tpu.memory_space<vmem>>) target(%dma_start3A_25 : memref<10240x16xf32, #tpu.memory_space<vmem_shared>>) offsets(%dma_start3A_22 : memref<128xi32, #tpu.memory_space<vmem>>) semaphore(%run_scoped3A : memref<!tpu.dma_semaphore, #tpu.memory_space<semaphore_mem>>) {add = true}
        %dma_wait3A = arith.constant 0 : i32
        %dma_wait3A_26 = tpu.memref_slice %arg6[%add3A_20, %dma_wait3A] : memref<40x128xi32, #tpu.memory_space<vmem>> -> memref<1x128xi32, #tpu.memory_space<vmem>>
        %dma_wait3A_27 = tpu.memref_squeeze %dma_wait3A_26 : memref<1x128xi32, #tpu.memory_space<vmem>> -> memref<128xi32, #tpu.memory_space<vmem>>
        %dma_wait3A_28 = arith.constant 0 : i32
        %dma_wait3A_29 = arith.constant 0 : i32
        %dma_wait3A_30 = tpu.memref_slice %arg8[%dma_wait3A_28, %dma_wait3A_29] : memref<10240x16xf32, #tpu.memory_space<vmem_shared>> -> memref<10240x16xf32, #tpu.memory_space<vmem_shared>>
        tpu.wait_indirect_dma semaphore(%run_scoped3A : memref<!tpu.dma_semaphore, #tpu.memory_space<semaphore_mem>>) src(%arg7 : memref<128x16xf32, #tpu.memory_space<vmem>>) dst(%dma_wait3A_30 : memref<10240x16xf32, #tpu.memory_space<vmem_shared>>)
        tpu.yield
      }) : () -> ()
    }
    %scan3A_10 = arith.constant 40 : i32
    %barrier3A_11 = arith.constant 0 : index
    tpu.barrier barrier_id(%barrier3A_11)
    %mul3A_12 = arith.constant 640 : i32
    %mul3A_13 = arith.muli %arg1, %mul3A_12 : i32
    %mul3A_14 = arith.constant 640 : i32
    %mul3A_15 = arith.muli %arg1, %mul3A_14 : i32
    "tpu.region"() ({
      %run_scoped3A = tpu.sem_alloc : memref<!tpu.dma_semaphore, #tpu.memory_space<semaphore_mem>>
      %dma_start3A = arith.constant 0 : i32
      %dma_start3A_16 = tpu.memref_slice %arg5[%arg0, %mul3A_15, %dma_start3A] : memref<2x10240x16xf32, #tpu.memory_space<hbm>> -> memref<1x640x16xf32, #tpu.memory_space<hbm>>
      %dma_start3A_17 = tpu.memref_squeeze %dma_start3A_16 : memref<1x640x16xf32, #tpu.memory_space<hbm>> -> memref<640x16xf32, #tpu.memory_space<hbm>>
      %dma_start3A_18 = arith.constant 0 : i32
      %dma_start3A_19 = tpu.memref_slice %arg8[%mul3A_13, %dma_start3A_18] : memref<10240x16xf32, #tpu.memory_space<vmem_shared>> -> memref<640x16xf32, #tpu.memory_space<vmem_shared>>
      tpu.enqueue_dma source(%dma_start3A_19 : memref<640x16xf32, #tpu.memory_space<vmem_shared>>) target(%dma_start3A_17 : memref<640x16xf32, #tpu.memory_space<hbm>>) target_semaphore(%run_scoped3A : memref<!tpu.dma_semaphore, #tpu.memory_space<semaphore_mem>>)
      %dma_wait3A = arith.constant 0 : i32
      %dma_wait3A_20 = tpu.memref_slice %arg5[%arg0, %mul3A_15, %dma_wait3A] : memref<2x10240x16xf32, #tpu.memory_space<hbm>> -> memref<1x640x16xf32, #tpu.memory_space<hbm>>
      %dma_wait3A_21 = tpu.memref_squeeze %dma_wait3A_20 : memref<1x640x16xf32, #tpu.memory_space<hbm>> -> memref<640x16xf32, #tpu.memory_space<hbm>>
      %dma_wait3A_22 = arith.constant 0 : i32
      %dma_wait3A_23 = tpu.memref_slice %arg8[%mul3A_13, %dma_wait3A_22] : memref<10240x16xf32, #tpu.memory_space<vmem_shared>> -> memref<640x16xf32, #tpu.memory_space<vmem_shared>>
      tpu.wait_dma2 semaphore(%run_scoped3A : memref<!tpu.dma_semaphore, #tpu.memory_space<semaphore_mem>>) src(%dma_wait3A_23 : memref<640x16xf32, #tpu.memory_space<vmem_shared>>) dst(%dma_wait3A_21 : memref<640x16xf32, #tpu.memory_space<hbm>>)
      tpu.yield
    }) : () -> ()
    return
  }
}

#map = affine_map<(d0, d1) -> (0, 0)>
#map1 = affine_map<(d0, d1) -> (0, 0, 0)>
module attributes {stable_mosaic.version = 14 : i64} {
  func.func @scat_kernel(%arg0: i32, %arg1: i32, %arg2: memref<10000x128xf32, #tpu.memory_space<hbm>>, %arg3: memref<1280x128xi32, #tpu.memory_space<hbm>>, %arg4: memref<1280x128xi32, #tpu.memory_space<hbm>>, %arg5: memref<10240x128xf32, #tpu.memory_space<hbm>>, %arg6: memref<2x10240x128xf32, #tpu.memory_space<hbm>>, %arg7: memref<40x128xi32, #tpu.memory_space<vmem>>, %arg8: memref<40x128xi32, #tpu.memory_space<vmem>>, %arg9: memref<128x128xf32, #tpu.memory_space<vmem>>, %arg10: memref<128x128xf32, #tpu.memory_space<vmem>>, %arg11: memref<10240x128xf32, #tpu.memory_space<vmem_shared>>, %arg12: memref<!tpu.dma_semaphore, #tpu.memory_space<semaphore_mem>>, %arg13: memref<!tpu.dma_semaphore, #tpu.memory_space<semaphore_mem>>, %arg14: memref<!tpu.dma_semaphore, #tpu.memory_space<semaphore_mem>>, %arg15: memref<!tpu.dma_semaphore, #tpu.memory_space<semaphore_mem>>) attributes {dimension_semantics = [#tpu.dimension_semantics<core_parallel>, #tpu.dimension_semantics<subcore_parallel>], iteration_bounds = array<i64: 2, 16>, scalar_prefetch = 0 : i64, scratch_operands = 9 : i64, tpu.core_type = #tpu.core_type<sc_vector_subcore>, window_params = [{transform_indices = #map}, {transform_indices = #map}, {transform_indices = #map}, {transform_indices = #map}, {transform_indices = #map1}]} {
    %mul3A = arith.constant 2 : i32
    %mul3A_0 = arith.muli %arg1, %mul3A : i32
    %add3A = arith.addi %mul3A_0, %arg0 : i32
    %mul3A_1 = arith.constant 640 : i32
    %mul3A_2 = arith.muli %arg1, %mul3A_1 : i32
    %mul3A_3 = arith.constant 640 : i32
    %mul3A_4 = arith.muli %arg1, %mul3A_3 : i32
    "tpu.region"() ({
      %run_scoped3A = tpu.sem_alloc : memref<!tpu.dma_semaphore, #tpu.memory_space<semaphore_mem>>
      %dma_start3A = arith.constant 0 : i32
      %dma_start3A_18 = tpu.memref_slice %arg11[%mul3A_4, %dma_start3A] : memref<10240x128xf32, #tpu.memory_space<vmem_shared>> -> memref<640x128xf32, #tpu.memory_space<vmem_shared>>
      %dma_start3A_19 = arith.constant 0 : i32
      %dma_start3A_20 = tpu.memref_slice %arg5[%mul3A_2, %dma_start3A_19] : memref<10240x128xf32, #tpu.memory_space<hbm>> -> memref<640x128xf32, #tpu.memory_space<hbm>>
      tpu.enqueue_dma source(%dma_start3A_20 : memref<640x128xf32, #tpu.memory_space<hbm>>) target(%dma_start3A_18 : memref<640x128xf32, #tpu.memory_space<vmem_shared>>) target_semaphore(%run_scoped3A : memref<!tpu.dma_semaphore, #tpu.memory_space<semaphore_mem>>)
      %dma_wait3A = arith.constant 0 : i32
      %dma_wait3A_21 = tpu.memref_slice %arg11[%mul3A_4, %dma_wait3A] : memref<10240x128xf32, #tpu.memory_space<vmem_shared>> -> memref<640x128xf32, #tpu.memory_space<vmem_shared>>
      %dma_wait3A_22 = arith.constant 0 : i32
      %dma_wait3A_23 = tpu.memref_slice %arg5[%mul3A_2, %dma_wait3A_22] : memref<10240x128xf32, #tpu.memory_space<hbm>> -> memref<640x128xf32, #tpu.memory_space<hbm>>
      tpu.wait_dma2 semaphore(%run_scoped3A : memref<!tpu.dma_semaphore, #tpu.memory_space<semaphore_mem>>) src(%dma_wait3A_23 : memref<640x128xf32, #tpu.memory_space<hbm>>) dst(%dma_wait3A_21 : memref<640x128xf32, #tpu.memory_space<vmem_shared>>)
      tpu.yield
    }) : () -> ()
    %mul3A_5 = arith.constant 40 : i32
    %mul3A_6 = arith.muli %add3A, %mul3A_5 : i32
    "tpu.region"() ({
      %run_scoped3A = tpu.sem_alloc : memref<!tpu.dma_semaphore, #tpu.memory_space<semaphore_mem>>
      %dma_start3A = arith.constant 0 : i32
      %dma_start3A_18 = tpu.memref_slice %arg3[%mul3A_6, %dma_start3A] : memref<1280x128xi32, #tpu.memory_space<hbm>> -> memref<40x128xi32, #tpu.memory_space<hbm>>
      %dma_start3A_19 = arith.constant 0 : i32
      %dma_start3A_20 = tpu.memref_slice %arg3[%mul3A_6, %dma_start3A_19] : memref<1280x128xi32, #tpu.memory_space<hbm>> -> memref<40x128xi32, #tpu.memory_space<hbm>>
      tpu.enqueue_dma source(%dma_start3A_20 : memref<40x128xi32, #tpu.memory_space<hbm>>) target(%arg7 : memref<40x128xi32, #tpu.memory_space<vmem>>) target_semaphore(%run_scoped3A : memref<!tpu.dma_semaphore, #tpu.memory_space<semaphore_mem>>)
      %dma_wait3A = arith.constant 0 : i32
      %dma_wait3A_21 = tpu.memref_slice %arg3[%mul3A_6, %dma_wait3A] : memref<1280x128xi32, #tpu.memory_space<hbm>> -> memref<40x128xi32, #tpu.memory_space<hbm>>
      %dma_wait3A_22 = arith.constant 0 : i32
      %dma_wait3A_23 = tpu.memref_slice %arg3[%mul3A_6, %dma_wait3A_22] : memref<1280x128xi32, #tpu.memory_space<hbm>> -> memref<40x128xi32, #tpu.memory_space<hbm>>
      tpu.wait_dma2 semaphore(%run_scoped3A : memref<!tpu.dma_semaphore, #tpu.memory_space<semaphore_mem>>) src(%dma_wait3A_23 : memref<40x128xi32, #tpu.memory_space<hbm>>) dst(%arg7 : memref<40x128xi32, #tpu.memory_space<vmem>>)
      tpu.yield
    }) : () -> ()
    %mul3A_7 = arith.constant 40 : i32
    %mul3A_8 = arith.muli %add3A, %mul3A_7 : i32
    "tpu.region"() ({
      %run_scoped3A = tpu.sem_alloc : memref<!tpu.dma_semaphore, #tpu.memory_space<semaphore_mem>>
      %dma_start3A = arith.constant 0 : i32
      %dma_start3A_18 = tpu.memref_slice %arg4[%mul3A_8, %dma_start3A] : memref<1280x128xi32, #tpu.memory_space<hbm>> -> memref<40x128xi32, #tpu.memory_space<hbm>>
      %dma_start3A_19 = arith.constant 0 : i32
      %dma_start3A_20 = tpu.memref_slice %arg4[%mul3A_8, %dma_start3A_19] : memref<1280x128xi32, #tpu.memory_space<hbm>> -> memref<40x128xi32, #tpu.memory_space<hbm>>
      tpu.enqueue_dma source(%dma_start3A_20 : memref<40x128xi32, #tpu.memory_space<hbm>>) target(%arg8 : memref<40x128xi32, #tpu.memory_space<vmem>>) target_semaphore(%run_scoped3A : memref<!tpu.dma_semaphore, #tpu.memory_space<semaphore_mem>>)
      %dma_wait3A = arith.constant 0 : i32
      %dma_wait3A_21 = tpu.memref_slice %arg4[%mul3A_8, %dma_wait3A] : memref<1280x128xi32, #tpu.memory_space<hbm>> -> memref<40x128xi32, #tpu.memory_space<hbm>>
      %dma_wait3A_22 = arith.constant 0 : i32
      %dma_wait3A_23 = tpu.memref_slice %arg4[%mul3A_8, %dma_wait3A_22] : memref<1280x128xi32, #tpu.memory_space<hbm>> -> memref<40x128xi32, #tpu.memory_space<hbm>>
      tpu.wait_dma2 semaphore(%run_scoped3A : memref<!tpu.dma_semaphore, #tpu.memory_space<semaphore_mem>>) src(%dma_wait3A_23 : memref<40x128xi32, #tpu.memory_space<hbm>>) dst(%arg8 : memref<40x128xi32, #tpu.memory_space<vmem>>)
      tpu.yield
    }) : () -> ()
    %barrier3A = arith.constant 0 : index
    tpu.barrier barrier_id(%barrier3A)
    %scan3A = arith.constant 0 : i32
    %scan3A_9 = arith.constant 5 : i32
    %scan3A_10 = arith.addi %scan3A, %scan3A_9 : i32
    %scan3A_11 = arith.constant 1 : i32
    scf.for %scan3A_18 = %scan3A to %scan3A_10 step %scan3A_11  : i32 {
      %mul3A_19 = arith.constant 8 : i32
      %mul3A_20 = arith.muli %scan3A_18, %mul3A_19 : i32
      %add3A_21 = arith.constant 0 : i32
      %add3A_22 = arith.addi %add3A_21, %mul3A_20 : i32
      %dma_start3A = arith.constant 0 : i32
      %dma_start3A_23 = tpu.memref_slice %arg7[%add3A_22, %dma_start3A] : memref<40x128xi32, #tpu.memory_space<vmem>> -> memref<1x128xi32, #tpu.memory_space<vmem>>
      %dma_start3A_24 = tpu.memref_squeeze %dma_start3A_23 : memref<1x128xi32, #tpu.memory_space<vmem>> -> memref<128xi32, #tpu.memory_space<vmem>>
      %dma_start3A_25 = arith.constant 0 : i32
      %dma_start3A_26 = arith.constant 0 : i32
      %dma_start3A_27 = tpu.memref_slice %arg11[%dma_start3A_25, %dma_start3A_26] : memref<10240x128xf32, #tpu.memory_space<vmem_shared>> -> memref<10240x128xf32, #tpu.memory_space<vmem_shared>>
      tpu.enqueue_indirect_dma source(%dma_start3A_27 : memref<10240x128xf32, #tpu.memory_space<vmem_shared>>) target(%arg9 : memref<128x128xf32, #tpu.memory_space<vmem>>) offsets(%dma_start3A_24 : memref<128xi32, #tpu.memory_space<vmem>>) semaphore(%arg12 : memref<!tpu.dma_semaphore, #tpu.memory_space<semaphore_mem>>)
      %add3A_28 = arith.constant 0 : i32
      %add3A_29 = arith.addi %add3A_22, %add3A_28 : i32
      %add3A_30 = arith.constant 1 : i32
      %add3A_31 = arith.addi %add3A_29, %add3A_30 : i32
      %dma_start3A_32 = arith.constant 0 : i32
      %dma_start3A_33 = tpu.memref_slice %arg7[%add3A_31, %dma_start3A_32] : memref<40x128xi32, #tpu.memory_space<vmem>> -> memref<1x128xi32, #tpu.memory_space<vmem>>
      %dma_start3A_34 = tpu.memref_squeeze %dma_start3A_33 : memref<1x128xi32, #tpu.memory_space<vmem>> -> memref<128xi32, #tpu.memory_space<vmem>>
      %dma_start3A_35 = arith.constant 0 : i32
      %dma_start3A_36 = arith.constant 0 : i32
      %dma_start3A_37 = tpu.memref_slice %arg11[%dma_start3A_35, %dma_start3A_36] : memref<10240x128xf32, #tpu.memory_space<vmem_shared>> -> memref<10240x128xf32, #tpu.memory_space<vmem_shared>>
      tpu.enqueue_indirect_dma source(%dma_start3A_37 : memref<10240x128xf32, #tpu.memory_space<vmem_shared>>) target(%arg10 : memref<128x128xf32, #tpu.memory_space<vmem>>) offsets(%dma_start3A_34 : memref<128xi32, #tpu.memory_space<vmem>>) semaphore(%arg13 : memref<!tpu.dma_semaphore, #tpu.memory_space<semaphore_mem>>)
      %dma_wait3A = arith.constant 0 : i32
      %dma_wait3A_38 = tpu.memref_slice %arg7[%add3A_22, %dma_wait3A] : memref<40x128xi32, #tpu.memory_space<vmem>> -> memref<1x128xi32, #tpu.memory_space<vmem>>
      %dma_wait3A_39 = tpu.memref_squeeze %dma_wait3A_38 : memref<1x128xi32, #tpu.memory_space<vmem>> -> memref<128xi32, #tpu.memory_space<vmem>>
      %dma_wait3A_40 = arith.constant 0 : i32
      %dma_wait3A_41 = arith.constant 0 : i32
      %dma_wait3A_42 = tpu.memref_slice %arg11[%dma_wait3A_40, %dma_wait3A_41] : memref<10240x128xf32, #tpu.memory_space<vmem_shared>> -> memref<10240x128xf32, #tpu.memory_space<vmem_shared>>
      tpu.wait_indirect_dma semaphore(%arg12 : memref<!tpu.dma_semaphore, #tpu.memory_space<semaphore_mem>>) src(%dma_wait3A_42 : memref<10240x128xf32, #tpu.memory_space<vmem_shared>>) dst(%arg9 : memref<128x128xf32, #tpu.memory_space<vmem>>)
      %add3A_43 = arith.constant 1 : i32
      %add3A_44 = arith.addi %add3A_22, %add3A_43 : i32
      %add3A_45 = arith.constant 1 : i32
      %add3A_46 = arith.addi %add3A_44, %add3A_45 : i32
      %dma_start3A_47 = arith.constant 0 : i32
      %dma_start3A_48 = tpu.memref_slice %arg7[%add3A_46, %dma_start3A_47] : memref<40x128xi32, #tpu.memory_space<vmem>> -> memref<1x128xi32, #tpu.memory_space<vmem>>
      %dma_start3A_49 = tpu.memref_squeeze %dma_start3A_48 : memref<1x128xi32, #tpu.memory_space<vmem>> -> memref<128xi32, #tpu.memory_space<vmem>>
      %dma_start3A_50 = arith.constant 0 : i32
      %dma_start3A_51 = arith.constant 0 : i32
      %dma_start3A_52 = tpu.memref_slice %arg11[%dma_start3A_50, %dma_start3A_51] : memref<10240x128xf32, #tpu.memory_space<vmem_shared>> -> memref<10240x128xf32, #tpu.memory_space<vmem_shared>>
      tpu.enqueue_indirect_dma source(%dma_start3A_52 : memref<10240x128xf32, #tpu.memory_space<vmem_shared>>) target(%arg9 : memref<128x128xf32, #tpu.memory_space<vmem>>) offsets(%dma_start3A_49 : memref<128xi32, #tpu.memory_space<vmem>>) semaphore(%arg12 : memref<!tpu.dma_semaphore, #tpu.memory_space<semaphore_mem>>)
      %dma_wait3A_53 = arith.constant 0 : i32
      %dma_wait3A_54 = tpu.memref_slice %arg7[%add3A_31, %dma_wait3A_53] : memref<40x128xi32, #tpu.memory_space<vmem>> -> memref<1x128xi32, #tpu.memory_space<vmem>>
      %dma_wait3A_55 = tpu.memref_squeeze %dma_wait3A_54 : memref<1x128xi32, #tpu.memory_space<vmem>> -> memref<128xi32, #tpu.memory_space<vmem>>
      %dma_wait3A_56 = arith.constant 0 : i32
      %dma_wait3A_57 = arith.constant 0 : i32
      %dma_wait3A_58 = tpu.memref_slice %arg11[%dma_wait3A_56, %dma_wait3A_57] : memref<10240x128xf32, #tpu.memory_space<vmem_shared>> -> memref<10240x128xf32, #tpu.memory_space<vmem_shared>>
      tpu.wait_indirect_dma semaphore(%arg13 : memref<!tpu.dma_semaphore, #tpu.memory_space<semaphore_mem>>) src(%dma_wait3A_58 : memref<10240x128xf32, #tpu.memory_space<vmem_shared>>) dst(%arg10 : memref<128x128xf32, #tpu.memory_space<vmem>>)
      %add3A_59 = arith.constant 2 : i32
      %add3A_60 = arith.addi %add3A_22, %add3A_59 : i32
      %add3A_61 = arith.constant 1 : i32
      %add3A_62 = arith.addi %add3A_60, %add3A_61 : i32
      %dma_start3A_63 = arith.constant 0 : i32
      %dma_start3A_64 = tpu.memref_slice %arg7[%add3A_62, %dma_start3A_63] : memref<40x128xi32, #tpu.memory_space<vmem>> -> memref<1x128xi32, #tpu.memory_space<vmem>>
      %dma_start3A_65 = tpu.memref_squeeze %dma_start3A_64 : memref<1x128xi32, #tpu.memory_space<vmem>> -> memref<128xi32, #tpu.memory_space<vmem>>
      %dma_start3A_66 = arith.constant 0 : i32
      %dma_start3A_67 = arith.constant 0 : i32
      %dma_start3A_68 = tpu.memref_slice %arg11[%dma_start3A_66, %dma_start3A_67] : memref<10240x128xf32, #tpu.memory_space<vmem_shared>> -> memref<10240x128xf32, #tpu.memory_space<vmem_shared>>
      tpu.enqueue_indirect_dma source(%dma_start3A_68 : memref<10240x128xf32, #tpu.memory_space<vmem_shared>>) target(%arg10 : memref<128x128xf32, #tpu.memory_space<vmem>>) offsets(%dma_start3A_65 : memref<128xi32, #tpu.memory_space<vmem>>) semaphore(%arg13 : memref<!tpu.dma_semaphore, #tpu.memory_space<semaphore_mem>>)
      %dma_wait3A_69 = arith.constant 0 : i32
      %dma_wait3A_70 = tpu.memref_slice %arg7[%add3A_46, %dma_wait3A_69] : memref<40x128xi32, #tpu.memory_space<vmem>> -> memref<1x128xi32, #tpu.memory_space<vmem>>
      %dma_wait3A_71 = tpu.memref_squeeze %dma_wait3A_70 : memref<1x128xi32, #tpu.memory_space<vmem>> -> memref<128xi32, #tpu.memory_space<vmem>>
      %dma_wait3A_72 = arith.constant 0 : i32
      %dma_wait3A_73 = arith.constant 0 : i32
      %dma_wait3A_74 = tpu.memref_slice %arg11[%dma_wait3A_72, %dma_wait3A_73] : memref<10240x128xf32, #tpu.memory_space<vmem_shared>> -> memref<10240x128xf32, #tpu.memory_space<vmem_shared>>
      tpu.wait_indirect_dma semaphore(%arg12 : memref<!tpu.dma_semaphore, #tpu.memory_space<semaphore_mem>>) src(%dma_wait3A_74 : memref<10240x128xf32, #tpu.memory_space<vmem_shared>>) dst(%arg9 : memref<128x128xf32, #tpu.memory_space<vmem>>)
      %add3A_75 = arith.constant 3 : i32
      %add3A_76 = arith.addi %add3A_22, %add3A_75 : i32
      %add3A_77 = arith.constant 1 : i32
      %add3A_78 = arith.addi %add3A_76, %add3A_77 : i32
      %dma_start3A_79 = arith.constant 0 : i32
      %dma_start3A_80 = tpu.memref_slice %arg7[%add3A_78, %dma_start3A_79] : memref<40x128xi32, #tpu.memory_space<vmem>> -> memref<1x128xi32, #tpu.memory_space<vmem>>
      %dma_start3A_81 = tpu.memref_squeeze %dma_start3A_80 : memref<1x128xi32, #tpu.memory_space<vmem>> -> memref<128xi32, #tpu.memory_space<vmem>>
      %dma_start3A_82 = arith.constant 0 : i32
      %dma_start3A_83 = arith.constant 0 : i32
      %dma_start3A_84 = tpu.memref_slice %arg11[%dma_start3A_82, %dma_start3A_83] : memref<10240x128xf32, #tpu.memory_space<vmem_shared>> -> memref<10240x128xf32, #tpu.memory_space<vmem_shared>>
      tpu.enqueue_indirect_dma source(%dma_start3A_84 : memref<10240x128xf32, #tpu.memory_space<vmem_shared>>) target(%arg9 : memref<128x128xf32, #tpu.memory_space<vmem>>) offsets(%dma_start3A_81 : memref<128xi32, #tpu.memory_space<vmem>>) semaphore(%arg12 : memref<!tpu.dma_semaphore, #tpu.memory_space<semaphore_mem>>)
      %dma_wait3A_85 = arith.constant 0 : i32
      %dma_wait3A_86 = tpu.memref_slice %arg7[%add3A_62, %dma_wait3A_85] : memref<40x128xi32, #tpu.memory_space<vmem>> -> memref<1x128xi32, #tpu.memory_space<vmem>>
      %dma_wait3A_87 = tpu.memref_squeeze %dma_wait3A_86 : memref<1x128xi32, #tpu.memory_space<vmem>> -> memref<128xi32, #tpu.memory_space<vmem>>
      %dma_wait3A_88 = arith.constant 0 : i32
      %dma_wait3A_89 = arith.constant 0 : i32
      %dma_wait3A_90 = tpu.memref_slice %arg11[%dma_wait3A_88, %dma_wait3A_89] : memref<10240x128xf32, #tpu.memory_space<vmem_shared>> -> memref<10240x128xf32, #tpu.memory_space<vmem_shared>>
      tpu.wait_indirect_dma semaphore(%arg13 : memref<!tpu.dma_semaphore, #tpu.memory_space<semaphore_mem>>) src(%dma_wait3A_90 : memref<10240x128xf32, #tpu.memory_space<vmem_shared>>) dst(%arg10 : memref<128x128xf32, #tpu.memory_space<vmem>>)
      %add3A_91 = arith.constant 4 : i32
      %add3A_92 = arith.addi %add3A_22, %add3A_91 : i32
      %add3A_93 = arith.constant 1 : i32
      %add3A_94 = arith.addi %add3A_92, %add3A_93 : i32
      %dma_start3A_95 = arith.constant 0 : i32
      %dma_start3A_96 = tpu.memref_slice %arg7[%add3A_94, %dma_start3A_95] : memref<40x128xi32, #tpu.memory_space<vmem>> -> memref<1x128xi32, #tpu.memory_space<vmem>>
      %dma_start3A_97 = tpu.memref_squeeze %dma_start3A_96 : memref<1x128xi32, #tpu.memory_space<vmem>> -> memref<128xi32, #tpu.memory_space<vmem>>
      %dma_start3A_98 = arith.constant 0 : i32
      %dma_start3A_99 = arith.constant 0 : i32
      %dma_start3A_100 = tpu.memref_slice %arg11[%dma_start3A_98, %dma_start3A_99] : memref<10240x128xf32, #tpu.memory_space<vmem_shared>> -> memref<10240x128xf32, #tpu.memory_space<vmem_shared>>
      tpu.enqueue_indirect_dma source(%dma_start3A_100 : memref<10240x128xf32, #tpu.memory_space<vmem_shared>>) target(%arg10 : memref<128x128xf32, #tpu.memory_space<vmem>>) offsets(%dma_start3A_97 : memref<128xi32, #tpu.memory_space<vmem>>) semaphore(%arg13 : memref<!tpu.dma_semaphore, #tpu.memory_space<semaphore_mem>>)
      %dma_wait3A_101 = arith.constant 0 : i32
      %dma_wait3A_102 = tpu.memref_slice %arg7[%add3A_78, %dma_wait3A_101] : memref<40x128xi32, #tpu.memory_space<vmem>> -> memref<1x128xi32, #tpu.memory_space<vmem>>
      %dma_wait3A_103 = tpu.memref_squeeze %dma_wait3A_102 : memref<1x128xi32, #tpu.memory_space<vmem>> -> memref<128xi32, #tpu.memory_space<vmem>>
      %dma_wait3A_104 = arith.constant 0 : i32
      %dma_wait3A_105 = arith.constant 0 : i32
      %dma_wait3A_106 = tpu.memref_slice %arg11[%dma_wait3A_104, %dma_wait3A_105] : memref<10240x128xf32, #tpu.memory_space<vmem_shared>> -> memref<10240x128xf32, #tpu.memory_space<vmem_shared>>
      tpu.wait_indirect_dma semaphore(%arg12 : memref<!tpu.dma_semaphore, #tpu.memory_space<semaphore_mem>>) src(%dma_wait3A_106 : memref<10240x128xf32, #tpu.memory_space<vmem_shared>>) dst(%arg9 : memref<128x128xf32, #tpu.memory_space<vmem>>)
      %add3A_107 = arith.constant 5 : i32
      %add3A_108 = arith.addi %add3A_22, %add3A_107 : i32
      %add3A_109 = arith.constant 1 : i32
      %add3A_110 = arith.addi %add3A_108, %add3A_109 : i32
      %dma_start3A_111 = arith.constant 0 : i32
      %dma_start3A_112 = tpu.memref_slice %arg7[%add3A_110, %dma_start3A_111] : memref<40x128xi32, #tpu.memory_space<vmem>> -> memref<1x128xi32, #tpu.memory_space<vmem>>
      %dma_start3A_113 = tpu.memref_squeeze %dma_start3A_112 : memref<1x128xi32, #tpu.memory_space<vmem>> -> memref<128xi32, #tpu.memory_space<vmem>>
      %dma_start3A_114 = arith.constant 0 : i32
      %dma_start3A_115 = arith.constant 0 : i32
      %dma_start3A_116 = tpu.memref_slice %arg11[%dma_start3A_114, %dma_start3A_115] : memref<10240x128xf32, #tpu.memory_space<vmem_shared>> -> memref<10240x128xf32, #tpu.memory_space<vmem_shared>>
      tpu.enqueue_indirect_dma source(%dma_start3A_116 : memref<10240x128xf32, #tpu.memory_space<vmem_shared>>) target(%arg9 : memref<128x128xf32, #tpu.memory_space<vmem>>) offsets(%dma_start3A_113 : memref<128xi32, #tpu.memory_space<vmem>>) semaphore(%arg12 : memref<!tpu.dma_semaphore, #tpu.memory_space<semaphore_mem>>)
      %dma_wait3A_117 = arith.constant 0 : i32
      %dma_wait3A_118 = tpu.memref_slice %arg7[%add3A_94, %dma_wait3A_117] : memref<40x128xi32, #tpu.memory_space<vmem>> -> memref<1x128xi32, #tpu.memory_space<vmem>>
      %dma_wait3A_119 = tpu.memref_squeeze %dma_wait3A_118 : memref<1x128xi32, #tpu.memory_space<vmem>> -> memref<128xi32, #tpu.memory_space<vmem>>
      %dma_wait3A_120 = arith.constant 0 : i32
      %dma_wait3A_121 = arith.constant 0 : i32
      %dma_wait3A_122 = tpu.memref_slice %arg11[%dma_wait3A_120, %dma_wait3A_121] : memref<10240x128xf32, #tpu.memory_space<vmem_shared>> -> memref<10240x128xf32, #tpu.memory_space<vmem_shared>>
      tpu.wait_indirect_dma semaphore(%arg13 : memref<!tpu.dma_semaphore, #tpu.memory_space<semaphore_mem>>) src(%dma_wait3A_122 : memref<10240x128xf32, #tpu.memory_space<vmem_shared>>) dst(%arg10 : memref<128x128xf32, #tpu.memory_space<vmem>>)
      %add3A_123 = arith.constant 6 : i32
      %add3A_124 = arith.addi %add3A_22, %add3A_123 : i32
      %add3A_125 = arith.constant 1 : i32
      %add3A_126 = arith.addi %add3A_124, %add3A_125 : i32
      %dma_start3A_127 = arith.constant 0 : i32
      %dma_start3A_128 = tpu.memref_slice %arg7[%add3A_126, %dma_start3A_127] : memref<40x128xi32, #tpu.memory_space<vmem>> -> memref<1x128xi32, #tpu.memory_space<vmem>>
      %dma_start3A_129 = tpu.memref_squeeze %dma_start3A_128 : memref<1x128xi32, #tpu.memory_space<vmem>> -> memref<128xi32, #tpu.memory_space<vmem>>
      %dma_start3A_130 = arith.constant 0 : i32
      %dma_start3A_131 = arith.constant 0 : i32
      %dma_start3A_132 = tpu.memref_slice %arg11[%dma_start3A_130, %dma_start3A_131] : memref<10240x128xf32, #tpu.memory_space<vmem_shared>> -> memref<10240x128xf32, #tpu.memory_space<vmem_shared>>
      tpu.enqueue_indirect_dma source(%dma_start3A_132 : memref<10240x128xf32, #tpu.memory_space<vmem_shared>>) target(%arg10 : memref<128x128xf32, #tpu.memory_space<vmem>>) offsets(%dma_start3A_129 : memref<128xi32, #tpu.memory_space<vmem>>) semaphore(%arg13 : memref<!tpu.dma_semaphore, #tpu.memory_space<semaphore_mem>>)
      %dma_wait3A_133 = arith.constant 0 : i32
      %dma_wait3A_134 = tpu.memref_slice %arg7[%add3A_110, %dma_wait3A_133] : memref<40x128xi32, #tpu.memory_space<vmem>> -> memref<1x128xi32, #tpu.memory_space<vmem>>
      %dma_wait3A_135 = tpu.memref_squeeze %dma_wait3A_134 : memref<1x128xi32, #tpu.memory_space<vmem>> -> memref<128xi32, #tpu.memory_space<vmem>>
      %dma_wait3A_136 = arith.constant 0 : i32
      %dma_wait3A_137 = arith.constant 0 : i32
      %dma_wait3A_138 = tpu.memref_slice %arg11[%dma_wait3A_136, %dma_wait3A_137] : memref<10240x128xf32, #tpu.memory_space<vmem_shared>> -> memref<10240x128xf32, #tpu.memory_space<vmem_shared>>
      tpu.wait_indirect_dma semaphore(%arg12 : memref<!tpu.dma_semaphore, #tpu.memory_space<semaphore_mem>>) src(%dma_wait3A_138 : memref<10240x128xf32, #tpu.memory_space<vmem_shared>>) dst(%arg9 : memref<128x128xf32, #tpu.memory_space<vmem>>)
      %dma_wait3A_139 = arith.constant 0 : i32
      %dma_wait3A_140 = tpu.memref_slice %arg7[%add3A_126, %dma_wait3A_139] : memref<40x128xi32, #tpu.memory_space<vmem>> -> memref<1x128xi32, #tpu.memory_space<vmem>>
      %dma_wait3A_141 = tpu.memref_squeeze %dma_wait3A_140 : memref<1x128xi32, #tpu.memory_space<vmem>> -> memref<128xi32, #tpu.memory_space<vmem>>
      %dma_wait3A_142 = arith.constant 0 : i32
      %dma_wait3A_143 = arith.constant 0 : i32
      %dma_wait3A_144 = tpu.memref_slice %arg11[%dma_wait3A_142, %dma_wait3A_143] : memref<10240x128xf32, #tpu.memory_space<vmem_shared>> -> memref<10240x128xf32, #tpu.memory_space<vmem_shared>>
      tpu.wait_indirect_dma semaphore(%arg13 : memref<!tpu.dma_semaphore, #tpu.memory_space<semaphore_mem>>) src(%dma_wait3A_144 : memref<10240x128xf32, #tpu.memory_space<vmem_shared>>) dst(%arg10 : memref<128x128xf32, #tpu.memory_space<vmem>>)
    }
    %scan3A_12 = arith.constant 5 : i32
    %barrier3A_13 = arith.constant 0 : index
    tpu.barrier barrier_id(%barrier3A_13)
    %mul3A_14 = arith.constant 640 : i32
    %mul3A_15 = arith.muli %arg1, %mul3A_14 : i32
    %mul3A_16 = arith.constant 640 : i32
    %mul3A_17 = arith.muli %arg1, %mul3A_16 : i32
    "tpu.region"() ({
      %run_scoped3A = tpu.sem_alloc : memref<!tpu.dma_semaphore, #tpu.memory_space<semaphore_mem>>
      %dma_start3A = arith.constant 0 : i32
      %dma_start3A_18 = tpu.memref_slice %arg6[%arg0, %mul3A_17, %dma_start3A] : memref<2x10240x128xf32, #tpu.memory_space<hbm>> -> memref<1x640x128xf32, #tpu.memory_space<hbm>>
      %dma_start3A_19 = tpu.memref_squeeze %dma_start3A_18 : memref<1x640x128xf32, #tpu.memory_space<hbm>> -> memref<640x128xf32, #tpu.memory_space<hbm>>
      %dma_start3A_20 = arith.constant 0 : i32
      %dma_start3A_21 = tpu.memref_slice %arg11[%mul3A_15, %dma_start3A_20] : memref<10240x128xf32, #tpu.memory_space<vmem_shared>> -> memref<640x128xf32, #tpu.memory_space<vmem_shared>>
      tpu.enqueue_dma source(%dma_start3A_21 : memref<640x128xf32, #tpu.memory_space<vmem_shared>>) target(%dma_start3A_19 : memref<640x128xf32, #tpu.memory_space<hbm>>) target_semaphore(%run_scoped3A : memref<!tpu.dma_semaphore, #tpu.memory_space<semaphore_mem>>)
      %dma_wait3A = arith.constant 0 : i32
      %dma_wait3A_22 = tpu.memref_slice %arg6[%arg0, %mul3A_17, %dma_wait3A] : memref<2x10240x128xf32, #tpu.memory_space<hbm>> -> memref<1x640x128xf32, #tpu.memory_space<hbm>>
      %dma_wait3A_23 = tpu.memref_squeeze %dma_wait3A_22 : memref<1x640x128xf32, #tpu.memory_space<hbm>> -> memref<640x128xf32, #tpu.memory_space<hbm>>
      %dma_wait3A_24 = arith.constant 0 : i32
      %dma_wait3A_25 = tpu.memref_slice %arg11[%mul3A_15, %dma_wait3A_24] : memref<10240x128xf32, #tpu.memory_space<vmem_shared>> -> memref<640x128xf32, #tpu.memory_space<vmem_shared>>
      tpu.wait_dma2 semaphore(%run_scoped3A : memref<!tpu.dma_semaphore, #tpu.memory_space<semaphore_mem>>) src(%dma_wait3A_25 : memref<640x128xf32, #tpu.memory_space<vmem_shared>>) dst(%dma_wait3A_23 : memref<640x128xf32, #tpu.memory_space<hbm>>)
      tpu.yield
    }) : () -> ()
    return
  }
}

#map = affine_map<(d0, d1) -> (0, 0)>
#map1 = affine_map<(d0, d1) -> (0, 0, 0)>
module attributes {stable_mosaic.version = 14 : i64} {
  func.func @scat_kernel(%arg0: i32, %arg1: i32, %arg2: memref<10000x128xf32, #tpu.memory_space<hbm>>, %arg3: memref<1280x128xi32, #tpu.memory_space<hbm>>, %arg4: memref<1280x128xi32, #tpu.memory_space<hbm>>, %arg5: memref<10240x128xf32, #tpu.memory_space<hbm>>, %arg6: memref<2x10240x128xf32, #tpu.memory_space<hbm>>, %arg7: memref<40x128xi32, #tpu.memory_space<vmem>>, %arg8: memref<40x128xi32, #tpu.memory_space<vmem>>, %arg9: memref<128x128xf32, #tpu.memory_space<vmem>>, %arg10: memref<128x128xf32, #tpu.memory_space<vmem>>, %arg11: memref<10240x128xf32, #tpu.memory_space<vmem_shared>>, %arg12: memref<!tpu.dma_semaphore, #tpu.memory_space<semaphore_mem>>, %arg13: memref<!tpu.dma_semaphore, #tpu.memory_space<semaphore_mem>>, %arg14: memref<!tpu.dma_semaphore, #tpu.memory_space<semaphore_mem>>, %arg15: memref<!tpu.dma_semaphore, #tpu.memory_space<semaphore_mem>>) attributes {dimension_semantics = [#tpu.dimension_semantics<core_parallel>, #tpu.dimension_semantics<subcore_parallel>], iteration_bounds = array<i64: 2, 16>, scalar_prefetch = 0 : i64, scratch_operands = 9 : i64, tpu.core_type = #tpu.core_type<sc_vector_subcore>, window_params = [{transform_indices = #map}, {transform_indices = #map}, {transform_indices = #map}, {transform_indices = #map}, {transform_indices = #map1}]} {
    %mul3A = arith.constant 2 : i32
    %mul3A_0 = arith.muli %arg1, %mul3A : i32
    %add3A = arith.addi %mul3A_0, %arg0 : i32
    %mul3A_1 = arith.constant 640 : i32
    %mul3A_2 = arith.muli %arg1, %mul3A_1 : i32
    %mul3A_3 = arith.constant 640 : i32
    %mul3A_4 = arith.muli %arg1, %mul3A_3 : i32
    "tpu.region"() ({
      %run_scoped3A = tpu.sem_alloc : memref<!tpu.dma_semaphore, #tpu.memory_space<semaphore_mem>>
      %dma_start3A = arith.constant 0 : i32
      %dma_start3A_18 = tpu.memref_slice %arg11[%mul3A_4, %dma_start3A] : memref<10240x128xf32, #tpu.memory_space<vmem_shared>> -> memref<640x128xf32, #tpu.memory_space<vmem_shared>>
      %dma_start3A_19 = arith.constant 0 : i32
      %dma_start3A_20 = tpu.memref_slice %arg5[%mul3A_2, %dma_start3A_19] : memref<10240x128xf32, #tpu.memory_space<hbm>> -> memref<640x128xf32, #tpu.memory_space<hbm>>
      tpu.enqueue_dma source(%dma_start3A_20 : memref<640x128xf32, #tpu.memory_space<hbm>>) target(%dma_start3A_18 : memref<640x128xf32, #tpu.memory_space<vmem_shared>>) target_semaphore(%run_scoped3A : memref<!tpu.dma_semaphore, #tpu.memory_space<semaphore_mem>>)
      %dma_wait3A = arith.constant 0 : i32
      %dma_wait3A_21 = tpu.memref_slice %arg11[%mul3A_4, %dma_wait3A] : memref<10240x128xf32, #tpu.memory_space<vmem_shared>> -> memref<640x128xf32, #tpu.memory_space<vmem_shared>>
      %dma_wait3A_22 = arith.constant 0 : i32
      %dma_wait3A_23 = tpu.memref_slice %arg5[%mul3A_2, %dma_wait3A_22] : memref<10240x128xf32, #tpu.memory_space<hbm>> -> memref<640x128xf32, #tpu.memory_space<hbm>>
      tpu.wait_dma2 semaphore(%run_scoped3A : memref<!tpu.dma_semaphore, #tpu.memory_space<semaphore_mem>>) src(%dma_wait3A_23 : memref<640x128xf32, #tpu.memory_space<hbm>>) dst(%dma_wait3A_21 : memref<640x128xf32, #tpu.memory_space<vmem_shared>>)
      tpu.yield
    }) : () -> ()
    %mul3A_5 = arith.constant 40 : i32
    %mul3A_6 = arith.muli %add3A, %mul3A_5 : i32
    "tpu.region"() ({
      %run_scoped3A = tpu.sem_alloc : memref<!tpu.dma_semaphore, #tpu.memory_space<semaphore_mem>>
      %dma_start3A = arith.constant 0 : i32
      %dma_start3A_18 = tpu.memref_slice %arg3[%mul3A_6, %dma_start3A] : memref<1280x128xi32, #tpu.memory_space<hbm>> -> memref<40x128xi32, #tpu.memory_space<hbm>>
      %dma_start3A_19 = arith.constant 0 : i32
      %dma_start3A_20 = tpu.memref_slice %arg3[%mul3A_6, %dma_start3A_19] : memref<1280x128xi32, #tpu.memory_space<hbm>> -> memref<40x128xi32, #tpu.memory_space<hbm>>
      tpu.enqueue_dma source(%dma_start3A_20 : memref<40x128xi32, #tpu.memory_space<hbm>>) target(%arg7 : memref<40x128xi32, #tpu.memory_space<vmem>>) target_semaphore(%run_scoped3A : memref<!tpu.dma_semaphore, #tpu.memory_space<semaphore_mem>>)
      %dma_wait3A = arith.constant 0 : i32
      %dma_wait3A_21 = tpu.memref_slice %arg3[%mul3A_6, %dma_wait3A] : memref<1280x128xi32, #tpu.memory_space<hbm>> -> memref<40x128xi32, #tpu.memory_space<hbm>>
      %dma_wait3A_22 = arith.constant 0 : i32
      %dma_wait3A_23 = tpu.memref_slice %arg3[%mul3A_6, %dma_wait3A_22] : memref<1280x128xi32, #tpu.memory_space<hbm>> -> memref<40x128xi32, #tpu.memory_space<hbm>>
      tpu.wait_dma2 semaphore(%run_scoped3A : memref<!tpu.dma_semaphore, #tpu.memory_space<semaphore_mem>>) src(%dma_wait3A_23 : memref<40x128xi32, #tpu.memory_space<hbm>>) dst(%arg7 : memref<40x128xi32, #tpu.memory_space<vmem>>)
      tpu.yield
    }) : () -> ()
    %mul3A_7 = arith.constant 40 : i32
    %mul3A_8 = arith.muli %add3A, %mul3A_7 : i32
    "tpu.region"() ({
      %run_scoped3A = tpu.sem_alloc : memref<!tpu.dma_semaphore, #tpu.memory_space<semaphore_mem>>
      %dma_start3A = arith.constant 0 : i32
      %dma_start3A_18 = tpu.memref_slice %arg4[%mul3A_8, %dma_start3A] : memref<1280x128xi32, #tpu.memory_space<hbm>> -> memref<40x128xi32, #tpu.memory_space<hbm>>
      %dma_start3A_19 = arith.constant 0 : i32
      %dma_start3A_20 = tpu.memref_slice %arg4[%mul3A_8, %dma_start3A_19] : memref<1280x128xi32, #tpu.memory_space<hbm>> -> memref<40x128xi32, #tpu.memory_space<hbm>>
      tpu.enqueue_dma source(%dma_start3A_20 : memref<40x128xi32, #tpu.memory_space<hbm>>) target(%arg8 : memref<40x128xi32, #tpu.memory_space<vmem>>) target_semaphore(%run_scoped3A : memref<!tpu.dma_semaphore, #tpu.memory_space<semaphore_mem>>)
      %dma_wait3A = arith.constant 0 : i32
      %dma_wait3A_21 = tpu.memref_slice %arg4[%mul3A_8, %dma_wait3A] : memref<1280x128xi32, #tpu.memory_space<hbm>> -> memref<40x128xi32, #tpu.memory_space<hbm>>
      %dma_wait3A_22 = arith.constant 0 : i32
      %dma_wait3A_23 = tpu.memref_slice %arg4[%mul3A_8, %dma_wait3A_22] : memref<1280x128xi32, #tpu.memory_space<hbm>> -> memref<40x128xi32, #tpu.memory_space<hbm>>
      tpu.wait_dma2 semaphore(%run_scoped3A : memref<!tpu.dma_semaphore, #tpu.memory_space<semaphore_mem>>) src(%dma_wait3A_23 : memref<40x128xi32, #tpu.memory_space<hbm>>) dst(%arg8 : memref<40x128xi32, #tpu.memory_space<vmem>>)
      tpu.yield
    }) : () -> ()
    %barrier3A = arith.constant 0 : index
    tpu.barrier barrier_id(%barrier3A)
    %scan3A = arith.constant 0 : i32
    %scan3A_9 = arith.constant 5 : i32
    %scan3A_10 = arith.addi %scan3A, %scan3A_9 : i32
    %scan3A_11 = arith.constant 1 : i32
    scf.for %scan3A_18 = %scan3A to %scan3A_10 step %scan3A_11  : i32 {
      %mul3A_19 = arith.constant 8 : i32
      %mul3A_20 = arith.muli %scan3A_18, %mul3A_19 : i32
      %add3A_21 = arith.constant 0 : i32
      %add3A_22 = arith.addi %add3A_21, %mul3A_20 : i32
      %dma_start3A = arith.constant 0 : i32
      %dma_start3A_23 = tpu.memref_slice %arg7[%add3A_22, %dma_start3A] : memref<40x128xi32, #tpu.memory_space<vmem>> -> memref<1x128xi32, #tpu.memory_space<vmem>>
      %dma_start3A_24 = tpu.memref_squeeze %dma_start3A_23 : memref<1x128xi32, #tpu.memory_space<vmem>> -> memref<128xi32, #tpu.memory_space<vmem>>
      %dma_start3A_25 = arith.constant 0 : i32
      %dma_start3A_26 = arith.constant 0 : i32
      %dma_start3A_27 = tpu.memref_slice %arg11[%dma_start3A_25, %dma_start3A_26] : memref<10240x128xf32, #tpu.memory_space<vmem_shared>> -> memref<10240x128xf32, #tpu.memory_space<vmem_shared>>
      tpu.enqueue_indirect_dma source(%dma_start3A_27 : memref<10240x128xf32, #tpu.memory_space<vmem_shared>>) target(%arg9 : memref<128x128xf32, #tpu.memory_space<vmem>>) offsets(%dma_start3A_24 : memref<128xi32, #tpu.memory_space<vmem>>) semaphore(%arg12 : memref<!tpu.dma_semaphore, #tpu.memory_space<semaphore_mem>>)
      %add3A_28 = arith.constant 0 : i32
      %add3A_29 = arith.addi %add3A_22, %add3A_28 : i32
      %add3A_30 = arith.constant 1 : i32
      %add3A_31 = arith.addi %add3A_29, %add3A_30 : i32
      %dma_start3A_32 = arith.constant 0 : i32
      %dma_start3A_33 = tpu.memref_slice %arg7[%add3A_31, %dma_start3A_32] : memref<40x128xi32, #tpu.memory_space<vmem>> -> memref<1x128xi32, #tpu.memory_space<vmem>>
      %dma_start3A_34 = tpu.memref_squeeze %dma_start3A_33 : memref<1x128xi32, #tpu.memory_space<vmem>> -> memref<128xi32, #tpu.memory_space<vmem>>
      %dma_start3A_35 = arith.constant 0 : i32
      %dma_start3A_36 = arith.constant 0 : i32
      %dma_start3A_37 = tpu.memref_slice %arg11[%dma_start3A_35, %dma_start3A_36] : memref<10240x128xf32, #tpu.memory_space<vmem_shared>> -> memref<10240x128xf32, #tpu.memory_space<vmem_shared>>
      tpu.enqueue_indirect_dma source(%dma_start3A_37 : memref<10240x128xf32, #tpu.memory_space<vmem_shared>>) target(%arg10 : memref<128x128xf32, #tpu.memory_space<vmem>>) offsets(%dma_start3A_34 : memref<128xi32, #tpu.memory_space<vmem>>) semaphore(%arg13 : memref<!tpu.dma_semaphore, #tpu.memory_space<semaphore_mem>>)
      %dma_wait3A = arith.constant 0 : i32
      %dma_wait3A_38 = tpu.memref_slice %arg7[%add3A_22, %dma_wait3A] : memref<40x128xi32, #tpu.memory_space<vmem>> -> memref<1x128xi32, #tpu.memory_space<vmem>>
      %dma_wait3A_39 = tpu.memref_squeeze %dma_wait3A_38 : memref<1x128xi32, #tpu.memory_space<vmem>> -> memref<128xi32, #tpu.memory_space<vmem>>
      %dma_wait3A_40 = arith.constant 0 : i32
      %dma_wait3A_41 = arith.constant 0 : i32
      %dma_wait3A_42 = tpu.memref_slice %arg11[%dma_wait3A_40, %dma_wait3A_41] : memref<10240x128xf32, #tpu.memory_space<vmem_shared>> -> memref<10240x128xf32, #tpu.memory_space<vmem_shared>>
      tpu.wait_indirect_dma semaphore(%arg12 : memref<!tpu.dma_semaphore, #tpu.memory_space<semaphore_mem>>) src(%dma_wait3A_42 : memref<10240x128xf32, #tpu.memory_space<vmem_shared>>) dst(%arg9 : memref<128x128xf32, #tpu.memory_space<vmem>>)
      %add3A_43 = arith.constant 1 : i32
      %add3A_44 = arith.addi %add3A_22, %add3A_43 : i32
      %add3A_45 = arith.constant 1 : i32
      %add3A_46 = arith.addi %add3A_44, %add3A_45 : i32
      %dma_start3A_47 = arith.constant 0 : i32
      %dma_start3A_48 = tpu.memref_slice %arg7[%add3A_46, %dma_start3A_47] : memref<40x128xi32, #tpu.memory_space<vmem>> -> memref<1x128xi32, #tpu.memory_space<vmem>>
      %dma_start3A_49 = tpu.memref_squeeze %dma_start3A_48 : memref<1x128xi32, #tpu.memory_space<vmem>> -> memref<128xi32, #tpu.memory_space<vmem>>
      %dma_start3A_50 = arith.constant 0 : i32
      %dma_start3A_51 = arith.constant 0 : i32
      %dma_start3A_52 = tpu.memref_slice %arg11[%dma_start3A_50, %dma_start3A_51] : memref<10240x128xf32, #tpu.memory_space<vmem_shared>> -> memref<10240x128xf32, #tpu.memory_space<vmem_shared>>
      tpu.enqueue_indirect_dma source(%dma_start3A_52 : memref<10240x128xf32, #tpu.memory_space<vmem_shared>>) target(%arg9 : memref<128x128xf32, #tpu.memory_space<vmem>>) offsets(%dma_start3A_49 : memref<128xi32, #tpu.memory_space<vmem>>) semaphore(%arg12 : memref<!tpu.dma_semaphore, #tpu.memory_space<semaphore_mem>>)
      %dma_wait3A_53 = arith.constant 0 : i32
      %dma_wait3A_54 = tpu.memref_slice %arg7[%add3A_31, %dma_wait3A_53] : memref<40x128xi32, #tpu.memory_space<vmem>> -> memref<1x128xi32, #tpu.memory_space<vmem>>
      %dma_wait3A_55 = tpu.memref_squeeze %dma_wait3A_54 : memref<1x128xi32, #tpu.memory_space<vmem>> -> memref<128xi32, #tpu.memory_space<vmem>>
      %dma_wait3A_56 = arith.constant 0 : i32
      %dma_wait3A_57 = arith.constant 0 : i32
      %dma_wait3A_58 = tpu.memref_slice %arg11[%dma_wait3A_56, %dma_wait3A_57] : memref<10240x128xf32, #tpu.memory_space<vmem_shared>> -> memref<10240x128xf32, #tpu.memory_space<vmem_shared>>
      tpu.wait_indirect_dma semaphore(%arg13 : memref<!tpu.dma_semaphore, #tpu.memory_space<semaphore_mem>>) src(%dma_wait3A_58 : memref<10240x128xf32, #tpu.memory_space<vmem_shared>>) dst(%arg10 : memref<128x128xf32, #tpu.memory_space<vmem>>)
      %add3A_59 = arith.constant 2 : i32
      %add3A_60 = arith.addi %add3A_22, %add3A_59 : i32
      %add3A_61 = arith.constant 1 : i32
      %add3A_62 = arith.addi %add3A_60, %add3A_61 : i32
      %dma_start3A_63 = arith.constant 0 : i32
      %dma_start3A_64 = tpu.memref_slice %arg7[%add3A_62, %dma_start3A_63] : memref<40x128xi32, #tpu.memory_space<vmem>> -> memref<1x128xi32, #tpu.memory_space<vmem>>
      %dma_start3A_65 = tpu.memref_squeeze %dma_start3A_64 : memref<1x128xi32, #tpu.memory_space<vmem>> -> memref<128xi32, #tpu.memory_space<vmem>>
      %dma_start3A_66 = arith.constant 0 : i32
      %dma_start3A_67 = arith.constant 0 : i32
      %dma_start3A_68 = tpu.memref_slice %arg11[%dma_start3A_66, %dma_start3A_67] : memref<10240x128xf32, #tpu.memory_space<vmem_shared>> -> memref<10240x128xf32, #tpu.memory_space<vmem_shared>>
      tpu.enqueue_indirect_dma source(%dma_start3A_68 : memref<10240x128xf32, #tpu.memory_space<vmem_shared>>) target(%arg10 : memref<128x128xf32, #tpu.memory_space<vmem>>) offsets(%dma_start3A_65 : memref<128xi32, #tpu.memory_space<vmem>>) semaphore(%arg13 : memref<!tpu.dma_semaphore, #tpu.memory_space<semaphore_mem>>)
      %dma_wait3A_69 = arith.constant 0 : i32
      %dma_wait3A_70 = tpu.memref_slice %arg7[%add3A_46, %dma_wait3A_69] : memref<40x128xi32, #tpu.memory_space<vmem>> -> memref<1x128xi32, #tpu.memory_space<vmem>>
      %dma_wait3A_71 = tpu.memref_squeeze %dma_wait3A_70 : memref<1x128xi32, #tpu.memory_space<vmem>> -> memref<128xi32, #tpu.memory_space<vmem>>
      %dma_wait3A_72 = arith.constant 0 : i32
      %dma_wait3A_73 = arith.constant 0 : i32
      %dma_wait3A_74 = tpu.memref_slice %arg11[%dma_wait3A_72, %dma_wait3A_73] : memref<10240x128xf32, #tpu.memory_space<vmem_shared>> -> memref<10240x128xf32, #tpu.memory_space<vmem_shared>>
      tpu.wait_indirect_dma semaphore(%arg12 : memref<!tpu.dma_semaphore, #tpu.memory_space<semaphore_mem>>) src(%dma_wait3A_74 : memref<10240x128xf32, #tpu.memory_space<vmem_shared>>) dst(%arg9 : memref<128x128xf32, #tpu.memory_space<vmem>>)
      %add3A_75 = arith.constant 3 : i32
      %add3A_76 = arith.addi %add3A_22, %add3A_75 : i32
      %add3A_77 = arith.constant 1 : i32
      %add3A_78 = arith.addi %add3A_76, %add3A_77 : i32
      %dma_start3A_79 = arith.constant 0 : i32
      %dma_start3A_80 = tpu.memref_slice %arg7[%add3A_78, %dma_start3A_79] : memref<40x128xi32, #tpu.memory_space<vmem>> -> memref<1x128xi32, #tpu.memory_space<vmem>>
      %dma_start3A_81 = tpu.memref_squeeze %dma_start3A_80 : memref<1x128xi32, #tpu.memory_space<vmem>> -> memref<128xi32, #tpu.memory_space<vmem>>
      %dma_start3A_82 = arith.constant 0 : i32
      %dma_start3A_83 = arith.constant 0 : i32
      %dma_start3A_84 = tpu.memref_slice %arg11[%dma_start3A_82, %dma_start3A_83] : memref<10240x128xf32, #tpu.memory_space<vmem_shared>> -> memref<10240x128xf32, #tpu.memory_space<vmem_shared>>
      tpu.enqueue_indirect_dma source(%dma_start3A_84 : memref<10240x128xf32, #tpu.memory_space<vmem_shared>>) target(%arg9 : memref<128x128xf32, #tpu.memory_space<vmem>>) offsets(%dma_start3A_81 : memref<128xi32, #tpu.memory_space<vmem>>) semaphore(%arg12 : memref<!tpu.dma_semaphore, #tpu.memory_space<semaphore_mem>>)
      %dma_wait3A_85 = arith.constant 0 : i32
      %dma_wait3A_86 = tpu.memref_slice %arg7[%add3A_62, %dma_wait3A_85] : memref<40x128xi32, #tpu.memory_space<vmem>> -> memref<1x128xi32, #tpu.memory_space<vmem>>
      %dma_wait3A_87 = tpu.memref_squeeze %dma_wait3A_86 : memref<1x128xi32, #tpu.memory_space<vmem>> -> memref<128xi32, #tpu.memory_space<vmem>>
      %dma_wait3A_88 = arith.constant 0 : i32
      %dma_wait3A_89 = arith.constant 0 : i32
      %dma_wait3A_90 = tpu.memref_slice %arg11[%dma_wait3A_88, %dma_wait3A_89] : memref<10240x128xf32, #tpu.memory_space<vmem_shared>> -> memref<10240x128xf32, #tpu.memory_space<vmem_shared>>
      tpu.wait_indirect_dma semaphore(%arg13 : memref<!tpu.dma_semaphore, #tpu.memory_space<semaphore_mem>>) src(%dma_wait3A_90 : memref<10240x128xf32, #tpu.memory_space<vmem_shared>>) dst(%arg10 : memref<128x128xf32, #tpu.memory_space<vmem>>)
      %add3A_91 = arith.constant 4 : i32
      %add3A_92 = arith.addi %add3A_22, %add3A_91 : i32
      %add3A_93 = arith.constant 1 : i32
      %add3A_94 = arith.addi %add3A_92, %add3A_93 : i32
      %dma_start3A_95 = arith.constant 0 : i32
      %dma_start3A_96 = tpu.memref_slice %arg7[%add3A_94, %dma_start3A_95] : memref<40x128xi32, #tpu.memory_space<vmem>> -> memref<1x128xi32, #tpu.memory_space<vmem>>
      %dma_start3A_97 = tpu.memref_squeeze %dma_start3A_96 : memref<1x128xi32, #tpu.memory_space<vmem>> -> memref<128xi32, #tpu.memory_space<vmem>>
      %dma_start3A_98 = arith.constant 0 : i32
      %dma_start3A_99 = arith.constant 0 : i32
      %dma_start3A_100 = tpu.memref_slice %arg11[%dma_start3A_98, %dma_start3A_99] : memref<10240x128xf32, #tpu.memory_space<vmem_shared>> -> memref<10240x128xf32, #tpu.memory_space<vmem_shared>>
      tpu.enqueue_indirect_dma source(%dma_start3A_100 : memref<10240x128xf32, #tpu.memory_space<vmem_shared>>) target(%arg10 : memref<128x128xf32, #tpu.memory_space<vmem>>) offsets(%dma_start3A_97 : memref<128xi32, #tpu.memory_space<vmem>>) semaphore(%arg13 : memref<!tpu.dma_semaphore, #tpu.memory_space<semaphore_mem>>)
      %dma_wait3A_101 = arith.constant 0 : i32
      %dma_wait3A_102 = tpu.memref_slice %arg7[%add3A_78, %dma_wait3A_101] : memref<40x128xi32, #tpu.memory_space<vmem>> -> memref<1x128xi32, #tpu.memory_space<vmem>>
      %dma_wait3A_103 = tpu.memref_squeeze %dma_wait3A_102 : memref<1x128xi32, #tpu.memory_space<vmem>> -> memref<128xi32, #tpu.memory_space<vmem>>
      %dma_wait3A_104 = arith.constant 0 : i32
      %dma_wait3A_105 = arith.constant 0 : i32
      %dma_wait3A_106 = tpu.memref_slice %arg11[%dma_wait3A_104, %dma_wait3A_105] : memref<10240x128xf32, #tpu.memory_space<vmem_shared>> -> memref<10240x128xf32, #tpu.memory_space<vmem_shared>>
      tpu.wait_indirect_dma semaphore(%arg12 : memref<!tpu.dma_semaphore, #tpu.memory_space<semaphore_mem>>) src(%dma_wait3A_106 : memref<10240x128xf32, #tpu.memory_space<vmem_shared>>) dst(%arg9 : memref<128x128xf32, #tpu.memory_space<vmem>>)
      %add3A_107 = arith.constant 5 : i32
      %add3A_108 = arith.addi %add3A_22, %add3A_107 : i32
      %add3A_109 = arith.constant 1 : i32
      %add3A_110 = arith.addi %add3A_108, %add3A_109 : i32
      %dma_start3A_111 = arith.constant 0 : i32
      %dma_start3A_112 = tpu.memref_slice %arg7[%add3A_110, %dma_start3A_111] : memref<40x128xi32, #tpu.memory_space<vmem>> -> memref<1x128xi32, #tpu.memory_space<vmem>>
      %dma_start3A_113 = tpu.memref_squeeze %dma_start3A_112 : memref<1x128xi32, #tpu.memory_space<vmem>> -> memref<128xi32, #tpu.memory_space<vmem>>
      %dma_start3A_114 = arith.constant 0 : i32
      %dma_start3A_115 = arith.constant 0 : i32
      %dma_start3A_116 = tpu.memref_slice %arg11[%dma_start3A_114, %dma_start3A_115] : memref<10240x128xf32, #tpu.memory_space<vmem_shared>> -> memref<10240x128xf32, #tpu.memory_space<vmem_shared>>
      tpu.enqueue_indirect_dma source(%dma_start3A_116 : memref<10240x128xf32, #tpu.memory_space<vmem_shared>>) target(%arg9 : memref<128x128xf32, #tpu.memory_space<vmem>>) offsets(%dma_start3A_113 : memref<128xi32, #tpu.memory_space<vmem>>) semaphore(%arg12 : memref<!tpu.dma_semaphore, #tpu.memory_space<semaphore_mem>>)
      %dma_wait3A_117 = arith.constant 0 : i32
      %dma_wait3A_118 = tpu.memref_slice %arg7[%add3A_94, %dma_wait3A_117] : memref<40x128xi32, #tpu.memory_space<vmem>> -> memref<1x128xi32, #tpu.memory_space<vmem>>
      %dma_wait3A_119 = tpu.memref_squeeze %dma_wait3A_118 : memref<1x128xi32, #tpu.memory_space<vmem>> -> memref<128xi32, #tpu.memory_space<vmem>>
      %dma_wait3A_120 = arith.constant 0 : i32
      %dma_wait3A_121 = arith.constant 0 : i32
      %dma_wait3A_122 = tpu.memref_slice %arg11[%dma_wait3A_120, %dma_wait3A_121] : memref<10240x128xf32, #tpu.memory_space<vmem_shared>> -> memref<10240x128xf32, #tpu.memory_space<vmem_shared>>
      tpu.wait_indirect_dma semaphore(%arg13 : memref<!tpu.dma_semaphore, #tpu.memory_space<semaphore_mem>>) src(%dma_wait3A_122 : memref<10240x128xf32, #tpu.memory_space<vmem_shared>>) dst(%arg10 : memref<128x128xf32, #tpu.memory_space<vmem>>)
      %add3A_123 = arith.constant 6 : i32
      %add3A_124 = arith.addi %add3A_22, %add3A_123 : i32
      %add3A_125 = arith.constant 1 : i32
      %add3A_126 = arith.addi %add3A_124, %add3A_125 : i32
      %dma_start3A_127 = arith.constant 0 : i32
      %dma_start3A_128 = tpu.memref_slice %arg7[%add3A_126, %dma_start3A_127] : memref<40x128xi32, #tpu.memory_space<vmem>> -> memref<1x128xi32, #tpu.memory_space<vmem>>
      %dma_start3A_129 = tpu.memref_squeeze %dma_start3A_128 : memref<1x128xi32, #tpu.memory_space<vmem>> -> memref<128xi32, #tpu.memory_space<vmem>>
      %dma_start3A_130 = arith.constant 0 : i32
      %dma_start3A_131 = arith.constant 0 : i32
      %dma_start3A_132 = tpu.memref_slice %arg11[%dma_start3A_130, %dma_start3A_131] : memref<10240x128xf32, #tpu.memory_space<vmem_shared>> -> memref<10240x128xf32, #tpu.memory_space<vmem_shared>>
      tpu.enqueue_indirect_dma source(%dma_start3A_132 : memref<10240x128xf32, #tpu.memory_space<vmem_shared>>) target(%arg10 : memref<128x128xf32, #tpu.memory_space<vmem>>) offsets(%dma_start3A_129 : memref<128xi32, #tpu.memory_space<vmem>>) semaphore(%arg13 : memref<!tpu.dma_semaphore, #tpu.memory_space<semaphore_mem>>)
      %dma_wait3A_133 = arith.constant 0 : i32
      %dma_wait3A_134 = tpu.memref_slice %arg7[%add3A_110, %dma_wait3A_133] : memref<40x128xi32, #tpu.memory_space<vmem>> -> memref<1x128xi32, #tpu.memory_space<vmem>>
      %dma_wait3A_135 = tpu.memref_squeeze %dma_wait3A_134 : memref<1x128xi32, #tpu.memory_space<vmem>> -> memref<128xi32, #tpu.memory_space<vmem>>
      %dma_wait3A_136 = arith.constant 0 : i32
      %dma_wait3A_137 = arith.constant 0 : i32
      %dma_wait3A_138 = tpu.memref_slice %arg11[%dma_wait3A_136, %dma_wait3A_137] : memref<10240x128xf32, #tpu.memory_space<vmem_shared>> -> memref<10240x128xf32, #tpu.memory_space<vmem_shared>>
      tpu.wait_indirect_dma semaphore(%arg12 : memref<!tpu.dma_semaphore, #tpu.memory_space<semaphore_mem>>) src(%dma_wait3A_138 : memref<10240x128xf32, #tpu.memory_space<vmem_shared>>) dst(%arg9 : memref<128x128xf32, #tpu.memory_space<vmem>>)
      %dma_wait3A_139 = arith.constant 0 : i32
      %dma_wait3A_140 = tpu.memref_slice %arg7[%add3A_126, %dma_wait3A_139] : memref<40x128xi32, #tpu.memory_space<vmem>> -> memref<1x128xi32, #tpu.memory_space<vmem>>
      %dma_wait3A_141 = tpu.memref_squeeze %dma_wait3A_140 : memref<1x128xi32, #tpu.memory_space<vmem>> -> memref<128xi32, #tpu.memory_space<vmem>>
      %dma_wait3A_142 = arith.constant 0 : i32
      %dma_wait3A_143 = arith.constant 0 : i32
      %dma_wait3A_144 = tpu.memref_slice %arg11[%dma_wait3A_142, %dma_wait3A_143] : memref<10240x128xf32, #tpu.memory_space<vmem_shared>> -> memref<10240x128xf32, #tpu.memory_space<vmem_shared>>
      tpu.wait_indirect_dma semaphore(%arg13 : memref<!tpu.dma_semaphore, #tpu.memory_space<semaphore_mem>>) src(%dma_wait3A_144 : memref<10240x128xf32, #tpu.memory_space<vmem_shared>>) dst(%arg10 : memref<128x128xf32, #tpu.memory_space<vmem>>)
    }
    %scan3A_12 = arith.constant 5 : i32
    %barrier3A_13 = arith.constant 0 : index
    tpu.barrier barrier_id(%barrier3A_13)
    %mul3A_14 = arith.constant 640 : i32
    %mul3A_15 = arith.muli %arg1, %mul3A_14 : i32
    %mul3A_16 = arith.constant 640 : i32
    %mul3A_17 = arith.muli %arg1, %mul3A_16 : i32
    "tpu.region"() ({
      %run_scoped3A = tpu.sem_alloc : memref<!tpu.dma_semaphore, #tpu.memory_space<semaphore_mem>>
      %dma_start3A = arith.constant 0 : i32
      %dma_start3A_18 = tpu.memref_slice %arg6[%arg0, %mul3A_17, %dma_start3A] : memref<2x10240x128xf32, #tpu.memory_space<hbm>> -> memref<1x640x128xf32, #tpu.memory_space<hbm>>
      %dma_start3A_19 = tpu.memref_squeeze %dma_start3A_18 : memref<1x640x128xf32, #tpu.memory_space<hbm>> -> memref<640x128xf32, #tpu.memory_space<hbm>>
      %dma_start3A_20 = arith.constant 0 : i32
      %dma_start3A_21 = tpu.memref_slice %arg11[%mul3A_15, %dma_start3A_20] : memref<10240x128xf32, #tpu.memory_space<vmem_shared>> -> memref<640x128xf32, #tpu.memory_space<vmem_shared>>
      tpu.enqueue_dma source(%dma_start3A_21 : memref<640x128xf32, #tpu.memory_space<vmem_shared>>) target(%dma_start3A_19 : memref<640x128xf32, #tpu.memory_space<hbm>>) target_semaphore(%run_scoped3A : memref<!tpu.dma_semaphore, #tpu.memory_space<semaphore_mem>>)
      %dma_wait3A = arith.constant 0 : i32
      %dma_wait3A_22 = tpu.memref_slice %arg6[%arg0, %mul3A_17, %dma_wait3A] : memref<2x10240x128xf32, #tpu.memory_space<hbm>> -> memref<1x640x128xf32, #tpu.memory_space<hbm>>
      %dma_wait3A_23 = tpu.memref_squeeze %dma_wait3A_22 : memref<1x640x128xf32, #tpu.memory_space<hbm>> -> memref<640x128xf32, #tpu.memory_space<hbm>>
      %dma_wait3A_24 = arith.constant 0 : i32
      %dma_wait3A_25 = tpu.memref_slice %arg11[%mul3A_15, %dma_wait3A_24] : memref<10240x128xf32, #tpu.memory_space<vmem_shared>> -> memref<640x128xf32, #tpu.memory_space<vmem_shared>>
      tpu.wait_dma2 semaphore(%run_scoped3A : memref<!tpu.dma_semaphore, #tpu.memory_space<semaphore_mem>>) src(%dma_wait3A_25 : memref<640x128xf32, #tpu.memory_space<vmem_shared>>) dst(%dma_wait3A_23 : memref<640x128xf32, #tpu.memory_space<hbm>>)
      tpu.yield
    }) : () -> ()
    return
  }
}

module attributes {stable_mosaic.version = 14 : i64} {
  func.func @body(%arg0: i32, %arg1: memref<1000x256xf32, #tpu.memory_space<vmem>>, %arg2: memref<256x128xf32, #tpu.memory_space<vmem>>, %arg3: memref<1000x128xf32, #tpu.memory_space<vmem>>) attributes {dimension_semantics = [#tpu.dimension_semantics<arbitrary>], iteration_bounds = array<i64: 10>, scalar_prefetch = 0 : i64, scratch_operands = 0 : i64, tpu.core_type = #tpu.core_type<tc>, window_params = [{transform_indices = @transform_0, window_bounds = array<i64: 1000, 256>}, {pipeline_mode = #tpu.pipeline_mode<synchronous>, transform_indices = @transform_1, window_bounds = array<i64: 256, 128>}, {transform_indices = @transform_2, window_bounds = array<i64: 1000, 128>}]} {
    %get3A = arith.constant 0 : index
    %get3A_0 = arith.constant 0 : index
    %get3A_1 = vector.load %arg1[%get3A, %get3A_0] : memref<1000x256xf32, #tpu.memory_space<vmem>>, vector<1000x256xf32>
    %get3A_2 = arith.constant 0 : index
    %get3A_3 = arith.constant 0 : index
    %get3A_4 = vector.load %arg2[%get3A_2, %get3A_3] : memref<256x128xf32, #tpu.memory_space<vmem>>, vector<256x128xf32>
    %dot_general3A = arith.constant dense<0.000000e+00> : vector<1000x128xf32>
    %dot_general3A_5 = tpu.matmul %get3A_1, %get3A_4, %dot_general3A {dimension_numbers = #tpu.dot_dimension_numbers<[1], [0], [0], [1], [0, 0, 1, 1], [], []>, transpose_lhs_hint = false} : vector<1000x256xf32>, vector<256x128xf32>, vector<1000x128xf32> -> vector<1000x128xf32>
    %swap3A = arith.constant 0 : index
    %swap3A_6 = arith.constant 0 : index
    %swap3A_7 = vector.load %arg3[%swap3A, %swap3A_6] : memref<1000x128xf32, #tpu.memory_space<vmem>>, vector<1000x128xf32>
    tpu.vector_store %arg3[%swap3A, %swap3A_6], %dot_general3A_5 {strides = array<i32>} : memref<1000x128xf32, #tpu.memory_space<vmem>>, vector<1000x128xf32>,
    return
  }
  func.func @transform_0(%arg0: i32) -> (i32, i32) {
    %c0_i32 = arith.constant 0 : i32
    %c0_i32_0 = arith.constant 0 : i32
    return %arg0, %c0_i32 : i32, i32
  }
  func.func @transform_1(%arg0: i32) -> (i32, i32) {
    %c0_i32 = arith.constant 0 : i32
    %c0_i32_0 = arith.constant 0 : i32
    %c0_i32_1 = arith.constant 0 : i32
    return %c0_i32, %c0_i32_0 : i32, i32
  }
  func.func @transform_2(%arg0: i32) -> (i32, i32) {
    %c0_i32 = arith.constant 0 : i32
    %c0_i32_0 = arith.constant 0 : i32
    return %arg0, %c0_i32 : i32, i32
  }
}

module attributes {stable_mosaic.version = 14 : i64} {
  func.func @body(%arg0: i32, %arg1: memref<2x1000x16xf32, #tpu.memory_space<vmem>>, %arg2: memref<1000x128xf32, #tpu.memory_space<vmem>>, %arg3: memref<1000x128xf32, #tpu.memory_space<vmem>>, %arg4: memref<1000x1xf32, #tpu.memory_space<vmem>>) attributes {dimension_semantics = [#tpu.dimension_semantics<arbitrary>], iteration_bounds = array<i64: 10>, scalar_prefetch = 0 : i64, scratch_operands = 0 : i64, tpu.core_type = #tpu.core_type<tc>, window_params = [{transform_indices = @transform_0, window_bounds = array<i64: 2, 1000, 16>}, {transform_indices = @transform_1, window_bounds = array<i64: 1000, 128>}, {transform_indices = @transform_2, window_bounds = array<i64: 1000, 128>}, {transform_indices = @transform_3, window_bounds = array<i64: 1000, 1>}]} {
    %get3A = arith.constant 0 : index
    %get3A_0 = arith.constant 0 : index
    %get3A_1 = arith.constant 0 : index
    %get3A_2 = vector.load %arg1[%get3A, %get3A_0, %get3A_1] : memref<2x1000x16xf32, #tpu.memory_space<vmem>>, vector<1x1000x1xf32>
    %get3A_3 = vector.shape_cast %get3A_2 : vector<1x1000x1xf32> to vector<1000x1xf32>
    %get3A_4 = arith.constant 1 : index
    %get3A_5 = arith.constant 0 : index
    %get3A_6 = arith.constant 0 : index
    %get3A_7 = vector.load %arg1[%get3A_4, %get3A_5, %get3A_6] : memref<2x1000x16xf32, #tpu.memory_space<vmem>>, vector<1x1000x1xf32>
    %get3A_8 = vector.shape_cast %get3A_7 : vector<1x1000x1xf32> to vector<1000x1xf32>
    %add3A = arith.addf %get3A_3, %get3A_8 : vector<1000x1xf32>
    %add3A_9 = arith.constant 1.000000e+00 : f32
    %add3A_10 = vector.broadcast %add3A_9 : f32 to vector<1000x1xf32>
    %add3A_11 = arith.addf %add3A, %add3A_10 : vector<1000x1xf32>
    %rsqrt3A = math.rsqrt %add3A_11 : vector<1000x1xf32>
    %swap3A = arith.constant 0 : index
    %swap3A_12 = arith.constant 0 : index
    %swap3A_13 = vector.load %arg4[%swap3A, %swap3A_12] : memref<1000x1xf32, #tpu.memory_space<vmem>>, vector<1000x1xf32>
    tpu.vector_store %arg4[%swap3A, %swap3A_12], %rsqrt3A {strides = array<i32>} : memref<1000x1xf32, #tpu.memory_space<vmem>>, vector<1000x1xf32>,
    %get3A_14 = arith.constant 0 : index
    %get3A_15 = arith.constant 0 : index
    %get3A_16 = vector.load %arg2[%get3A_14, %get3A_15] : memref<1000x128xf32, #tpu.memory_space<vmem>>, vector<1000x128xf32>
    %mul3A = vector.broadcast %rsqrt3A : vector<1000x1xf32> to vector<1000x128xf32>
    %mul3A_17 = arith.mulf %get3A_16, %mul3A : vector<1000x128xf32>
    %swap3A_18 = arith.constant 0 : index
    %swap3A_19 = arith.constant 0 : index
    %swap3A_20 = vector.load %arg3[%swap3A_18, %swap3A_19] : memref<1000x128xf32, #tpu.memory_space<vmem>>, vector<1000x128xf32>
    tpu.vector_store %arg3[%swap3A_18, %swap3A_19], %mul3A_17 {strides = array<i32>} : memref<1000x128xf32, #tpu.memory_space<vmem>>, vector<1000x128xf32>,
    return
  }
  func.func @transform_0(%arg0: i32) -> (i32, i32, i32) {
    %c0_i32 = arith.constant 0 : i32
    %c0_i32_0 = arith.constant 0 : i32
    %c0_i32_1 = arith.constant 0 : i32
    return %c0_i32, %arg0, %c0_i32_0 : i32, i32, i32
  }
  func.func @transform_1(%arg0: i32) -> (i32, i32) {
    %c0_i32 = arith.constant 0 : i32
    %c0_i32_0 = arith.constant 0 : i32
    return %arg0, %c0_i32 : i32, i32
  }
  func.func @transform_2(%arg0: i32) -> (i32, i32) {
    %c0_i32 = arith.constant 0 : i32
    %c0_i32_0 = arith.constant 0 : i32
    return %arg0, %c0_i32 : i32, i32
  }
  func.func @transform_3(%arg0: i32) -> (i32, i32) {
    %c0_i32 = arith.constant 0 : i32
    %c0_i32_0 = arith.constant 0 : i32
    return %arg0, %c0_i32 : i32, i32
  }
}

module attributes {stable_mosaic.version = 14 : i64} {
  func.func @body(%arg0: i32, %arg1: memref<2x1000x128xf32, #tpu.memory_space<vmem>>, %arg2: memref<1000x128xf32, #tpu.memory_space<vmem>>, %arg3: memref<1000x1xf32, #tpu.memory_space<vmem>>, %arg4: memref<1x128xf32, #tpu.memory_space<vmem>>, %arg5: memref<128x128xf32, #tpu.memory_space<vmem>>, %arg6: memref<1000x128xf32, #tpu.memory_space<vmem>>) attributes {dimension_semantics = [#tpu.dimension_semantics<arbitrary>], iteration_bounds = array<i64: 10>, scalar_prefetch = 0 : i64, scratch_operands = 0 : i64, tpu.core_type = #tpu.core_type<tc>, window_params = [{transform_indices = @transform_0, window_bounds = array<i64: 2, 1000, 128>}, {transform_indices = @transform_1, window_bounds = array<i64: 1000, 128>}, {transform_indices = @transform_2, window_bounds = array<i64: 1000, 1>}, {pipeline_mode = #tpu.pipeline_mode<synchronous>, transform_indices = @transform_3, window_bounds = array<i64: 1, 128>}, {pipeline_mode = #tpu.pipeline_mode<synchronous>, transform_indices = @transform_4, window_bounds = array<i64: 128, 128>}, {transform_indices = @transform_5, window_bounds = array<i64: 1000, 128>}]} {
    %get3A = arith.constant 0 : index
    %get3A_0 = arith.constant 0 : index
    %get3A_1 = arith.constant 0 : index
    %get3A_2 = vector.load %arg1[%get3A, %get3A_0, %get3A_1] : memref<2x1000x128xf32, #tpu.memory_space<vmem>>, vector<1x1000x128xf32>
    %get3A_3 = vector.shape_cast %get3A_2 : vector<1x1000x128xf32> to vector<1000x128xf32>
    %get3A_4 = arith.constant 1 : index
    %get3A_5 = arith.constant 0 : index
    %get3A_6 = arith.constant 0 : index
    %get3A_7 = vector.load %arg1[%get3A_4, %get3A_5, %get3A_6] : memref<2x1000x128xf32, #tpu.memory_space<vmem>>, vector<1x1000x128xf32>
    %get3A_8 = vector.shape_cast %get3A_7 : vector<1x1000x128xf32> to vector<1000x128xf32>
    %add3A = arith.addf %get3A_3, %get3A_8 : vector<1000x128xf32>
    %get3A_9 = arith.constant 0 : index
    %get3A_10 = arith.constant 0 : index
    %get3A_11 = vector.load %arg2[%get3A_9, %get3A_10] : memref<1000x128xf32, #tpu.memory_space<vmem>>, vector<1000x128xf32>
    %add3A_12 = arith.addf %add3A, %get3A_11 : vector<1000x128xf32>
    %get3A_13 = arith.constant 0 : index
    %get3A_14 = arith.constant 0 : index
    %get3A_15 = vector.load %arg3[%get3A_13, %get3A_14] : memref<1000x1xf32, #tpu.memory_space<vmem>>, vector<1000x1xf32>
    %mul3A = vector.broadcast %get3A_15 : vector<1000x1xf32> to vector<1000x128xf32>
    %mul3A_16 = arith.mulf %add3A_12, %mul3A : vector<1000x128xf32>
    %get3A_17 = arith.constant 0 : index
    %get3A_18 = arith.constant 0 : index
    %get3A_19 = vector.load %arg4[%get3A_17, %get3A_18] : memref<1x128xf32, #tpu.memory_space<vmem>>, vector<1x128xf32>
    %add3A_20 = vector.broadcast %get3A_19 : vector<1x128xf32> to vector<1000x128xf32>
    %add3A_21 = arith.addf %mul3A_16, %add3A_20 : vector<1000x128xf32>
    %max3A = arith.constant 0.000000e+00 : f32
    %max3A_22 = vector.broadcast %max3A : f32 to vector<1000x128xf32>
    %max3A_23 = arith.maximumf %add3A_21, %max3A_22 : vector<1000x128xf32>
    %get3A_24 = arith.constant 0 : index
    %get3A_25 = arith.constant 0 : index
    %get3A_26 = vector.load %arg5[%get3A_24, %get3A_25] : memref<128x128xf32, #tpu.memory_space<vmem>>, vector<128x128xf32>
    %dot_general3A = arith.constant dense<0.000000e+00> : vector<1000x128xf32>
    %dot_general3A_27 = tpu.matmul %max3A_23, %get3A_26, %dot_general3A {dimension_numbers = #tpu.dot_dimension_numbers<[1], [0], [0], [1], [0, 0, 1, 1], [], []>, transpose_lhs_hint = false} : vector<1000x128xf32>, vector<128x128xf32>, vector<1000x128xf32> -> vector<1000x128xf32>
    %get3A_28 = arith.constant 0 : index
    %get3A_29 = arith.constant 0 : index
    %get3A_30 = vector.load %arg3[%get3A_28, %get3A_29] : memref<1000x1xf32, #tpu.memory_space<vmem>>, vector<1000x1xf32>
    %mul3A_31 = vector.broadcast %get3A_30 : vector<1000x1xf32> to vector<1000x128xf32>
    %mul3A_32 = arith.mulf %dot_general3A_27, %mul3A_31 : vector<1000x128xf32>
    %swap3A = arith.constant 0 : index
    %swap3A_33 = arith.constant 0 : index
    %swap3A_34 = vector.load %arg6[%swap3A, %swap3A_33] : memref<1000x128xf32, #tpu.memory_space<vmem>>, vector<1000x128xf32>
    tpu.vector_store %arg6[%swap3A, %swap3A_33], %mul3A_32 {strides = array<i32>} : memref<1000x128xf32, #tpu.memory_space<vmem>>, vector<1000x128xf32>,
    return
  }
  func.func @transform_0(%arg0: i32) -> (i32, i32, i32) {
    %c0_i32 = arith.constant 0 : i32
    %c0_i32_0 = arith.constant 0 : i32
    %c0_i32_1 = arith.constant 0 : i32
    return %c0_i32, %arg0, %c0_i32_0 : i32, i32, i32
  }
  func.func @transform_1(%arg0: i32) -> (i32, i32) {
    %c0_i32 = arith.constant 0 : i32
    %c0_i32_0 = arith.constant 0 : i32
    return %arg0, %c0_i32 : i32, i32
  }
  func.func @transform_2(%arg0: i32) -> (i32, i32) {
    %c0_i32 = arith.constant 0 : i32
    %c0_i32_0 = arith.constant 0 : i32
    return %arg0, %c0_i32 : i32, i32
  }
  func.func @transform_3(%arg0: i32) -> (i32, i32) {
    %c0_i32 = arith.constant 0 : i32
    %c0_i32_0 = arith.constant 0 : i32
    %c0_i32_1 = arith.constant 0 : i32
    return %c0_i32, %c0_i32_0 : i32, i32
  }
  func.func @transform_4(%arg0: i32) -> (i32, i32) {
    %c0_i32 = arith.constant 0 : i32
    %c0_i32_0 = arith.constant 0 : i32
    %c0_i32_1 = arith.constant 0 : i32
    return %c0_i32, %c0_i32_0 : i32, i32
  }
  func.func @transform_5(%arg0: i32) -> (i32, i32) {
    %c0_i32 = arith.constant 0 : i32
    %c0_i32_0 = arith.constant 0 : i32
    return %arg0, %c0_i32 : i32, i32
  }
}

module attributes {stable_mosaic.version = 14 : i64} {
  func.func @body(%arg0: i32, %arg1: memref<2x1000x128xf32, #tpu.memory_space<vmem>>, %arg2: memref<1000x128xf32, #tpu.memory_space<vmem>>, %arg3: memref<1000x1xf32, #tpu.memory_space<vmem>>, %arg4: memref<1x128xf32, #tpu.memory_space<vmem>>, %arg5: memref<128x1xf32, #tpu.memory_space<vmem>>, %arg6: memref<1x1xf32, #tpu.memory_space<vmem>>, %arg7: memref<1000x1xf32, #tpu.memory_space<vmem>>) attributes {dimension_semantics = [#tpu.dimension_semantics<arbitrary>], iteration_bounds = array<i64: 10>, scalar_prefetch = 0 : i64, scratch_operands = 0 : i64, tpu.core_type = #tpu.core_type<tc>, window_params = [{transform_indices = @transform_0, window_bounds = array<i64: 2, 1000, 128>}, {transform_indices = @transform_1, window_bounds = array<i64: 1000, 128>}, {transform_indices = @transform_2, window_bounds = array<i64: 1000, 1>}, {pipeline_mode = #tpu.pipeline_mode<synchronous>, transform_indices = @transform_3, window_bounds = array<i64: 1, 128>}, {pipeline_mode = #tpu.pipeline_mode<synchronous>, transform_indices = @transform_4, window_bounds = array<i64: 128, 1>}, {pipeline_mode = #tpu.pipeline_mode<synchronous>, transform_indices = @transform_5, window_bounds = array<i64: 1, 1>}, {transform_indices = @transform_6, window_bounds = array<i64: 1000, 1>}]} {
    %get3A = arith.constant 0 : index
    %get3A_0 = arith.constant 0 : index
    %get3A_1 = arith.constant 0 : index
    %get3A_2 = vector.load %arg1[%get3A, %get3A_0, %get3A_1] : memref<2x1000x128xf32, #tpu.memory_space<vmem>>, vector<1x1000x128xf32>
    %get3A_3 = vector.shape_cast %get3A_2 : vector<1x1000x128xf32> to vector<1000x128xf32>
    %get3A_4 = arith.constant 1 : index
    %get3A_5 = arith.constant 0 : index
    %get3A_6 = arith.constant 0 : index
    %get3A_7 = vector.load %arg1[%get3A_4, %get3A_5, %get3A_6] : memref<2x1000x128xf32, #tpu.memory_space<vmem>>, vector<1x1000x128xf32>
    %get3A_8 = vector.shape_cast %get3A_7 : vector<1x1000x128xf32> to vector<1000x128xf32>
    %add3A = arith.addf %get3A_3, %get3A_8 : vector<1000x128xf32>
    %get3A_9 = arith.constant 0 : index
    %get3A_10 = arith.constant 0 : index
    %get3A_11 = vector.load %arg2[%get3A_9, %get3A_10] : memref<1000x128xf32, #tpu.memory_space<vmem>>, vector<1000x128xf32>
    %add3A_12 = arith.addf %add3A, %get3A_11 : vector<1000x128xf32>
    %get3A_13 = arith.constant 0 : index
    %get3A_14 = arith.constant 0 : index
    %get3A_15 = vector.load %arg3[%get3A_13, %get3A_14] : memref<1000x1xf32, #tpu.memory_space<vmem>>, vector<1000x1xf32>
    %mul3A = vector.broadcast %get3A_15 : vector<1000x1xf32> to vector<1000x128xf32>
    %mul3A_16 = arith.mulf %add3A_12, %mul3A : vector<1000x128xf32>
    %get3A_17 = arith.constant 0 : index
    %get3A_18 = arith.constant 0 : index
    %get3A_19 = vector.load %arg4[%get3A_17, %get3A_18] : memref<1x128xf32, #tpu.memory_space<vmem>>, vector<1x128xf32>
    %add3A_20 = vector.broadcast %get3A_19 : vector<1x128xf32> to vector<1000x128xf32>
    %add3A_21 = arith.addf %mul3A_16, %add3A_20 : vector<1000x128xf32>
    %max3A = arith.constant 0.000000e+00 : f32
    %max3A_22 = vector.broadcast %max3A : f32 to vector<1000x128xf32>
    %max3A_23 = arith.maximumf %add3A_21, %max3A_22 : vector<1000x128xf32>
    %get3A_24 = arith.constant 0 : index
    %get3A_25 = arith.constant 0 : index
    %get3A_26 = vector.load %arg5[%get3A_24, %get3A_25] : memref<128x1xf32, #tpu.memory_space<vmem>>, vector<128x1xf32>
    %dot_general3A = arith.constant dense<0.000000e+00> : vector<1000x1xf32>
    %dot_general3A_27 = tpu.matmul %max3A_23, %get3A_26, %dot_general3A {dimension_numbers = #tpu.dot_dimension_numbers<[1], [0], [0], [1], [0, 0, 1, 1], [], []>, transpose_lhs_hint = false} : vector<1000x128xf32>, vector<128x1xf32>, vector<1000x1xf32> -> vector<1000x1xf32>
    %get3A_28 = arith.constant 0 : index
    %get3A_29 = arith.constant 0 : index
    %get3A_30 = vector.load %arg6[%get3A_28, %get3A_29] : memref<1x1xf32, #tpu.memory_space<vmem>>, vector<1x1xf32>
    %add3A_31 = vector.broadcast %get3A_30 : vector<1x1xf32> to vector<1000x1xf32>
    %add3A_32 = arith.addf %dot_general3A_27, %add3A_31 : vector<1000x1xf32>
    %swap3A = arith.constant 0 : index
    %swap3A_33 = arith.constant 0 : index
    %swap3A_34 = vector.load %arg7[%swap3A, %swap3A_33] : memref<1000x1xf32, #tpu.memory_space<vmem>>, vector<1000x1xf32>
    tpu.vector_store %arg7[%swap3A, %swap3A_33], %add3A_32 {strides = array<i32>} : memref<1000x1xf32, #tpu.memory_space<vmem>>, vector<1000x1xf32>,
    return
  }
  func.func @transform_0(%arg0: i32) -> (i32, i32, i32) {
    %c0_i32 = arith.constant 0 : i32
    %c0_i32_0 = arith.constant 0 : i32
    %c0_i32_1 = arith.constant 0 : i32
    return %c0_i32, %arg0, %c0_i32_0 : i32, i32, i32
  }
  func.func @transform_1(%arg0: i32) -> (i32, i32) {
    %c0_i32 = arith.constant 0 : i32
    %c0_i32_0 = arith.constant 0 : i32
    return %arg0, %c0_i32 : i32, i32
  }
  func.func @transform_2(%arg0: i32) -> (i32, i32) {
    %c0_i32 = arith.constant 0 : i32
    %c0_i32_0 = arith.constant 0 : i32
    return %arg0, %c0_i32 : i32, i32
  }
  func.func @transform_3(%arg0: i32) -> (i32, i32) {
    %c0_i32 = arith.constant 0 : i32
    %c0_i32_0 = arith.constant 0 : i32
    %c0_i32_1 = arith.constant 0 : i32
    return %c0_i32, %c0_i32_0 : i32, i32
  }
  func.func @transform_4(%arg0: i32) -> (i32, i32) {
    %c0_i32 = arith.constant 0 : i32
    %c0_i32_0 = arith.constant 0 : i32
    %c0_i32_1 = arith.constant 0 : i32
    return %c0_i32, %c0_i32_0 : i32, i32
  }
  func.func @transform_5(%arg0: i32) -> (i32, i32) {
    %c0_i32 = arith.constant 0 : i32
    %c0_i32_0 = arith.constant 0 : i32
    %c0_i32_1 = arith.constant 0 : i32
    return %c0_i32, %c0_i32_0 : i32, i32
  }
  func.func @transform_6(%arg0: i32) -> (i32, i32) {
    %c0_i32 = arith.constant 0 : i32
    %c0_i32_0 = arith.constant 0 : i32
    return %arg0, %c0_i32 : i32, i32
  }
}

</mosaic_0001>

<sc_bundles>
// kernel: kernel.12.cloned.1.call-start
scs
__scs_entry_jumppad:
0x0: {  	(pc) =	sbr.rel $0x88, $3  }
0x1: {  	(tag) =	ssettag $0x0;
	lr =	simm.s32 $0x1  }
0x2: {  	[smem:$0x3F99] =	sst lr;
	_ =	strace $0xD0000000  }
0x3: {  	_ = 	snop  }
0x4: {  	_ = 	snop  }
0x5: {  	_ = 	snop  }
0x6: {  	_ = 	snop  }
0x7: {  	_ = 	snop  }
__scs_overlays_trampoline_lowered:
0x8: {  	[smem:$0x3FA8] =	sst s0  }
0x9: {  	[smem:$0x3FA9] =	sst s1  }
0xa: {  	[smem:$0x3FAA] =	sst s2  }
0xb: {  	[smem:$0x3FAB] =	sst s3  }
0xc: {  	[smem:$0x3FAC] =	sst s4  }
0xd: {  	[smem:$0x3FAD] =	sst s5  }
0xe: {  	[smem:$0x3FAE] =	sst s6  }
0xf: {  	[smem:$0x3FAF] =	sst s7  }
0x10: {  	[smem:$0x3FB0] =	sst s8  }
0x11: {  	[smem:$0x3FB1] =	sst s9;
	s0 =	simm.s32 @!p0 $0x0  }
0x12: {  	s1 =	sld [smem:$0x3F97];
	s0 =	simm.s32 @p0 $0x1  }
0x13: {  	[smem:$0x3FB2] =	sst s0;
	s0 =	simm.s32 @!p1 $0x0  }
0x14: {  	s2 =	sld [smem:$0x3F96];
	s0 =	simm.s32 @p1 $0x1  }
0x15: {  	[smem:$0x3FB3] =	sst s0;
	s0 =	simm.s32 @!p2 $0x0  }
0x16: {  	s3 =	sld [smem:$0x3FDB];
	s0 =	simm.s32 @p2 $0x1  }
0x17: {  	s4 =	simm.s32 $0x1BF5;
	[smem:$0x3FB5] =	sst s0  }
0x18: {  	s0 =	sld [smem:$0x3F98];
	_ =	swait.ge [sflag:s4], $0x0  }
0x19: {  	s7 =	sld [smem:$0x3F99]  }
0x1a: {  	s8 =	sadd.s32 $0xFFFFE003, lr  }
0x1b: {  	s9 =	sadd.s32 $0xFFFFFEF7, lr;
	s5 =	simm.s32 $0xFFFFFFFF;
	p2 =	slt.u32 s8, $0xFFFFF086  }
0x1c: {  	p1 =	slt.u32 s9, $0xF7A;
	s5 =	simm.s32 @!p2 $0x0  }
0x1d: {  	s5 =	simm.s32 @p1 $0x1;
	p0 =	seq.s32 s7, s2  }
0x1e: {  	s7 =	smul.u32 @!p0 $0xF7A, s2;
	p2 =	seq.s32 @!p0 s5, $0x0  }
0x1f: {  	s9 =	smul.u32 $0xF7A, s1;
	s8 =	simm.s32 @!p0 $0x1BF5;
	p2 =	por !p2, p0  }
0x20: {  	[sflag:s8] =	ssyncset.s32 @!p0 $0xFFFFF086;
	s6 =	sadd.s32 @!p0 s3, s7;
	s7 =	simm.s32 @!p0 $0x108  }
0x21: {  	s3 =	sadd.s32 s3, s9;
	s6 =	sadd.s32 @!p0 $0x88, s6;
	s7 =	simm.s32 @p2 $0x1082  }
0x22: {  	[simem:s7], [sflag:s8] =	dma.local @!p0 [hbm:s6], $0xF7A  }
0x23: {  	s9 =	sor.u32 $0xD0000000, s2;
	s6 =	simm.s32 $0x108;
	_ =	swait.ge @!p0 [sflag:s8], $0x0  }
0x24: {  	s3 =	sadd.s32 $0x88, s3;
	s6 =	simm.s32 @!p1 $0x1082;
	[sflag:s4] =	ssyncset.s32 $0xFFFFF086  }
0x25: {  	[simem:s6], [sflag:s4] =	dma.local [hbm:s3], $0xF7A  }
0x26: {  	[smem:$0x3F99] =	sst s1;
	(tag) =	ssettag s2;
	_ =	strace s9  }
0x27: {  	s1 =	sld [smem:$0x3FA9]  }
0x28: {  	s2 =	sld [smem:$0x3FAA]  }
0x29: {  	s4 =	sld [smem:$0x3FAC]  }
0x2a: {  	p0 =	seq.s32 s5, $0x0;
	s5 =	sld [smem:$0x3FAD]  }
0x2b: {  	s6 =	sld [smem:$0x3FAE]  }
0x2c: {  	s7 =	sld [smem:$0x3FAF]  }
0x2d: {  	s3 =	simm.s32 $0x108;
	s8 =	sld [smem:$0x3FB0]  }
0x2e: {  	s3 =	simm.s32 @!p0 $0x1082;
	s9 =	sld [smem:$0x3FB1]  }
0x2f: {  	lr =	sadd.s32 s0, s3;
	s0 =	sld [smem:$0x3FA8]  }
0x30: {  	s3 =	sld [smem:$0x3FAB]  }
0x31: {  	[smem:$0x3FB4] =	sst s10  }
0x32: {  	s10 =	sld [smem:$0x3FB2];
	_ =	sdelay $0x3  }
0x33: {  	p0 =	seq.s32 s10, $0x1;
	s10 =	sld [smem:$0x3FB4];
	_ =	sdelay $0x3  }
0x34: {  	[smem:$0x3FB4] =	sst s10  }
0x35: {  	s10 =	sld [smem:$0x3FB3];
	_ =	sdelay $0x3  }
0x36: {  	p1 =	seq.s32 s10, $0x1;
	s10 =	sld [smem:$0x3FB4];
	_ =	sdelay $0x3  }
0x37: {  	[smem:$0x3FB4] =	sst s10  }
0x38: {  	s10 =	sld [smem:$0x3FB5]  }
0x39: {  	_ = 	snop;
	(pc) =	sbr.ind lr, $3  }
0x3a: {  	_ = 	snop  }
0x3b: {  	_ = 	snop  }
0x3c: {  	p2 =	seq.s32 s10, $0x1;
	s10 =	sld [smem:$0x3FB4]  }
0x3d: {  	_ =	shalt  }
0x3e: {  	_ =	shalt  }
0x3f: {  	_ =	shalt  }
0x40: {  	_ =	shalt  }
0x41: {  	_ =	shalt  }
0x42: {  	_ =	shalt  }
0x43: {  	_ =	shalt  }
0x44: {  	_ =	shalt  }
0x45: {  	_ =	shalt  }
0x46: {  	_ =	shalt  }
0x47: {  	_ =	shalt  }
0x48: {  	_ =	shalt  }
0x49: {  	_ =	shalt  }
0x4a: {  	_ =	shalt  }
0x4b: {  	_ =	shalt  }
0x4c: {  	_ =	shalt  }
0x4d: {  	_ =	shalt  }
0x4e: {  	_ =	shalt  }
0x4f: {  	_ =	shalt  }
0x50: {  	_ =	shalt  }
0x51: {  	_ =	shalt  }
0x52: {  	_ =	shalt  }
0x53: {  	_ =	shalt  }
0x54: {  	_ =	shalt  }
0x55: {  	_ =	shalt  }
0x56: {  	_ =	shalt  }
0x57: {  	_ =	shalt  }
0x58: {  	_ =	shalt  }
0x59: {  	_ =	shalt  }
0x5a: {  	_ =	shalt  }
0x5b: {  	_ =	shalt  }
0x5c: {  	_ =	shalt  }
0x5d: {  	_ =	shalt  }
0x5e: {  	_ =	shalt  }
0x5f: {  	_ =	shalt  }
0x60: {  	_ =	shalt  }
0x61: {  	_ =	shalt  }
0x62: {  	_ =	shalt  }
0x63: {  	_ =	shalt  }
0x64: {  	_ =	shalt  }
0x65: {  	_ =	shalt  }
0x66: {  	_ =	shalt  }
0x67: {  	_ =	shalt  }
0x68: {  	_ =	shalt  }
0x69: {  	_ =	shalt  }
0x6a: {  	_ =	shalt  }
0x6b: {  	_ =	shalt  }
0x6c: {  	_ =	shalt  }
0x6d: {  	_ =	shalt  }
0x6e: {  	_ =	shalt  }
0x6f: {  	_ =	shalt  }
0x70: {  	_ =	shalt  }
0x71: {  	_ =	shalt  }
0x72: {  	_ =	shalt  }
0x73: {  	_ =	shalt  }
0x74: {  	_ =	shalt  }
0x75: {  	_ =	shalt  }
0x76: {  	_ =	shalt  }
0x77: {  	_ =	shalt  }
0x78: {  	_ =	shalt  }
0x79: {  	_ =	shalt  }
0x7a: {  	_ =	shalt  }
0x7b: {  	_ =	shalt  }
0x7c: {  	_ =	shalt  }
0x7d: {  	_ =	shalt  }
0x7e: {  	_ =	shalt  }
0x7f: {  	_ =	shalt  }
0x80: {  	_ =	shalt  }
0x81: {  	_ =	shalt  }
0x82: {  	_ =	shalt  }
0x83: {  	_ =	shalt  }
0x84: {  	_ =	shalt  }
0x85: {  	_ =	shalt  }
0x86: {  	_ =	shalt  }
0x87: {  	_ =	shalt  }
.Lfunc_end0:
.L_simem_size_0:
called_computation.1_lowered:
.L_overlay_start_0:
0x88: {  	s2 =	sld [smem:$0x3FD9]  }
0x89: {  	s3 =	sld [smem:$0x3FFE];
	_ =	sdelay $0x1  }
0x8a: {  	s1 =	srdreg.scid  }
0x8b: {  	s0 =	sand.u32 $0x1, s1  }
0x8c: {  	s16 =	sshll.u32 s0, $0xA;
	s2 =	sadd.s32 s3, s2  }
0x8d: {  	s2 =	sadd.s32 s2, s16  }
0x8e: {  	[smem:$0x3FC0] =	sst s2  }
0x8f: {  	_ = 	snop  }
0x90: {  	(tm) =	ssettm $0x1  }
0x91: {  	s17 =	sld [smem:$0x3FFB];
	_ =	sdelay $0x3  }
0x92: {  	_ =	strace s17  }
0x93: {  	s2 =	sld [smem:$0x3FFC];
	_ =	sdelay $0x3  }
0x94: {  	_ =	strace s2  }
0x95: {  	s2 =	sld [smem:$0x3FFD];
	_ =	sdelay $0x3  }
0x96: {  	_ =	strace s2  }
0x97: {  	_ =	strace $0x8FFFFFFF  }
0x98: {  	s18 =	sld [smem:$0x3FDB];
	_ =	sdelay $0x1  }
0x99: {  	s19 =	simm.s32 $_scs_section_size  }
0x9a: {  	s4 =	simm.s32 $_size__tile_overlayer_lowered;
	s5 =	simm.s32 $_tile_overlayer_lowered  }
0x9b: {  	s22 =	simm.s32 $0x1BFF;
	s21 =	sshll.u32 s5, $0x1;
	s2 =	sadd.s32 s19, s18  }
0x9c: {  	s6 =	simm.s32 $0x0;
	s20 =	sshll.u32 s4, $0x1;
	s4 =	sadd.s32 s21, s2  }
0x9d: {  	[timem:s6], [sflag:s22] =	dma.local [hbm:s4], s20  }
0x9e: {  	_ =	swait.ge [sflag:s22], s20  }
0x9f: {  	s3 =	ssub.s32 $0x0, s20;
	[sflag:s22] =	ssyncset.done $0x0  }
0xa0: {  	[sflag:s22] =	ssyncadd.s32 s3;
	_ =	sdelay $0x1  }
0xa1: {  	s23 =	simm.s32 $0x1B8B  }
0xa2: {  	_ =	swait.ge [sflag:s23], $0x1  }
0xa3: {  	[sflag:s23] =	ssyncset.done $0x0  }
0xa4: {  	s25 =	simm.s32 $0x1B8E;
	s24 =	sld [smem:$0x3FFE];
	[sflag:s23] =	ssyncadd.s32 $0xFFFFFFFF  }
0xa5: {  	s26 =	simm.s32 $execute0_lowered;
	[smem:$0x3FD2] =	sst s25  }
0xa6: {  	s4 =	sshll.u32 s26, $0x1;
	_ =	strace $0x80000049;
	[dreg:$0x1] =	wrdreg $0xFFFFFFFF  }
0xa7: {  	s28 =	simm.s32 $_size_execute0_lowered;
	s2 =	sadd.s32 s2, s4;
	[dreg:$0x0] =	wrdreg $0x0  }
0xa8: {  	s4 =	sshll.u32 s28, $0x1;
	[dreg:$0x2] =	wrdreg s2  }
0xa9: {  	[dreg:$0x3] =	wrdreg s4  }
0xaa: {  	[dreg:$0x4] =	wrdreg $0xC0  }
0xab: {  	_ =	task [dreg:s6], $0x5FFFF  }
0xac: {  	[dreg:$0x1] =	wrdreg $0xFFFFFFFF  }
0xad: {  	[dreg:$0x0] =	wrdreg $0x60  }
0xae: {  	[dreg:$0x2] =	wrdreg s24  }
0xaf: {  	[dreg:$0x3] =	wrdreg $0xA8000  }
0xb0: {  	[dreg:$0x4] =	wrdreg $0x9  }
0xb1: {  	_ =	task.clear_ibuf [dreg:s6], $0x5FFFF;
	_ =	strace $0x90000049  }
0xb2: {  	s29 =	simm.s32 $0x9;
	_ =	strace $0x8000004B  }
0xb3: {  	_ =	swait.ge [sflag:s29], $0x1  }
0xb4: {  	[sflag:s29] =	ssyncadd.s32 $0xFFFFFFFF  }
0xb5: {  	_ =	strace $0x9000004B  }
0xb6: {  	_ =	sfence  }
0xb7: {  	s30 =	sld [smem:$0x0];
	_ =	sdelay $0x2  }
0xb8: {  	s31 =	sshll.u32 s1, $0xD;
	s1 =	sshrl.u32 s1, $0x2  }
0xb9: {  	s3 =	sand.u32 $0x4000, s31;
	s1 =	sadd.s32 s1, s30  }
0xba: {  	s0 =	sor.u32 s3, s0;
	s1 =	sshll.u32 s1, $0x11  }
0xbb: {  	s0 =	sor.u32 s1, s0  }
0xbc: {  	s0 =	sadd.s32 $0x8F2B, s0  }
0xbd: {  	[sflag:s0] =	ssyncadd.remote.s32 $0x1  }
0xbe: {  	_ =	sfence.sel $0xFFFF  }
0xbf: {  	[dreg:$0x0] =	wrdreg $0xFFFFFFFF;
	(pc) =	sbr.abs _section_cstart, $3  }
0xc0: {  	[dreg:$0x1] =	wrdreg $0xFFFFFFFF  }
0xc1: {  	_ =	task.clear_ibuf [dreg:s6], $0x2FFFF;
	_ =	strace $0x9FFFFFFF  }
0xc2: {  	(tm) =	ssettm $0x7FFFFFFF  }
0xc3: {  	_ =	shalt  }
tec
execute0_lowered:
.L_overlay_start_1:
0x0: {  	(tag) =	ssettag $0x1  }
0x1: {  	s3 =	rddreg [dreg:$0x0]  }
0x2: {  	s1 =	srdreg.scid;
	s2 =	rddreg [dreg:$0x1];
	s31 =	simm.s32 $0x0  }
0x3: {  	s0 =	stileid.u32;
	s8 =	simm.s32 $0x180;
	[smem:$0x7FF] =	sst s31  }
0x4: {  	s9 =	simm.s32 $0x200;
	_ =	strace $0x8000004A;
	[dreg:$0x9] =	wrdreg s8  }
0x5: {  	s10 =	simm.s32 $0x280;
	s11 =	simm.s32 $0x300;
	[dreg:$0xa] =	wrdreg s9  }
0x6: {  	s13 =	simm.s32 $0x380;
	s15 =	simm.s32 $0x400;
	[dreg:$0xb] =	wrdreg s10  }
0x7: {  	s16 =	simm.s32 $0x480;
	s18 =	simm.s32 $0x500;
	[dreg:$0xc] =	wrdreg s11  }
0x8: {  	s19 =	simm.s32 $0x580;
	s21 =	simm.s32 $0x600;
	[dreg:$0xd] =	wrdreg s13  }
0x9: {  	s22 =	simm.s32 $0x680;
	s23 =	simm.s32 $0x700;
	[dreg:$0xe] =	wrdreg s15  }
0xa: {  	s24 =	simm.s32 $0x780;
	s25 =	simm.s32 $0x800;
	[dreg:$0xf] =	wrdreg s16  }
0xb: {  	s30 =	simm.s32 $0xA80;
	s29 =	simm.s32 $0xB00;
	[dreg:$0x10] =	wrdreg s18  }
0xc: {  	s28 =	simm.s32 $0xB80;
	p0 =	por $0x0, $0x0;
	[dreg:$0x11] =	wrdreg s19  }
0xd: {  	s1 =	sand.u32 $0x1, s1;
	s5 =	smul.u32 $0x14000, s0;
	[dreg:$0x12] =	wrdreg s21  }
0xe: {  	s4 =	sshll.u32 s0, $0x1;
	s14 =	smul.u32 $0x50000, s0;
	[dreg:$0x13] =	wrdreg s22  }
0xf: {  	s20 =	sshll.u32 s0, $0x6;
	s4 =	sor.u32 s1, s4;
	[dreg:$0x14] =	wrdreg s23  }
0x10: {  	s7 =	smul.u32 $0x140000, s1;
	s1 =	ssub.s32 $0x2, s1;
	[dreg:$0x15] =	wrdreg s24  }
0x11: {  	[dreg:$0x16] =	wrdreg s25;
	s10 =	simm.s32 $0x2800;
	s8 =	simm.s32 $0x900  }
0x12: {  	s9 =	simm.s32 $0x980;
	s11 =	simm.s32 $0xA00;
	s25 =	simm.s32 $0xC00  }
0x13: {  	s24 =	simm.s32 $0xD00;
	s23 =	simm.s32 $0xD80;
	s22 =	simm.s32 $0xE00  }
0x14: {  	s21 =	simm.s32 $0xE80;
	s19 =	simm.s32 $0xF80;
	s16 =	simm.s32 $0x1000  }
0x15: {  	s18 =	simm.s32 $0x1100;
	s15 =	simm.s32 $0x1180;
	s13 =	simm.s32 $0x1280  }
0x16: {  	s4 =	smul.u32 $0x280, s4;
	s6 =	sshrl.u32 s5, $0x3;
	[dreg:$0x18] =	wrdreg s8  }
0x17: {  	s12 =	sshrl.u32 s1, $0x1;
	s17 =	sshrl.u32 s14, $0x2;
	[dreg:$0x19] =	wrdreg s9  }
0x18: {  	s8 =	simm.s32 $0x1;
	s9 =	simm.s32 $0x2;
	[dreg:$0x1a] =	wrdreg s11  }
0x19: {  	s14 =	simm.s32 $0x1200;
	s11 =	simm.s32 $0x1380;
	s6 =	sadd.s32 s6, s3  }
0x1a: {  	s5 =	sadd.s32 s5, s7;
	s7 =	simm.s32 $0x100;
	s1 =	ssub.s32 s1, s12  }
0x1b: {  	s12 =	simm.s32 $0x1300;
	s4 =	sadd.s32 s4, s3;
	s6 =	sadd.s32 $0x33200, s6  }
0x1c: {  	s5 =	sshrl.u32 s5, $0x3;
	[dreg:$0x8] =	wrdreg s7;
	s1 =	smax.u32 s1, $0x1  }
0x1d: {  	s7 =	simm.s32 $0x6800;
	[dreg:$0x3] =	wrdreg s6;
	s26 =	sadd.s32 $0x2000, s4  }
0x1e: {  	s3 =	sadd.s32 s5, s3;
	s4 =	sadd.s32 $0x7000, s4;
	s6 =	simm.s32 $0x1400  }
0x1f: {  	s5 =	simm.s32 $0x3;
	p1 =	sne.s32 s1, $0x1;
	[dreg:$0x4] =	wrdreg s26  }
.Ltmp0:
0x20: {  	s0 =	sadd.s32 $0xFFFFFFFF, s1;
	[dreg:$0x5] =	wrdreg s4;
	(pc) =	sbr.rel @!p1 .LBB2_3-.Ltmp0, $4  }
0x21: {  	s3 =	sadd.s32 $0x5B200, s3;
	[dreg:$0x7] =	wrdreg s6;
	s4 =	sadd.s32 s17, s2  }
0x22: {  	s6 =	simm.s32 $0x80;
	s26 =	simm.s32 $0x880;
	s17 =	simm.s32 $0x1080  }
0x23: {  	[dreg:$0x6] =	wrdreg s3;
	s3 =	sor.u32 $0x1C03, s20;
	s4 =	sshrl.u32 s4, $0x3  }
0x24: {  	[dreg:$0x17] =	wrdreg s26;
	s26 =	simm.s32 $0xC80;
	s20 =	simm.s32 $0xF00  }
0x25: {  	[dreg:$0x1b] =	wrdreg s0  }
0x26: {  	s1 =	rddreg [dreg:$0x3]  }
0x27: {  	[spmem:s4], [sflag:s3] =	dma.local [hbm:s1], $0x2800  }
0x28: {  	_ =	swait.ge [sflag:s5], $0x2800  }
0x29: {  	[sflag:s5] =	ssyncset.done $0x0  }
0x2a: {  	s1 =	rddreg [dreg:$0x4];
	[sflag:s5] =	ssyncadd.s32 $0xFFFFD800  }
0x2b: {  	[tilespmem:s31], [sflag:$0x3] =	stream.linear.gather [hbm4b:s1+s31], $0x1400, $0x38;
	[tilespmem:$0x1E800] =	vst v63  }
0x2c: {  	_ =	swait.ge [sflag:s5], $0x1400  }
0x2d: {  	s0 =	rddreg [dreg:$0x5];
	[sflag:s5] =	ssyncset.done $0x0  }
0x2e: {  	s1 =	rddreg [dreg:$0x7];
	[sflag:s5] =	ssyncadd.s32 $0xFFFFEC00  }
0x2f: {  	[tilespmem:s1], [sflag:$0x3] =	stream.linear.gather [hbm4b:s0+s31], $0x1400, $0x38;
	[tilespmem:$0x1E800] =	vst v63  }
0x30: {  	_ =	swait.ge [sflag:s5], $0x1400  }
0x31: {  	[sflag:s5] =	ssyncset.done $0x0  }
0x32: {  	[sflag:s5] =	ssyncadd.s32 $0xFFFFEC00  }
0x33: {  	[bflag:$0x0] =	sbarrier.arrive $0xFFFF  }
0x34: {  	[tilespmem:s10], [sflag:$0x1] =	stream.indirect.gather [spmem:s2], $0x80, s31, s6, $0xb8;
	[tilespmem:$0x1E800] =	vst v63  }
0x35: {  	_ = 	snop  }
0x36: {  	[tilespmem:s7], [sflag:$0x2] =	stream.indirect.gather [spmem:s2], $0x80, s6, s6, $0xb8;
	[tilespmem:$0x1E800] =	vst v63  }
0x37: {  	_ =	swait.ge [sflag:s8], $0x4000  }
0x38: {  	[sflag:s8] =	ssyncset.done $0x0  }
0x39: {  	s1 =	rddreg [dreg:$0x8];
	[sflag:s8] =	ssyncadd.s32 $0xFFFFC000  }
0x3a: {  	[tilespmem:s10], [sflag:$0x1] =	stream.indirect.gather [spmem:s2], $0x80, s1, s6, $0xb8;
	[tilespmem:$0x1E800] =	vst v63  }
0x3b: {  	_ =	swait.ge [sflag:s9], $0x4000  }
0x3c: {  	[sflag:s9] =	ssyncset.done $0x0  }
0x3d: {  	s1 =	rddreg [dreg:$0x9];
	[sflag:s9] =	ssyncadd.s32 $0xFFFFC000  }
0x3e: {  	[tilespmem:s7], [sflag:$0x2] =	stream.indirect.gather [spmem:s2], $0x80, s1, s6, $0xb8;
	[tilespmem:$0x1E800] =	vst v63  }
0x3f: {  	_ =	swait.ge [sflag:s8], $0x4000  }
0x40: {  	[sflag:s8] =	ssyncset.done $0x0  }
0x41: {  	s1 =	rddreg [dreg:$0xa];
	[sflag:s8] =	ssyncadd.s32 $0xFFFFC000  }
0x42: {  	[tilespmem:s10], [sflag:$0x1] =	stream.indirect.gather [spmem:s2], $0x80, s1, s6, $0xb8;
	[tilespmem:$0x1E800] =	vst v63  }
0x43: {  	_ =	swait.ge [sflag:s9], $0x4000  }
0x44: {  	[sflag:s9] =	ssyncset.done $0x0  }
0x45: {  	s1 =	rddreg [dreg:$0xb];
	[sflag:s9] =	ssyncadd.s32 $0xFFFFC000  }
0x46: {  	[tilespmem:s7], [sflag:$0x2] =	stream.indirect.gather [spmem:s2], $0x80, s1, s6, $0xb8;
	[tilespmem:$0x1E800] =	vst v63  }
0x47: {  	_ =	swait.ge [sflag:s8], $0x4000  }
0x48: {  	[sflag:s8] =	ssyncset.done $0x0  }
0x49: {  	s1 =	rddreg [dreg:$0xc];
	[sflag:s8] =	ssyncadd.s32 $0xFFFFC000  }
0x4a: {  	[tilespmem:s10], [sflag:$0x1] =	stream.indirect.gather [spmem:s2], $0x80, s1, s6, $0xb8;
	[tilespmem:$0x1E800] =	vst v63  }
0x4b: {  	_ =	swait.ge [sflag:s9], $0x4000  }
0x4c: {  	[sflag:s9] =	ssyncset.done $0x0  }
0x4d: {  	s1 =	rddreg [dreg:$0xd];
	[sflag:s9] =	ssyncadd.s32 $0xFFFFC000  }
0x4e: {  	[tilespmem:s7], [sflag:$0x2] =	stream.indirect.gather [spmem:s2], $0x80, s1, s6, $0xb8;
	[tilespmem:$0x1E800] =	vst v63  }
0x4f: {  	_ =	swait.ge [sflag:s8], $0x4000  }
0x50: {  	[sflag:s8] =	ssyncset.done $0x0  }
0x51: {  	[sflag:s8] =	ssyncadd.s32 $0xFFFFC000  }
0x52: {  	_ =	swait.ge [sflag:s9], $0x4000  }
0x53: {  	[sflag:s9] =	ssyncset.done $0x0  }
0x54: {  	s0 =	rddreg [dreg:$0xe];
	[sflag:s9] =	ssyncadd.s32 $0xFFFFC000  }
0x55: {  	[tilespmem:s10], [sflag:$0x1] =	stream.indirect.gather [spmem:s2], $0x80, s0, s6, $0xb8;
	[tilespmem:$0x1E800] =	vst v63  }
0x56: {  	s1 =	rddreg [dreg:$0xf]  }
0x57: {  	[tilespmem:s7], [sflag:$0x2] =	stream.indirect.gather [spmem:s2], $0x80, s1, s6, $0xb8;
	[tilespmem:$0x1E800] =	vst v63  }
0x58: {  	_ =	swait.ge [sflag:s8], $0x4000  }
0x59: {  	[sflag:s8] =	ssyncset.done $0x0  }
0x5a: {  	s1 =	rddreg [dreg:$0x10];
	[sflag:s8] =	ssyncadd.s32 $0xFFFFC000  }
0x5b: {  	[tilespmem:s10], [sflag:$0x1] =	stream.indirect.gather [spmem:s2], $0x80, s1, s6, $0xb8;
	[tilespmem:$0x1E800] =	vst v63  }
0x5c: {  	_ =	swait.ge [sflag:s9], $0x4000  }
0x5d: {  	[sflag:s9] =	ssyncset.done $0x0  }
0x5e: {  	s1 =	rddreg [dreg:$0x11];
	[sflag:s9] =	ssyncadd.s32 $0xFFFFC000  }
0x5f: {  	[tilespmem:s7], [sflag:$0x2] =	stream.indirect.gather [spmem:s2], $0x80, s1, s6, $0xb8;
	[tilespmem:$0x1E800] =	vst v63  }
0x60: {  	_ =	swait.ge [sflag:s8], $0x4000  }
0x61: {  	[sflag:s8] =	ssyncset.done $0x0  }
0x62: {  	s1 =	rddreg [dreg:$0x12];
	[sflag:s8] =	ssyncadd.s32 $0xFFFFC000  }
0x63: {  	[tilespmem:s10], [sflag:$0x1] =	stream.indirect.gather [spmem:s2], $0x80, s1, s6, $0xb8;
	[tilespmem:$0x1E800] =	vst v63  }
0x64: {  	_ =	swait.ge [sflag:s9], $0x4000  }
0x65: {  	[sflag:s9] =	ssyncset.done $0x0  }
0x66: {  	s1 =	rddreg [dreg:$0x13];
	[sflag:s9] =	ssyncadd.s32 $0xFFFFC000  }
0x67: {  	[tilespmem:s7], [sflag:$0x2] =	stream.indirect.gather [spmem:s2], $0x80, s1, s6, $0xb8;
	[tilespmem:$0x1E800] =	vst v63  }
0x68: {  	_ =	swait.ge [sflag:s8], $0x4000  }
0x69: {  	[sflag:s8] =	ssyncset.done $0x0  }
0x6a: {  	s1 =	rddreg [dreg:$0x14];
	[sflag:s8] =	ssyncadd.s32 $0xFFFFC000  }
0x6b: {  	[tilespmem:s10], [sflag:$0x1] =	stream.indirect.gather [spmem:s2], $0x80, s1, s6, $0xb8;
	[tilespmem:$0x1E800] =	vst v63  }
0x6c: {  	_ =	swait.ge [sflag:s9], $0x4000  }
0x6d: {  	[sflag:s9] =	ssyncset.done $0x0  }
0x6e: {  	s1 =	rddreg [dreg:$0x15];
	[sflag:s9] =	ssyncadd.s32 $0xFFFFC000  }
0x6f: {  	[tilespmem:s7], [sflag:$0x2] =	stream.indirect.gather [spmem:s2], $0x80, s1, s6, $0xb8;
	[tilespmem:$0x1E800] =	vst v63  }
0x70: {  	_ =	swait.ge [sflag:s8], $0x4000  }
0x71: {  	[sflag:s8] =	ssyncset.done $0x0  }
0x72: {  	[sflag:s8] =	ssyncadd.s32 $0xFFFFC000  }
0x73: {  	_ =	swait.ge [sflag:s9], $0x4000  }
0x74: {  	[sflag:s9] =	ssyncset.done $0x0  }
0x75: {  	s0 =	rddreg [dreg:$0x16];
	[sflag:s9] =	ssyncadd.s32 $0xFFFFC000  }
0x76: {  	[tilespmem:s10], [sflag:$0x1] =	stream.indirect.gather [spmem:s2], $0x80, s0, s6, $0xb8;
	[tilespmem:$0x1E800] =	vst v63  }
0x77: {  	s1 =	rddreg [dreg:$0x17]  }
0x78: {  	[tilespmem:s7], [sflag:$0x2] =	stream.indirect.gather [spmem:s2], $0x80, s1, s6, $0xb8;
	[tilespmem:$0x1E800] =	vst v63  }
0x79: {  	_ =	swait.ge [sflag:s8], $0x4000  }
0x7a: {  	[sflag:s8] =	ssyncset.done $0x0  }
0x7b: {  	s1 =	rddreg [dreg:$0x18];
	[sflag:s8] =	ssyncadd.s32 $0xFFFFC000  }
0x7c: {  	[tilespmem:s10], [sflag:$0x1] =	stream.indirect.gather [spmem:s2], $0x80, s1, s6, $0xb8;
	[tilespmem:$0x1E800] =	vst v63  }
0x7d: {  	_ =	swait.ge [sflag:s9], $0x4000  }
0x7e: {  	[sflag:s9] =	ssyncset.done $0x0  }
0x7f: {  	s1 =	rddreg [dreg:$0x19];
	[sflag:s9] =	ssyncadd.s32 $0xFFFFC000  }
0x80: {  	[tilespmem:s7], [sflag:$0x2] =	stream.indirect.gather [spmem:s2], $0x80, s1, s6, $0xb8;
	[tilespmem:$0x1E800] =	vst v63  }
0x81: {  	_ =	swait.ge [sflag:s8], $0x4000  }
0x82: {  	[sflag:s8] =	ssyncset.done $0x0  }
0x83: {  	s1 =	rddreg [dreg:$0x1a];
	[sflag:s8] =	ssyncadd.s32 $0xFFFFC000  }
0x84: {  	[tilespmem:s10], [sflag:$0x1] =	stream.indirect.gather [spmem:s2], $0x80, s1, s6, $0xb8;
	[tilespmem:$0x1E800] =	vst v63  }
0x85: {  	_ =	swait.ge [sflag:s9], $0x4000  }
0x86: {  	[sflag:s9] =	ssyncset.done $0x0  }
0x87: {  	[sflag:s9] =	ssyncadd.s32 $0xFFFFC000  }
0x88: {  	[tilespmem:s7], [sflag:$0x2] =	stream.indirect.gather [spmem:s2], $0x80, s30, s6, $0xb8;
	[tilespmem:$0x1E800] =	vst v63  }
0x89: {  	_ =	swait.ge [sflag:s8], $0x4000  }
0x8a: {  	[sflag:s8] =	ssyncset.done $0x0  }
0x8b: {  	[sflag:s8] =	ssyncadd.s32 $0xFFFFC000  }
0x8c: {  	[tilespmem:s10], [sflag:$0x1] =	stream.indirect.gather [spmem:s2], $0x80, s29, s6, $0xb8;
	[tilespmem:$0x1E800] =	vst v63  }
0x8d: {  	_ =	swait.ge [sflag:s9], $0x4000  }
0x8e: {  	[sflag:s9] =	ssyncset.done $0x0  }
0x8f: {  	[sflag:s9] =	ssyncadd.s32 $0xFFFFC000  }
0x90: {  	[tilespmem:s7], [sflag:$0x2] =	stream.indirect.gather [spmem:s2], $0x80, s28, s6, $0xb8;
	[tilespmem:$0x1E800] =	vst v63  }
0x91: {  	_ =	swait.ge [sflag:s8], $0x4000  }
0x92: {  	[sflag:s8] =	ssyncset.done $0x0  }
0x93: {  	[sflag:s8] =	ssyncadd.s32 $0xFFFFC000  }
0x94: {  	_ =	swait.ge [sflag:s9], $0x4000  }
0x95: {  	[sflag:s9] =	ssyncset.done $0x0  }
0x96: {  	[sflag:s9] =	ssyncadd.s32 $0xFFFFC000  }
0x97: {  	[tilespmem:s10], [sflag:$0x1] =	stream.indirect.gather [spmem:s2], $0x80, s25, s6, $0xb8;
	[tilespmem:$0x1E800] =	vst v63  }
0x98: {  	_ = 	snop  }
0x99: {  	[tilespmem:s7], [sflag:$0x2] =	stream.indirect.gather [spmem:s2], $0x80, s26, s6, $0xb8;
	[tilespmem:$0x1E800] =	vst v63  }
0x9a: {  	_ =	swait.ge [sflag:s8], $0x4000  }
0x9b: {  	[sflag:s8] =	ssyncset.done $0x0  }
0x9c: {  	[sflag:s8] =	ssyncadd.s32 $0xFFFFC000  }
0x9d: {  	[tilespmem:s10], [sflag:$0x1] =	stream.indirect.gather [spmem:s2], $0x80, s24, s6, $0xb8;
	[tilespmem:$0x1E800] =	vst v63  }
0x9e: {  	_ =	swait.ge [sflag:s9], $0x4000  }
0x9f: {  	[sflag:s9] =	ssyncset.done $0x0  }
0xa0: {  	[sflag:s9] =	ssyncadd.s32 $0xFFFFC000  }
0xa1: {  	[tilespmem:s7], [sflag:$0x2] =	stream.indirect.gather [spmem:s2], $0x80, s23, s6, $0xb8;
	[tilespmem:$0x1E800] =	vst v63  }
0xa2: {  	_ =	swait.ge [sflag:s8], $0x4000  }
0xa3: {  	[sflag:s8] =	ssyncset.done $0x0  }
0xa4: {  	[sflag:s8] =	ssyncadd.s32 $0xFFFFC000  }
0xa5: {  	[tilespmem:s10], [sflag:$0x1] =	stream.indirect.gather [spmem:s2], $0x80, s22, s6, $0xb8;
	[tilespmem:$0x1E800] =	vst v63  }
0xa6: {  	_ =	swait.ge [sflag:s9], $0x4000  }
0xa7: {  	[sflag:s9] =	ssyncset.done $0x0  }
0xa8: {  	[sflag:s9] =	ssyncadd.s32 $0xFFFFC000  }
0xa9: {  	[tilespmem:s7], [sflag:$0x2] =	stream.indirect.gather [spmem:s2], $0x80, s21, s6, $0xb8;
	[tilespmem:$0x1E800] =	vst v63  }
0xaa: {  	_ =	swait.ge [sflag:s8], $0x4000  }
0xab: {  	[sflag:s8] =	ssyncset.done $0x0  }
0xac: {  	[sflag:s8] =	ssyncadd.s32 $0xFFFFC000  }
0xad: {  	[tilespmem:s10], [sflag:$0x1] =	stream.indirect.gather [spmem:s2], $0x80, s20, s6, $0xb8;
	[tilespmem:$0x1E800] =	vst v63  }
0xae: {  	_ =	swait.ge [sflag:s9], $0x4000  }
0xaf: {  	[sflag:s9] =	ssyncset.done $0x0  }
0xb0: {  	[sflag:s9] =	ssyncadd.s32 $0xFFFFC000  }
0xb1: {  	[tilespmem:s7], [sflag:$0x2] =	stream.indirect.gather [spmem:s2], $0x80, s19, s6, $0xb8;
	[tilespmem:$0x1E800] =	vst v63  }
0xb2: {  	_ =	swait.ge [sflag:s8], $0x4000  }
0xb3: {  	[sflag:s8] =	ssyncset.done $0x0  }
0xb4: {  	[sflag:s8] =	ssyncadd.s32 $0xFFFFC000  }
0xb5: {  	_ =	swait.ge [sflag:s9], $0x4000  }
0xb6: {  	[sflag:s9] =	ssyncset.done $0x0  }
0xb7: {  	[sflag:s9] =	ssyncadd.s32 $0xFFFFC000  }
0xb8: {  	[tilespmem:s10], [sflag:$0x1] =	stream.indirect.gather [spmem:s2], $0x80, s16, s6, $0xb8;
	[tilespmem:$0x1E800] =	vst v63  }
0xb9: {  	_ = 	snop  }
0xba: {  	[tilespmem:s7], [sflag:$0x2] =	stream.indirect.gather [spmem:s2], $0x80, s17, s6, $0xb8;
	[tilespmem:$0x1E800] =	vst v63  }
0xbb: {  	_ =	swait.ge [sflag:s8], $0x4000  }
0xbc: {  	[sflag:s8] =	ssyncset.done $0x0  }
0xbd: {  	[sflag:s8] =	ssyncadd.s32 $0xFFFFC000  }
0xbe: {  	[tilespmem:s10], [sflag:$0x1] =	stream.indirect.gather [spmem:s2], $0x80, s18, s6, $0xb8;
	[tilespmem:$0x1E800] =	vst v63  }
0xbf: {  	_ =	swait.ge [sflag:s9], $0x4000  }
0xc0: {  	[sflag:s9] =	ssyncset.done $0x0  }
0xc1: {  	[sflag:s9] =	ssyncadd.s32 $0xFFFFC000  }
0xc2: {  	[tilespmem:s7], [sflag:$0x2] =	stream.indirect.gather [spmem:s2], $0x80, s15, s6, $0xb8;
	[tilespmem:$0x1E800] =	vst v63  }
0xc3: {  	_ =	swait.ge [sflag:s8], $0x4000  }
0xc4: {  	[sflag:s8] =	ssyncset.done $0x0  }
0xc5: {  	[sflag:s8] =	ssyncadd.s32 $0xFFFFC000  }
0xc6: {  	[tilespmem:s10], [sflag:$0x1] =	stream.indirect.gather [spmem:s2], $0x80, s14, s6, $0xb8;
	[tilespmem:$0x1E800] =	vst v63  }
0xc7: {  	_ =	swait.ge [sflag:s9], $0x4000  }
0xc8: {  	[sflag:s9] =	ssyncset.done $0x0  }
0xc9: {  	[sflag:s9] =	ssyncadd.s32 $0xFFFFC000  }
0xca: {  	[tilespmem:s7], [sflag:$0x2] =	stream.indirect.gather [spmem:s2], $0x80, s13, s6, $0xb8;
	[tilespmem:$0x1E800] =	vst v63  }
0xcb: {  	_ =	swait.ge [sflag:s8], $0x4000  }
0xcc: {  	[sflag:s8] =	ssyncset.done $0x0  }
0xcd: {  	[sflag:s8] =	ssyncadd.s32 $0xFFFFC000  }
0xce: {  	[tilespmem:s10], [sflag:$0x1] =	stream.indirect.gather [spmem:s2], $0x80, s12, s6, $0xb8;
	[tilespmem:$0x1E800] =	vst v63  }
0xcf: {  	_ =	swait.ge [sflag:s9], $0x4000  }
0xd0: {  	[sflag:s9] =	ssyncset.done $0x0  }
0xd1: {  	[sflag:s9] =	ssyncadd.s32 $0xFFFFC000  }
0xd2: {  	[tilespmem:s7], [sflag:$0x2] =	stream.indirect.gather [spmem:s2], $0x80, s11, s6, $0xb8;
	[tilespmem:$0x1E800] =	vst v63  }
0xd3: {  	_ =	swait.ge [sflag:s8], $0x4000  }
0xd4: {  	[sflag:s8] =	ssyncset.done $0x0  }
0xd5: {  	[sflag:s8] =	ssyncadd.s32 $0xFFFFC000  }
0xd6: {  	_ =	swait.ge [sflag:s9], $0x4000  }
0xd7: {  	[sflag:s9] =	ssyncset.done $0x0  }
0xd8: {  	[sflag:s9] =	ssyncadd.s32 $0xFFFFC000  }
0xd9: {  	[bflag:$0x0] =	sbarrier.arrive $0xFFFF  }
0xda: {  	s1 =	rddreg [dreg:$0x6]  }
0xdb: {  	[hbm:s1], [sflag:s3] =	dma.local [spmem:s4], $0x2800  }
0xdc: {  	s0 =	rddreg [dreg:$0x1b]  }
0xdd: {  	p1 =	sne.s32 s0, $0x1  }
.Ltmp1:
0xde: {  	_ = 	snop;
	(pc) =	sbr.rel @!p1 .LBB2_3-.Ltmp1, $2  }
0xdf: {  	_ =	sdelay $0x2  }
0xe0: {  	p0 =	por $0x1, $0x1;
	_ =	swait.ge [sflag:s5], $0x2800;
	s1 =	sadd.s32 $0xFFFFFFFF, s0  }
.LBB2_2:
0xe1: {  	[sflag:s5] =	ssyncset.done $0x0  }
0xe2: {  	s0 =	rddreg [dreg:$0x3];
	[sflag:s5] =	ssyncadd.s32 $0xFFFFD800  }
0xe3: {  	[spmem:s4], [sflag:s3] =	dma.local [hbm:s0], $0x2800  }
0xe4: {  	_ =	swait.ge [sflag:s5], $0x2800  }
0xe5: {  	[sflag:s5] =	ssyncset.done $0x0  }
0xe6: {  	s11 =	rddreg [dreg:$0x4];
	[sflag:s5] =	ssyncadd.s32 $0xFFFFD800  }
0xe7: {  	[tilespmem:s31], [sflag:$0x3] =	stream.linear.gather [hbm4b:s11+s31], $0x1400, $0x38;
	[tilespmem:$0x1E800] =	vst v63  }
0xe8: {  	_ =	swait.ge [sflag:s5], $0x1400  }
0xe9: {  	s0 =	rddreg [dreg:$0x5];
	[sflag:s5] =	ssyncset.done $0x0  }
0xea: {  	s11 =	rddreg [dreg:$0x7];
	[sflag:s5] =	ssyncadd.s32 $0xFFFFEC00  }
0xeb: {  	[tilespmem:s11], [sflag:$0x3] =	stream.linear.gather [hbm4b:s0+s31], $0x1400, $0x38;
	[tilespmem:$0x1E800] =	vst v63  }
0xec: {  	_ =	swait.ge [sflag:s5], $0x1400  }
0xed: {  	[sflag:s5] =	ssyncset.done $0x0  }
0xee: {  	[sflag:s5] =	ssyncadd.s32 $0xFFFFEC00  }
0xef: {  	[bflag:$0x0] =	sbarrier.arrive $0xFFFF  }
0xf0: {  	[tilespmem:s10], [sflag:$0x1] =	stream.indirect.gather [spmem:s2], $0x80, s31, s6, $0xb8;
	[tilespmem:$0x1E800] =	vst v63  }
0xf1: {  	_ = 	snop  }
0xf2: {  	[tilespmem:s7], [sflag:$0x2] =	stream.indirect.gather [spmem:s2], $0x80, s6, s6, $0xb8;
	[tilespmem:$0x1E800] =	vst v63  }
0xf3: {  	_ =	swait.ge [sflag:s8], $0x4000  }
0xf4: {  	[sflag:s8] =	ssyncset.done $0x0  }
0xf5: {  	s11 =	rddreg [dreg:$0x8];
	[sflag:s8] =	ssyncadd.s32 $0xFFFFC000  }
0xf6: {  	[tilespmem:s10], [sflag:$0x1] =	stream.indirect.gather [spmem:s2], $0x80, s11, s6, $0xb8;
	[tilespmem:$0x1E800] =	vst v63  }
0xf7: {  	_ =	swait.ge [sflag:s9], $0x4000  }
0xf8: {  	[sflag:s9] =	ssyncset.done $0x0  }
0xf9: {  	s11 =	rddreg [dreg:$0x9];
	[sflag:s9] =	ssyncadd.s32 $0xFFFFC000  }
0xfa: {  	[tilespmem:s7], [sflag:$0x2] =	stream.indirect.gather [spmem:s2], $0x80, s11, s6, $0xb8;
	[tilespmem:$0x1E800] =	vst v63  }
0xfb: {  	_ =	swait.ge [sflag:s8], $0x4000  }
0xfc: {  	[sflag:s8] =	ssyncset.done $0x0  }
0xfd: {  	s11 =	rddreg [dreg:$0xa];
	[sflag:s8] =	ssyncadd.s32 $0xFFFFC000  }
0xfe: {  	[tilespmem:s10], [sflag:$0x1] =	stream.indirect.gather [spmem:s2], $0x80, s11, s6, $0xb8;
	[tilespmem:$0x1E800] =	vst v63  }
0xff: {  	_ =	swait.ge [sflag:s9], $0x4000  }
0x100: {  	[sflag:s9] =	ssyncset.done $0x0  }
0x101: {  	s11 =	rddreg [dreg:$0xb];
	[sflag:s9] =	ssyncadd.s32 $0xFFFFC000  }
0x102: {  	[tilespmem:s7], [sflag:$0x2] =	stream.indirect.gather [spmem:s2], $0x80, s11, s6, $0xb8;
	[tilespmem:$0x1E800] =	vst v63  }
0x103: {  	_ =	swait.ge [sflag:s8], $0x4000  }
0x104: {  	[sflag:s8] =	ssyncset.done $0x0  }
0x105: {  	s11 =	rddreg [dreg:$0xc];
	[sflag:s8] =	ssyncadd.s32 $0xFFFFC000  }
0x106: {  	[tilespmem:s10], [sflag:$0x1] =	stream.indirect.gather [spmem:s2], $0x80, s11, s6, $0xb8;
	[tilespmem:$0x1E800] =	vst v63  }
0x107: {  	_ =	swait.ge [sflag:s9], $0x4000  }
0x108: {  	[sflag:s9] =	ssyncset.done $0x0  }
0x109: {  	s11 =	rddreg [dreg:$0xd];
	[sflag:s9] =	ssyncadd.s32 $0xFFFFC000  }
0x10a: {  	[tilespmem:s7], [sflag:$0x2] =	stream.indirect.gather [spmem:s2], $0x80, s11, s6, $0xb8;
	[tilespmem:$0x1E800] =	vst v63  }
0x10b: {  	_ =	swait.ge [sflag:s8], $0x4000  }
0x10c: {  	[sflag:s8] =	ssyncset.done $0x0  }
0x10d: {  	[sflag:s8] =	ssyncadd.s32 $0xFFFFC000  }
0x10e: {  	_ =	swait.ge [sflag:s9], $0x4000  }
0x10f: {  	[sflag:s9] =	ssyncset.done $0x0  }
0x110: {  	s0 =	rddreg [dreg:$0xe];
	[sflag:s9] =	ssyncadd.s32 $0xFFFFC000  }
0x111: {  	[tilespmem:s10], [sflag:$0x1] =	stream.indirect.gather [spmem:s2], $0x80, s0, s6, $0xb8;
	[tilespmem:$0x1E800] =	vst v63  }
0x112: {  	s11 =	rddreg [dreg:$0xf]  }
0x113: {  	[tilespmem:s7], [sflag:$0x2] =	stream.indirect.gather [spmem:s2], $0x80, s11, s6, $0xb8;
	[tilespmem:$0x1E800] =	vst v63  }
0x114: {  	_ =	swait.ge [sflag:s8], $0x4000  }
0x115: {  	[sflag:s8] =	ssyncset.done $0x0  }
0x116: {  	s11 =	rddreg [dreg:$0x10];
	[sflag:s8] =	ssyncadd.s32 $0xFFFFC000  }
0x117: {  	[tilespmem:s10], [sflag:$0x1] =	stream.indirect.gather [spmem:s2], $0x80, s11, s6, $0xb8;
	[tilespmem:$0x1E800] =	vst v63  }
0x118: {  	_ =	swait.ge [sflag:s9], $0x4000  }
0x119: {  	[sflag:s9] =	ssyncset.done $0x0  }
0x11a: {  	s11 =	rddreg [dreg:$0x11];
	[sflag:s9] =	ssyncadd.s32 $0xFFFFC000  }
0x11b: {  	[tilespmem:s7], [sflag:$0x2] =	stream.indirect.gather [spmem:s2], $0x80, s11, s6, $0xb8;
	[tilespmem:$0x1E800] =	vst v63  }
0x11c: {  	_ =	swait.ge [sflag:s8], $0x4000  }
0x11d: {  	[sflag:s8] =	ssyncset.done $0x0  }
0x11e: {  	s11 =	rddreg [dreg:$0x12];
	[sflag:s8] =	ssyncadd.s32 $0xFFFFC000  }
0x11f: {  	[tilespmem:s10], [sflag:$0x1] =	stream.indirect.gather [spmem:s2], $0x80, s11, s6, $0xb8;
	[tilespmem:$0x1E800] =	vst v63  }
0x120: {  	_ =	swait.ge [sflag:s9], $0x4000  }
0x121: {  	[sflag:s9] =	ssyncset.done $0x0  }
0x122: {  	s11 =	rddreg [dreg:$0x13];
	[sflag:s9] =	ssyncadd.s32 $0xFFFFC000  }
0x123: {  	[tilespmem:s7], [sflag:$0x2] =	stream.indirect.gather [spmem:s2], $0x80, s11, s6, $0xb8;
	[tilespmem:$0x1E800] =	vst v63  }
0x124: {  	_ =	swait.ge [sflag:s8], $0x4000  }
0x125: {  	[sflag:s8] =	ssyncset.done $0x0  }
0x126: {  	s11 =	rddreg [dreg:$0x14];
	[sflag:s8] =	ssyncadd.s32 $0xFFFFC000  }
0x127: {  	[tilespmem:s10], [sflag:$0x1] =	stream.indirect.gather [spmem:s2], $0x80, s11, s6, $0xb8;
	[tilespmem:$0x1E800] =	vst v63  }
0x128: {  	_ =	swait.ge [sflag:s9], $0x4000  }
0x129: {  	[sflag:s9] =	ssyncset.done $0x0  }
0x12a: {  	s11 =	rddreg [dreg:$0x15];
	[sflag:s9] =	ssyncadd.s32 $0xFFFFC000  }
0x12b: {  	[tilespmem:s7], [sflag:$0x2] =	stream.indirect.gather [spmem:s2], $0x80, s11, s6, $0xb8;
	[tilespmem:$0x1E800] =	vst v63  }
0x12c: {  	_ =	swait.ge [sflag:s8], $0x4000  }
0x12d: {  	[sflag:s8] =	ssyncset.done $0x0  }
0x12e: {  	[sflag:s8] =	ssyncadd.s32 $0xFFFFC000  }
0x12f: {  	_ =	swait.ge [sflag:s9], $0x4000  }
0x130: {  	[sflag:s9] =	ssyncset.done $0x0  }
0x131: {  	s0 =	rddreg [dreg:$0x16];
	[sflag:s9] =	ssyncadd.s32 $0xFFFFC000  }
0x132: {  	[tilespmem:s10], [sflag:$0x1] =	stream.indirect.gather [spmem:s2], $0x80, s0, s6, $0xb8;
	[tilespmem:$0x1E800] =	vst v63  }
0x133: {  	s11 =	rddreg [dreg:$0x17]  }
0x134: {  	[tilespmem:s7], [sflag:$0x2] =	stream.indirect.gather [spmem:s2], $0x80, s11, s6, $0xb8;
	[tilespmem:$0x1E800] =	vst v63  }
0x135: {  	_ =	swait.ge [sflag:s8], $0x4000  }
0x136: {  	[sflag:s8] =	ssyncset.done $0x0  }
0x137: {  	s0 =	rddreg [dreg:$0x18];
	[sflag:s8] =	ssyncadd.s32 $0xFFFFC000  }
0x138: {  	[tilespmem:s10], [sflag:$0x1] =	stream.indirect.gather [spmem:s2], $0x80, s0, s6, $0xb8;
	[tilespmem:$0x1E800] =	vst v63  }
0x139: {  	_ =	swait.ge [sflag:s9], $0x4000  }
0x13a: {  	[sflag:s9] =	ssyncset.done $0x0  }
0x13b: {  	s0 =	rddreg [dreg:$0x19];
	[sflag:s9] =	ssyncadd.s32 $0xFFFFC000  }
0x13c: {  	[tilespmem:s7], [sflag:$0x2] =	stream.indirect.gather [spmem:s2], $0x80, s0, s6, $0xb8;
	[tilespmem:$0x1E800] =	vst v63  }
0x13d: {  	_ =	swait.ge [sflag:s8], $0x4000  }
0x13e: {  	[sflag:s8] =	ssyncset.done $0x0  }
0x13f: {  	s0 =	rddreg [dreg:$0x1a];
	[sflag:s8] =	ssyncadd.s32 $0xFFFFC000  }
0x140: {  	[tilespmem:s10], [sflag:$0x1] =	stream.indirect.gather [spmem:s2], $0x80, s0, s6, $0xb8;
	[tilespmem:$0x1E800] =	vst v63  }
0x141: {  	_ =	swait.ge [sflag:s9], $0x4000  }
0x142: {  	[sflag:s9] =	ssyncset.done $0x0  }
0x143: {  	[sflag:s9] =	ssyncadd.s32 $0xFFFFC000  }
0x144: {  	[tilespmem:s7], [sflag:$0x2] =	stream.indirect.gather [spmem:s2], $0x80, s30, s6, $0xb8;
	[tilespmem:$0x1E800] =	vst v63  }
0x145: {  	_ =	swait.ge [sflag:s8], $0x4000  }
0x146: {  	[sflag:s8] =	ssyncset.done $0x0  }
0x147: {  	[sflag:s8] =	ssyncadd.s32 $0xFFFFC000  }
0x148: {  	[tilespmem:s10], [sflag:$0x1] =	stream.indirect.gather [spmem:s2], $0x80, s29, s6, $0xb8;
	[tilespmem:$0x1E800] =	vst v63  }
0x149: {  	_ =	swait.ge [sflag:s9], $0x4000  }
0x14a: {  	[sflag:s9] =	ssyncset.done $0x0  }
0x14b: {  	[sflag:s9] =	ssyncadd.s32 $0xFFFFC000  }
0x14c: {  	[tilespmem:s7], [sflag:$0x2] =	stream.indirect.gather [spmem:s2], $0x80, s28, s6, $0xb8;
	[tilespmem:$0x1E800] =	vst v63  }
0x14d: {  	_ =	swait.ge [sflag:s8], $0x4000  }
0x14e: {  	[sflag:s8] =	ssyncset.done $0x0  }
0x14f: {  	[sflag:s8] =	ssyncadd.s32 $0xFFFFC000  }
0x150: {  	_ =	swait.ge [sflag:s9], $0x4000  }
0x151: {  	[sflag:s9] =	ssyncset.done $0x0  }
0x152: {  	[sflag:s9] =	ssyncadd.s32 $0xFFFFC000  }
0x153: {  	[tilespmem:s10], [sflag:$0x1] =	stream.indirect.gather [spmem:s2], $0x80, s25, s6, $0xb8;
	[tilespmem:$0x1E800] =	vst v63  }
0x154: {  	_ = 	snop  }
0x155: {  	[tilespmem:s7], [sflag:$0x2] =	stream.indirect.gather [spmem:s2], $0x80, s26, s6, $0xb8;
	[tilespmem:$0x1E800] =	vst v63  }
0x156: {  	_ =	swait.ge [sflag:s8], $0x4000  }
0x157: {  	[sflag:s8] =	ssyncset.done $0x0  }
0x158: {  	[sflag:s8] =	ssyncadd.s32 $0xFFFFC000  }
0x159: {  	[tilespmem:s10], [sflag:$0x1] =	stream.indirect.gather [spmem:s2], $0x80, s24, s6, $0xb8;
	[tilespmem:$0x1E800] =	vst v63  }
0x15a: {  	_ =	swait.ge [sflag:s9], $0x4000  }
0x15b: {  	[sflag:s9] =	ssyncset.done $0x0  }
0x15c: {  	[sflag:s9] =	ssyncadd.s32 $0xFFFFC000  }
0x15d: {  	[tilespmem:s7], [sflag:$0x2] =	stream.indirect.gather [spmem:s2], $0x80, s23, s6, $0xb8;
	[tilespmem:$0x1E800] =	vst v63  }
0x15e: {  	_ =	swait.ge [sflag:s8], $0x4000  }
0x15f: {  	[sflag:s8] =	ssyncset.done $0x0  }
0x160: {  	[sflag:s8] =	ssyncadd.s32 $0xFFFFC000  }
0x161: {  	[tilespmem:s10], [sflag:$0x1] =	stream.indirect.gather [spmem:s2], $0x80, s22, s6, $0xb8;
	[tilespmem:$0x1E800] =	vst v63  }
0x162: {  	_ =	swait.ge [sflag:s9], $0x4000  }
0x163: {  	[sflag:s9] =	ssyncset.done $0x0  }
0x164: {  	[sflag:s9] =	ssyncadd.s32 $0xFFFFC000  }
0x165: {  	[tilespmem:s7], [sflag:$0x2] =	stream.indirect.gather [spmem:s2], $0x80, s21, s6, $0xb8;
	[tilespmem:$0x1E800] =	vst v63  }
0x166: {  	_ =	swait.ge [sflag:s8], $0x4000  }
0x167: {  	[sflag:s8] =	ssyncset.done $0x0  }
0x168: {  	[sflag:s8] =	ssyncadd.s32 $0xFFFFC000  }
0x169: {  	[tilespmem:s10], [sflag:$0x1] =	stream.indirect.gather [spmem:s2], $0x80, s20, s6, $0xb8;
	[tilespmem:$0x1E800] =	vst v63  }
0x16a: {  	_ =	swait.ge [sflag:s9], $0x4000  }
0x16b: {  	[sflag:s9] =	ssyncset.done $0x0  }
0x16c: {  	[sflag:s9] =	ssyncadd.s32 $0xFFFFC000  }
0x16d: {  	[tilespmem:s7], [sflag:$0x2] =	stream.indirect.gather [spmem:s2], $0x80, s19, s6, $0xb8;
	[tilespmem:$0x1E800] =	vst v63  }
0x16e: {  	_ =	swait.ge [sflag:s8], $0x4000  }
0x16f: {  	[sflag:s8] =	ssyncset.done $0x0  }
0x170: {  	[sflag:s8] =	ssyncadd.s32 $0xFFFFC000  }
0x171: {  	_ =	swait.ge [sflag:s9], $0x4000  }
0x172: {  	[sflag:s9] =	ssyncset.done $0x0  }
0x173: {  	[sflag:s9] =	ssyncadd.s32 $0xFFFFC000  }
0x174: {  	[tilespmem:s10], [sflag:$0x1] =	stream.indirect.gather [spmem:s2], $0x80, s16, s6, $0xb8;
	[tilespmem:$0x1E800] =	vst v63  }
0x175: {  	_ = 	snop  }
0x176: {  	[tilespmem:s7], [sflag:$0x2] =	stream.indirect.gather [spmem:s2], $0x80, s17, s6, $0xb8;
	[tilespmem:$0x1E800] =	vst v63  }
0x177: {  	_ =	swait.ge [sflag:s8], $0x4000  }
0x178: {  	[sflag:s8] =	ssyncset.done $0x0  }
0x179: {  	[sflag:s8] =	ssyncadd.s32 $0xFFFFC000  }
0x17a: {  	[tilespmem:s10], [sflag:$0x1] =	stream.indirect.gather [spmem:s2], $0x80, s18, s6, $0xb8;
	[tilespmem:$0x1E800] =	vst v63  }
0x17b: {  	_ =	swait.ge [sflag:s9], $0x4000  }
0x17c: {  	[sflag:s9] =	ssyncset.done $0x0  }
0x17d: {  	[sflag:s9] =	ssyncadd.s32 $0xFFFFC000  }
0x17e: {  	[tilespmem:s7], [sflag:$0x2] =	stream.indirect.gather [spmem:s2], $0x80, s15, s6, $0xb8;
	[tilespmem:$0x1E800] =	vst v63  }
0x17f: {  	_ =	swait.ge [sflag:s8], $0x4000  }
0x180: {  	[sflag:s8] =	ssyncset.done $0x0  }
0x181: {  	[sflag:s8] =	ssyncadd.s32 $0xFFFFC000  }
0x182: {  	[tilespmem:s10], [sflag:$0x1] =	stream.indirect.gather [spmem:s2], $0x80, s14, s6, $0xb8;
	[tilespmem:$0x1E800] =	vst v63  }
0x183: {  	_ =	swait.ge [sflag:s9], $0x4000  }
0x184: {  	[sflag:s9] =	ssyncset.done $0x0  }
0x185: {  	[sflag:s9] =	ssyncadd.s32 $0xFFFFC000  }
0x186: {  	[tilespmem:s7], [sflag:$0x2] =	stream.indirect.gather [spmem:s2], $0x80, s13, s6, $0xb8;
	[tilespmem:$0x1E800] =	vst v63  }
0x187: {  	_ =	swait.ge [sflag:s8], $0x4000  }
0x188: {  	[sflag:s8] =	ssyncset.done $0x0  }
0x189: {  	[sflag:s8] =	ssyncadd.s32 $0xFFFFC000  }
0x18a: {  	[tilespmem:s10], [sflag:$0x1] =	stream.indirect.gather [spmem:s2], $0x80, s12, s6, $0xb8;
	[tilespmem:$0x1E800] =	vst v63  }
0x18b: {  	_ =	swait.ge [sflag:s9], $0x4000  }
0x18c: {  	[sflag:s9] =	ssyncset.done $0x0  }
0x18d: {  	s11 =	simm.s32 $0x1380;
	[sflag:s9] =	ssyncadd.s32 $0xFFFFC000  }
0x18e: {  	[tilespmem:s7], [sflag:$0x2] =	stream.indirect.gather [spmem:s2], $0x80, s11, s6, $0xb8;
	[tilespmem:$0x1E800] =	vst v63  }
0x18f: {  	_ =	swait.ge [sflag:s8], $0x4000  }
0x190: {  	[sflag:s8] =	ssyncset.done $0x0  }
0x191: {  	[sflag:s8] =	ssyncadd.s32 $0xFFFFC000  }
0x192: {  	_ =	swait.ge [sflag:s9], $0x4000  }
0x193: {  	p1 =	sne.s32 s1, $0x1;
	[sflag:s9] =	ssyncset.done $0x0  }
.Ltmp2:
0x194: {  	[sflag:s9] =	ssyncadd.s32 $0xFFFFC000;
	(pc) =	sbr.rel @p1 .LBB2_2-.Ltmp2, $4  }
0x195: {  	[bflag:$0x0] =	sbarrier.arrive $0xFFFF  }
0x196: {  	s0 =	rddreg [dreg:$0x6]  }
0x197: {  	[hbm:s0], [sflag:s3] =	dma.local [spmem:s4], $0x2800  }
0x198: {  	s1 =	sadd.s32 $0xFFFFFFFF, s1;
	_ =	swait.ge [sflag:s5], $0x2800  }
.LBB2_3:
0x199: {  	[sflag:s5] =	ssyncset.done @p0 $0x0  }
0x19a: {  	s0 =	rddreg [dreg:$0x3];
	[sflag:s5] =	ssyncadd.s32 @p0 $0xFFFFD800  }
0x19b: {  	[spmem:s4], [sflag:s3] =	dma.local [hbm:s0], $0x2800  }
0x19c: {  	_ =	swait.ge [sflag:s5], $0x2800  }
0x19d: {  	[sflag:s5] =	ssyncset.done $0x0  }
0x19e: {  	s1 =	rddreg [dreg:$0x4];
	[sflag:s5] =	ssyncadd.s32 $0xFFFFD800  }
0x19f: {  	[tilespmem:s31], [sflag:$0x3] =	stream.linear.gather [hbm4b:s1+s31], $0x1400, $0x38;
	[tilespmem:$0x1E800] =	vst v63  }
0x1a0: {  	_ =	swait.ge [sflag:s5], $0x1400  }
0x1a1: {  	s0 =	rddreg [dreg:$0x5];
	[sflag:s5] =	ssyncset.done $0x0  }
0x1a2: {  	s1 =	rddreg [dreg:$0x7];
	[sflag:s5] =	ssyncadd.s32 $0xFFFFEC00  }
0x1a3: {  	[tilespmem:s1], [sflag:$0x3] =	stream.linear.gather [hbm4b:s0+s31], $0x1400, $0x38;
	[tilespmem:$0x1E800] =	vst v63  }
0x1a4: {  	_ =	swait.ge [sflag:s5], $0x1400  }
0x1a5: {  	[sflag:s5] =	ssyncset.done $0x0  }
0x1a6: {  	[sflag:s5] =	ssyncadd.s32 $0xFFFFEC00  }
0x1a7: {  	[bflag:$0x0] =	sbarrier.arrive $0xFFFF  }
0x1a8: {  	[tilespmem:s10], [sflag:$0x1] =	stream.indirect.gather [spmem:s2], $0x80, s31, s6, $0xb8;
	[tilespmem:$0x1E800] =	vst v63  }
0x1a9: {  	_ = 	snop  }
0x1aa: {  	[tilespmem:s7], [sflag:$0x2] =	stream.indirect.gather [spmem:s2], $0x80, s6, s6, $0xb8;
	[tilespmem:$0x1E800] =	vst v63  }
0x1ab: {  	_ =	swait.ge [sflag:s8], $0x4000  }
0x1ac: {  	[sflag:s8] =	ssyncset.done $0x0  }
0x1ad: {  	s1 =	rddreg [dreg:$0x8];
	[sflag:s8] =	ssyncadd.s32 $0xFFFFC000  }
0x1ae: {  	[tilespmem:s10], [sflag:$0x1] =	stream.indirect.gather [spmem:s2], $0x80, s1, s6, $0xb8;
	[tilespmem:$0x1E800] =	vst v63  }
0x1af: {  	_ =	swait.ge [sflag:s9], $0x4000  }
0x1b0: {  	[sflag:s9] =	ssyncset.done $0x0  }
0x1b1: {  	s31 =	rddreg [dreg:$0x9];
	[sflag:s9] =	ssyncadd.s32 $0xFFFFC000  }
0x1b2: {  	[tilespmem:s7], [sflag:$0x2] =	stream.indirect.gather [spmem:s2], $0x80, s31, s6, $0xb8;
	[tilespmem:$0x1E800] =	vst v63  }
0x1b3: {  	_ =	swait.ge [sflag:s8], $0x4000  }
0x1b4: {  	[sflag:s8] =	ssyncset.done $0x0  }
0x1b5: {  	s1 =	rddreg [dreg:$0xa];
	[sflag:s8] =	ssyncadd.s32 $0xFFFFC000  }
0x1b6: {  	[tilespmem:s10], [sflag:$0x1] =	stream.indirect.gather [spmem:s2], $0x80, s1, s6, $0xb8;
	[tilespmem:$0x1E800] =	vst v63  }
0x1b7: {  	_ =	swait.ge [sflag:s9], $0x4000  }
0x1b8: {  	[sflag:s9] =	ssyncset.done $0x0  }
0x1b9: {  	s31 =	rddreg [dreg:$0xb];
	[sflag:s9] =	ssyncadd.s32 $0xFFFFC000  }
0x1ba: {  	[tilespmem:s7], [sflag:$0x2] =	stream.indirect.gather [spmem:s2], $0x80, s31, s6, $0xb8;
	[tilespmem:$0x1E800] =	vst v63  }
0x1bb: {  	_ =	swait.ge [sflag:s8], $0x4000  }
0x1bc: {  	[sflag:s8] =	ssyncset.done $0x0  }
0x1bd: {  	s1 =	rddreg [dreg:$0xc];
	[sflag:s8] =	ssyncadd.s32 $0xFFFFC000  }
0x1be: {  	[tilespmem:s10], [sflag:$0x1] =	stream.indirect.gather [spmem:s2], $0x80, s1, s6, $0xb8;
	[tilespmem:$0x1E800] =	vst v63  }
0x1bf: {  	_ =	swait.ge [sflag:s9], $0x4000  }
0x1c0: {  	[sflag:s9] =	ssyncset.done $0x0  }
0x1c1: {  	s31 =	rddreg [dreg:$0xd];
	[sflag:s9] =	ssyncadd.s32 $0xFFFFC000  }
0x1c2: {  	[tilespmem:s7], [sflag:$0x2] =	stream.indirect.gather [spmem:s2], $0x80, s31, s6, $0xb8;
	[tilespmem:$0x1E800] =	vst v63  }
0x1c3: {  	_ =	swait.ge [sflag:s8], $0x4000  }
0x1c4: {  	[sflag:s8] =	ssyncset.done $0x0  }
0x1c5: {  	[sflag:s8] =	ssyncadd.s32 $0xFFFFC000  }
0x1c6: {  	_ =	swait.ge [sflag:s9], $0x4000  }
0x1c7: {  	[sflag:s9] =	ssyncset.done $0x0  }
0x1c8: {  	s1 =	rddreg [dreg:$0xe];
	[sflag:s9] =	ssyncadd.s32 $0xFFFFC000  }
0x1c9: {  	[tilespmem:s10], [sflag:$0x1] =	stream.indirect.gather [spmem:s2], $0x80, s1, s6, $0xb8;
	[tilespmem:$0x1E800] =	vst v63  }
0x1ca: {  	s31 =	rddreg [dreg:$0xf]  }
0x1cb: {  	[tilespmem:s7], [sflag:$0x2] =	stream.indirect.gather [spmem:s2], $0x80, s31, s6, $0xb8;
	[tilespmem:$0x1E800] =	vst v63  }
0x1cc: {  	_ =	swait.ge [sflag:s8], $0x4000  }
0x1cd: {  	[sflag:s8] =	ssyncset.done $0x0  }
0x1ce: {  	s1 =	rddreg [dreg:$0x10];
	[sflag:s8] =	ssyncadd.s32 $0xFFFFC000  }
0x1cf: {  	[tilespmem:s10], [sflag:$0x1] =	stream.indirect.gather [spmem:s2], $0x80, s1, s6, $0xb8;
	[tilespmem:$0x1E800] =	vst v63  }
0x1d0: {  	_ =	swait.ge [sflag:s9], $0x4000  }
0x1d1: {  	[sflag:s9] =	ssyncset.done $0x0  }
0x1d2: {  	s31 =	rddreg [dreg:$0x11];
	[sflag:s9] =	ssyncadd.s32 $0xFFFFC000  }
0x1d3: {  	[tilespmem:s7], [sflag:$0x2] =	stream.indirect.gather [spmem:s2], $0x80, s31, s6, $0xb8;
	[tilespmem:$0x1E800] =	vst v63  }
0x1d4: {  	_ =	swait.ge [sflag:s8], $0x4000  }
0x1d5: {  	[sflag:s8] =	ssyncset.done $0x0  }
0x1d6: {  	s1 =	rddreg [dreg:$0x12];
	[sflag:s8] =	ssyncadd.s32 $0xFFFFC000  }
0x1d7: {  	[tilespmem:s10], [sflag:$0x1] =	stream.indirect.gather [spmem:s2], $0x80, s1, s6, $0xb8;
	[tilespmem:$0x1E800] =	vst v63  }
0x1d8: {  	_ =	swait.ge [sflag:s9], $0x4000  }
0x1d9: {  	[sflag:s9] =	ssyncset.done $0x0  }
0x1da: {  	s31 =	rddreg [dreg:$0x13];
	[sflag:s9] =	ssyncadd.s32 $0xFFFFC000  }
0x1db: {  	[tilespmem:s7], [sflag:$0x2] =	stream.indirect.gather [spmem:s2], $0x80, s31, s6, $0xb8;
	[tilespmem:$0x1E800] =	vst v63  }
0x1dc: {  	_ =	swait.ge [sflag:s8], $0x4000  }
0x1dd: {  	[sflag:s8] =	ssyncset.done $0x0  }
0x1de: {  	s1 =	rddreg [dreg:$0x14];
	[sflag:s8] =	ssyncadd.s32 $0xFFFFC000  }
0x1df: {  	[tilespmem:s10], [sflag:$0x1] =	stream.indirect.gather [spmem:s2], $0x80, s1, s6, $0xb8;
	[tilespmem:$0x1E800] =	vst v63  }
0x1e0: {  	_ =	swait.ge [sflag:s9], $0x4000  }
0x1e1: {  	[sflag:s9] =	ssyncset.done $0x0  }
0x1e2: {  	s31 =	rddreg [dreg:$0x15];
	[sflag:s9] =	ssyncadd.s32 $0xFFFFC000  }
0x1e3: {  	[tilespmem:s7], [sflag:$0x2] =	stream.indirect.gather [spmem:s2], $0x80, s31, s6, $0xb8;
	[tilespmem:$0x1E800] =	vst v63  }
0x1e4: {  	_ =	swait.ge [sflag:s8], $0x4000  }
0x1e5: {  	[sflag:s8] =	ssyncset.done $0x0  }
0x1e6: {  	[sflag:s8] =	ssyncadd.s32 $0xFFFFC000  }
0x1e7: {  	_ =	swait.ge [sflag:s9], $0x4000  }
0x1e8: {  	[sflag:s9] =	ssyncset.done $0x0  }
0x1e9: {  	s1 =	rddreg [dreg:$0x16];
	[sflag:s9] =	ssyncadd.s32 $0xFFFFC000  }
0x1ea: {  	[tilespmem:s10], [sflag:$0x1] =	stream.indirect.gather [spmem:s2], $0x80, s1, s6, $0xb8;
	[tilespmem:$0x1E800] =	vst v63  }
0x1eb: {  	s31 =	rddreg [dreg:$0x17]  }
0x1ec: {  	[tilespmem:s7], [sflag:$0x2] =	stream.indirect.gather [spmem:s2], $0x80, s31, s6, $0xb8;
	[tilespmem:$0x1E800] =	vst v63  }
0x1ed: {  	_ =	swait.ge [sflag:s8], $0x4000  }
0x1ee: {  	[sflag:s8] =	ssyncset.done $0x0  }
0x1ef: {  	s1 =	rddreg [dreg:$0x18];
	[sflag:s8] =	ssyncadd.s32 $0xFFFFC000  }
0x1f0: {  	[tilespmem:s10], [sflag:$0x1] =	stream.indirect.gather [spmem:s2], $0x80, s1, s6, $0xb8;
	[tilespmem:$0x1E800] =	vst v63  }
0x1f1: {  	_ =	swait.ge [sflag:s9], $0x4000  }
0x1f2: {  	[sflag:s9] =	ssyncset.done $0x0  }
0x1f3: {  	s31 =	rddreg [dreg:$0x19];
	[sflag:s9] =	ssyncadd.s32 $0xFFFFC000  }
0x1f4: {  	[tilespmem:s7], [sflag:$0x2] =	stream.indirect.gather [spmem:s2], $0x80, s31, s6, $0xb8;
	[tilespmem:$0x1E800] =	vst v63  }
0x1f5: {  	_ =	swait.ge [sflag:s8], $0x4000  }
0x1f6: {  	[sflag:s8] =	ssyncset.done $0x0  }
0x1f7: {  	s1 =	rddreg [dreg:$0x1a];
	[sflag:s8] =	ssyncadd.s32 $0xFFFFC000  }
0x1f8: {  	[tilespmem:s10], [sflag:$0x1] =	stream.indirect.gather [spmem:s2], $0x80, s1, s6, $0xb8;
	[tilespmem:$0x1E800] =	vst v63  }
0x1f9: {  	_ =	swait.ge [sflag:s9], $0x4000  }
0x1fa: {  	[sflag:s9] =	ssyncset.done $0x0  }
0x1fb: {  	[sflag:s9] =	ssyncadd.s32 $0xFFFFC000  }
0x1fc: {  	[tilespmem:s7], [sflag:$0x2] =	stream.indirect.gather [spmem:s2], $0x80, s30, s6, $0xb8;
	[tilespmem:$0x1E800] =	vst v63  }
0x1fd: {  	_ =	swait.ge [sflag:s8], $0x4000  }
0x1fe: {  	[sflag:s8] =	ssyncset.done $0x0  }
0x1ff: {  	[sflag:s8] =	ssyncadd.s32 $0xFFFFC000  }
0x200: {  	[tilespmem:s10], [sflag:$0x1] =	stream.indirect.gather [spmem:s2], $0x80, s29, s6, $0xb8;
	[tilespmem:$0x1E800] =	vst v63  }
0x201: {  	_ =	swait.ge [sflag:s9], $0x4000  }
0x202: {  	[sflag:s9] =	ssyncset.done $0x0  }
0x203: {  	[sflag:s9] =	ssyncadd.s32 $0xFFFFC000  }
0x204: {  	[tilespmem:s7], [sflag:$0x2] =	stream.indirect.gather [spmem:s2], $0x80, s28, s6, $0xb8;
	[tilespmem:$0x1E800] =	vst v63  }
0x205: {  	_ =	swait.ge [sflag:s8], $0x4000  }
0x206: {  	[sflag:s8] =	ssyncset.done $0x0  }
0x207: {  	[sflag:s8] =	ssyncadd.s32 $0xFFFFC000  }
0x208: {  	_ =	swait.ge [sflag:s9], $0x4000  }
0x209: {  	[sflag:s9] =	ssyncset.done $0x0  }
0x20a: {  	[sflag:s9] =	ssyncadd.s32 $0xFFFFC000  }
0x20b: {  	[tilespmem:s10], [sflag:$0x1] =	stream.indirect.gather [spmem:s2], $0x80, s25, s6, $0xb8;
	[tilespmem:$0x1E800] =	vst v63  }
0x20c: {  	_ = 	snop  }
0x20d: {  	[tilespmem:s7], [sflag:$0x2] =	stream.indirect.gather [spmem:s2], $0x80, s26, s6, $0xb8;
	[tilespmem:$0x1E800] =	vst v63  }
0x20e: {  	_ =	swait.ge [sflag:s8], $0x4000  }
0x20f: {  	[sflag:s8] =	ssyncset.done $0x0  }
0x210: {  	[sflag:s8] =	ssyncadd.s32 $0xFFFFC000  }
0x211: {  	[tilespmem:s10], [sflag:$0x1] =	stream.indirect.gather [spmem:s2], $0x80, s24, s6, $0xb8;
	[tilespmem:$0x1E800] =	vst v63  }
0x212: {  	_ =	swait.ge [sflag:s9], $0x4000  }
0x213: {  	[sflag:s9] =	ssyncset.done $0x0  }
0x214: {  	[sflag:s9] =	ssyncadd.s32 $0xFFFFC000  }
0x215: {  	[tilespmem:s7], [sflag:$0x2] =	stream.indirect.gather [spmem:s2], $0x80, s23, s6, $0xb8;
	[tilespmem:$0x1E800] =	vst v63  }
0x216: {  	_ =	swait.ge [sflag:s8], $0x4000  }
0x217: {  	[sflag:s8] =	ssyncset.done $0x0  }
0x218: {  	[sflag:s8] =	ssyncadd.s32 $0xFFFFC000  }
0x219: {  	[tilespmem:s10], [sflag:$0x1] =	stream.indirect.gather [spmem:s2], $0x80, s22, s6, $0xb8;
	[tilespmem:$0x1E800] =	vst v63  }
0x21a: {  	_ =	swait.ge [sflag:s9], $0x4000  }
0x21b: {  	[sflag:s9] =	ssyncset.done $0x0  }
0x21c: {  	[sflag:s9] =	ssyncadd.s32 $0xFFFFC000  }
0x21d: {  	[tilespmem:s7], [sflag:$0x2] =	stream.indirect.gather [spmem:s2], $0x80, s21, s6, $0xb8;
	[tilespmem:$0x1E800] =	vst v63  }
0x21e: {  	_ =	swait.ge [sflag:s8], $0x4000  }
0x21f: {  	[sflag:s8] =	ssyncset.done $0x0  }
0x220: {  	[sflag:s8] =	ssyncadd.s32 $0xFFFFC000  }
0x221: {  	[tilespmem:s10], [sflag:$0x1] =	stream.indirect.gather [spmem:s2], $0x80, s20, s6, $0xb8;
	[tilespmem:$0x1E800] =	vst v63  }
0x222: {  	_ =	swait.ge [sflag:s9], $0x4000  }
0x223: {  	[sflag:s9] =	ssyncset.done $0x0  }
0x224: {  	[sflag:s9] =	ssyncadd.s32 $0xFFFFC000  }
0x225: {  	[tilespmem:s7], [sflag:$0x2] =	stream.indirect.gather [spmem:s2], $0x80, s19, s6, $0xb8;
	[tilespmem:$0x1E800] =	vst v63  }
0x226: {  	_ =	swait.ge [sflag:s8], $0x4000  }
0x227: {  	[sflag:s8] =	ssyncset.done $0x0  }
0x228: {  	[sflag:s8] =	ssyncadd.s32 $0xFFFFC000  }
0x229: {  	_ =	swait.ge [sflag:s9], $0x4000  }
0x22a: {  	[sflag:s9] =	ssyncset.done $0x0  }
0x22b: {  	[sflag:s9] =	ssyncadd.s32 $0xFFFFC000  }
0x22c: {  	[tilespmem:s10], [sflag:$0x1] =	stream.indirect.gather [spmem:s2], $0x80, s16, s6, $0xb8;
	[tilespmem:$0x1E800] =	vst v63  }
0x22d: {  	_ = 	snop  }
0x22e: {  	[tilespmem:s7], [sflag:$0x2] =	stream.indirect.gather [spmem:s2], $0x80, s17, s6, $0xb8;
	[tilespmem:$0x1E800] =	vst v63  }
0x22f: {  	_ =	swait.ge [sflag:s8], $0x4000  }
0x230: {  	[sflag:s8] =	ssyncset.done $0x0  }
0x231: {  	[sflag:s8] =	ssyncadd.s32 $0xFFFFC000  }
0x232: {  	[tilespmem:s10], [sflag:$0x1] =	stream.indirect.gather [spmem:s2], $0x80, s18, s6, $0xb8;
	[tilespmem:$0x1E800] =	vst v63  }
0x233: {  	_ =	swait.ge [sflag:s9], $0x4000  }
0x234: {  	[sflag:s9] =	ssyncset.done $0x0  }
0x235: {  	[sflag:s9] =	ssyncadd.s32 $0xFFFFC000  }
0x236: {  	[tilespmem:s7], [sflag:$0x2] =	stream.indirect.gather [spmem:s2], $0x80, s15, s6, $0xb8;
	[tilespmem:$0x1E800] =	vst v63  }
0x237: {  	_ =	swait.ge [sflag:s8], $0x4000  }
0x238: {  	[sflag:s8] =	ssyncset.done $0x0  }
0x239: {  	[sflag:s8] =	ssyncadd.s32 $0xFFFFC000  }
0x23a: {  	[tilespmem:s10], [sflag:$0x1] =	stream.indirect.gather [spmem:s2], $0x80, s14, s6, $0xb8;
	[tilespmem:$0x1E800] =	vst v63  }
0x23b: {  	_ =	swait.ge [sflag:s9], $0x4000  }
0x23c: {  	[sflag:s9] =	ssyncset.done $0x0  }
0x23d: {  	[sflag:s9] =	ssyncadd.s32 $0xFFFFC000  }
0x23e: {  	[tilespmem:s7], [sflag:$0x2] =	stream.indirect.gather [spmem:s2], $0x80, s13, s6, $0xb8;
	[tilespmem:$0x1E800] =	vst v63  }
0x23f: {  	_ =	swait.ge [sflag:s8], $0x4000  }
0x240: {  	[sflag:s8] =	ssyncset.done $0x0  }
0x241: {  	[sflag:s8] =	ssyncadd.s32 $0xFFFFC000  }
0x242: {  	[tilespmem:s10], [sflag:$0x1] =	stream.indirect.gather [spmem:s2], $0x80, s12, s6, $0xb8;
	[tilespmem:$0x1E800] =	vst v63  }
0x243: {  	_ =	swait.ge [sflag:s9], $0x4000  }
0x244: {  	[sflag:s9] =	ssyncset.done $0x0  }
0x245: {  	[sflag:s9] =	ssyncadd.s32 $0xFFFFC000  }
0x246: {  	[tilespmem:s7], [sflag:$0x2] =	stream.indirect.gather [spmem:s2], $0x80, s11, s6, $0xb8;
	[tilespmem:$0x1E800] =	vst v63  }
0x247: {  	_ =	swait.ge [sflag:s8], $0x4000  }
0x248: {  	[sflag:s8] =	ssyncset.done $0x0  }
0x249: {  	[sflag:s8] =	ssyncadd.s32 $0xFFFFC000  }
0x24a: {  	_ =	swait.ge [sflag:s9], $0x4000  }
0x24b: {  	[sflag:s9] =	ssyncset.done $0x0  }
0x24c: {  	[sflag:s9] =	ssyncadd.s32 $0xFFFFC000  }
0x24d: {  	[bflag:$0x0] =	sbarrier.arrive $0xFFFF  }
0x24e: {  	s30 =	rddreg [dreg:$0x6]  }
0x24f: {  	[hbm:s30], [sflag:s3] =	dma.local [spmem:s4], $0x2800  }
0x250: {  	_ =	swait.ge [sflag:s5], $0x2800  }
0x251: {  	[sflag:s5] =	ssyncset.done $0x0  }
0x252: {  	[sflag:s5] =	ssyncadd.s32 $0xFFFFD800  }
0x253: {  	_ =	sfence.sel $0x180000  }
0x254: {  	[bflag:$0x0] =	sbarrier.arrive $0xFFFF  }
0x255: {  	_ =	strace $0x9000004A  }
0x256: {  	s31 =	stileid.u32;
	[bflag:$0x2] =	sbarrier.arrive $0xFFFF  }
0x257: {  	p0 =	sne.s32 s31, $0x0;
	s0 =	rddreg [dreg:$0x2]  }
0x258: {  	s0 =	sadd.s32 @!p0 $0x100000, s0  }
0x259: {  	[sflag:s0] =	ssyncadd.tile.s32 @!p0 $0x1;
	_ =	shalt  }
.Lfunc_end2:
_tile_overlayer_lowered:
.L_overlay_start_2:
0x25a: {  	(tag) =	ssettag $0x2  }
0x25b: {  	s0 =	rddreg [dreg:$0x0];
	s2 =	stileid.u32  }
0x25c: {  	s1 =	rddreg [dreg:$0x1];
	p0 =	sne.s32 s2, $0x0  }
0x25d: {  	s3 =	rddreg [dreg:$0x2];
	[bflag:$0x3] =	sbarrier.arrive $0xFFFF;
	s2 =	simm.s32 @!p0 $0x1C03  }
0x25e: {  	[timem:s3], [sflag:s2] =	dma.local @!p0 [hbm:s0], s1  }
0x25f: {  	s0 =	simm.s32 @!p0 $0x3  }
0x260: {  	_ =	swait.ge @!p0 [sflag:s0], s1  }
0x261: {  	s1 =	ssub.s32 @!p0 $0x0, s1;
	[sflag:s0] =	ssyncset.done @!p0 $0x0  }
0x262: {  	[sflag:s0] =	ssyncadd.s32 @!p0 s1  }
0x263: {  	[bflag:$0x3] =	sbarrier.arrive $0xFFFF  }
0x264: {  	_ =	shalt  }

// kernel: kernel.15.cloned.1.call-start
scs
__scs_entry_jumppad:
0x0: {  	(pc) =	sbr.rel $0x88, $3  }
0x1: {  	(tag) =	ssettag $0x0;
	lr =	simm.s32 $0x1  }
0x2: {  	[smem:$0x3F99] =	sst lr;
	_ =	strace $0xD0000000  }
0x3: {  	_ = 	snop  }
0x4: {  	_ = 	snop  }
0x5: {  	_ = 	snop  }
0x6: {  	_ = 	snop  }
0x7: {  	_ = 	snop  }
__scs_overlays_trampoline_lowered:
0x8: {  	[smem:$0x3FA8] =	sst s0  }
0x9: {  	[smem:$0x3FA9] =	sst s1  }
0xa: {  	[smem:$0x3FAA] =	sst s2  }
0xb: {  	[smem:$0x3FAB] =	sst s3  }
0xc: {  	[smem:$0x3FAC] =	sst s4  }
0xd: {  	[smem:$0x3FAD] =	sst s5  }
0xe: {  	[smem:$0x3FAE] =	sst s6  }
0xf: {  	[smem:$0x3FAF] =	sst s7  }
0x10: {  	[smem:$0x3FB0] =	sst s8  }
0x11: {  	[smem:$0x3FB1] =	sst s9;
	s0 =	simm.s32 @!p0 $0x0  }
0x12: {  	s1 =	sld [smem:$0x3F97];
	s0 =	simm.s32 @p0 $0x1  }
0x13: {  	[smem:$0x3FB2] =	sst s0;
	s0 =	simm.s32 @!p1 $0x0  }
0x14: {  	s2 =	sld [smem:$0x3F96];
	s0 =	simm.s32 @p1 $0x1  }
0x15: {  	[smem:$0x3FB3] =	sst s0;
	s0 =	simm.s32 @!p2 $0x0  }
0x16: {  	s3 =	sld [smem:$0x3FDB];
	s0 =	simm.s32 @p2 $0x1  }
0x17: {  	s4 =	simm.s32 $0x1BF5;
	[smem:$0x3FB5] =	sst s0  }
0x18: {  	s0 =	sld [smem:$0x3F98];
	_ =	swait.ge [sflag:s4], $0x0  }
0x19: {  	s7 =	sld [smem:$0x3F99]  }
0x1a: {  	s8 =	sadd.s32 $0xFFFFE003, lr  }
0x1b: {  	s9 =	sadd.s32 $0xFFFFFEF7, lr;
	s5 =	simm.s32 $0xFFFFFFFF;
	p2 =	slt.u32 s8, $0xFFFFF086  }
0x1c: {  	p1 =	slt.u32 s9, $0xF7A;
	s5 =	simm.s32 @!p2 $0x0  }
0x1d: {  	s5 =	simm.s32 @p1 $0x1;
	p0 =	seq.s32 s7, s2  }
0x1e: {  	s7 =	smul.u32 @!p0 $0xF7A, s2;
	p2 =	seq.s32 @!p0 s5, $0x0  }
0x1f: {  	s9 =	smul.u32 $0xF7A, s1;
	s8 =	simm.s32 @!p0 $0x1BF5;
	p2 =	por !p2, p0  }
0x20: {  	[sflag:s8] =	ssyncset.s32 @!p0 $0xFFFFF086;
	s6 =	sadd.s32 @!p0 s3, s7;
	s7 =	simm.s32 @!p0 $0x108  }
0x21: {  	s3 =	sadd.s32 s3, s9;
	s6 =	sadd.s32 @!p0 $0x88, s6;
	s7 =	simm.s32 @p2 $0x1082  }
0x22: {  	[simem:s7], [sflag:s8] =	dma.local @!p0 [hbm:s6], $0xF7A  }
0x23: {  	s9 =	sor.u32 $0xD0000000, s2;
	s6 =	simm.s32 $0x108;
	_ =	swait.ge @!p0 [sflag:s8], $0x0  }
0x24: {  	s3 =	sadd.s32 $0x88, s3;
	s6 =	simm.s32 @!p1 $0x1082;
	[sflag:s4] =	ssyncset.s32 $0xFFFFF086  }
0x25: {  	[simem:s6], [sflag:s4] =	dma.local [hbm:s3], $0xF7A  }
0x26: {  	[smem:$0x3F99] =	sst s1;
	(tag) =	ssettag s2;
	_ =	strace s9  }
0x27: {  	s1 =	sld [smem:$0x3FA9]  }
0x28: {  	s2 =	sld [smem:$0x3FAA]  }
0x29: {  	s4 =	sld [smem:$0x3FAC]  }
0x2a: {  	p0 =	seq.s32 s5, $0x0;
	s5 =	sld [smem:$0x3FAD]  }
0x2b: {  	s6 =	sld [smem:$0x3FAE]  }
0x2c: {  	s7 =	sld [smem:$0x3FAF]  }
0x2d: {  	s3 =	simm.s32 $0x108;
	s8 =	sld [smem:$0x3FB0]  }
0x2e: {  	s3 =	simm.s32 @!p0 $0x1082;
	s9 =	sld [smem:$0x3FB1]  }
0x2f: {  	lr =	sadd.s32 s0, s3;
	s0 =	sld [smem:$0x3FA8]  }
0x30: {  	s3 =	sld [smem:$0x3FAB]  }
0x31: {  	[smem:$0x3FB4] =	sst s10  }
0x32: {  	s10 =	sld [smem:$0x3FB2];
	_ =	sdelay $0x3  }
0x33: {  	p0 =	seq.s32 s10, $0x1;
	s10 =	sld [smem:$0x3FB4];
	_ =	sdelay $0x3  }
0x34: {  	[smem:$0x3FB4] =	sst s10  }
0x35: {  	s10 =	sld [smem:$0x3FB3];
	_ =	sdelay $0x3  }
0x36: {  	p1 =	seq.s32 s10, $0x1;
	s10 =	sld [smem:$0x3FB4];
	_ =	sdelay $0x3  }
0x37: {  	[smem:$0x3FB4] =	sst s10  }
0x38: {  	s10 =	sld [smem:$0x3FB5]  }
0x39: {  	_ = 	snop;
	(pc) =	sbr.ind lr, $3  }
0x3a: {  	_ = 	snop  }
0x3b: {  	_ = 	snop  }
0x3c: {  	p2 =	seq.s32 s10, $0x1;
	s10 =	sld [smem:$0x3FB4]  }
0x3d: {  	_ =	shalt  }
0x3e: {  	_ =	shalt  }
0x3f: {  	_ =	shalt  }
0x40: {  	_ =	shalt  }
0x41: {  	_ =	shalt  }
0x42: {  	_ =	shalt  }
0x43: {  	_ =	shalt  }
0x44: {  	_ =	shalt  }
0x45: {  	_ =	shalt  }
0x46: {  	_ =	shalt  }
0x47: {  	_ =	shalt  }
0x48: {  	_ =	shalt  }
0x49: {  	_ =	shalt  }
0x4a: {  	_ =	shalt  }
0x4b: {  	_ =	shalt  }
0x4c: {  	_ =	shalt  }
0x4d: {  	_ =	shalt  }
0x4e: {  	_ =	shalt  }
0x4f: {  	_ =	shalt  }
0x50: {  	_ =	shalt  }
0x51: {  	_ =	shalt  }
0x52: {  	_ =	shalt  }
0x53: {  	_ =	shalt  }
0x54: {  	_ =	shalt  }
0x55: {  	_ =	shalt  }
0x56: {  	_ =	shalt  }
0x57: {  	_ =	shalt  }
0x58: {  	_ =	shalt  }
0x59: {  	_ =	shalt  }
0x5a: {  	_ =	shalt  }
0x5b: {  	_ =	shalt  }
0x5c: {  	_ =	shalt  }
0x5d: {  	_ =	shalt  }
0x5e: {  	_ =	shalt  }
0x5f: {  	_ =	shalt  }
0x60: {  	_ =	shalt  }
0x61: {  	_ =	shalt  }
0x62: {  	_ =	shalt  }
0x63: {  	_ =	shalt  }
0x64: {  	_ =	shalt  }
0x65: {  	_ =	shalt  }
0x66: {  	_ =	shalt  }
0x67: {  	_ =	shalt  }
0x68: {  	_ =	shalt  }
0x69: {  	_ =	shalt  }
0x6a: {  	_ =	shalt  }
0x6b: {  	_ =	shalt  }
0x6c: {  	_ =	shalt  }
0x6d: {  	_ =	shalt  }
0x6e: {  	_ =	shalt  }
0x6f: {  	_ =	shalt  }
0x70: {  	_ =	shalt  }
0x71: {  	_ =	shalt  }
0x72: {  	_ =	shalt  }
0x73: {  	_ =	shalt  }
0x74: {  	_ =	shalt  }
0x75: {  	_ =	shalt  }
0x76: {  	_ =	shalt  }
0x77: {  	_ =	shalt  }
0x78: {  	_ =	shalt  }
0x79: {  	_ =	shalt  }
0x7a: {  	_ =	shalt  }
0x7b: {  	_ =	shalt  }
0x7c: {  	_ =	shalt  }
0x7d: {  	_ =	shalt  }
0x7e: {  	_ =	shalt  }
0x7f: {  	_ =	shalt  }
0x80: {  	_ =	shalt  }
0x81: {  	_ =	shalt  }
0x82: {  	_ =	shalt  }
0x83: {  	_ =	shalt  }
0x84: {  	_ =	shalt  }
0x85: {  	_ =	shalt  }
0x86: {  	_ =	shalt  }
0x87: {  	_ =	shalt  }
.Lfunc_end0:
.L_simem_size_0:
called_computation.2_lowered:
.L_overlay_start_0:
0x88: {  	s2 =	sld [smem:$0x3FD9]  }
0x89: {  	s3 =	sld [smem:$0x3FFE];
	_ =	sdelay $0x1  }
0x8a: {  	s1 =	srdreg.scid  }
0x8b: {  	s0 =	sand.u32 $0x1, s1  }
0x8c: {  	s16 =	sshll.u32 s0, $0xA;
	s2 =	sadd.s32 s3, s2  }
0x8d: {  	s2 =	sadd.s32 s2, s16  }
0x8e: {  	[smem:$0x3FC0] =	sst s2  }
0x8f: {  	_ = 	snop  }
0x90: {  	(tm) =	ssettm $0x1  }
0x91: {  	s17 =	sld [smem:$0x3FFB];
	_ =	sdelay $0x3  }
0x92: {  	_ =	strace s17  }
0x93: {  	s2 =	sld [smem:$0x3FFC];
	_ =	sdelay $0x3  }
0x94: {  	_ =	strace s2  }
0x95: {  	s2 =	sld [smem:$0x3FFD];
	_ =	sdelay $0x3  }
0x96: {  	_ =	strace s2  }
0x97: {  	_ =	strace $0x8FFFFFFF  }
0x98: {  	s18 =	sld [smem:$0x3FDB];
	_ =	sdelay $0x1  }
0x99: {  	s19 =	simm.s32 $_scs_section_size  }
0x9a: {  	s4 =	simm.s32 $_size__tile_overlayer_lowered;
	s5 =	simm.s32 $_tile_overlayer_lowered  }
0x9b: {  	s22 =	simm.s32 $0x1BFF;
	s21 =	sshll.u32 s5, $0x1;
	s2 =	sadd.s32 s19, s18  }
0x9c: {  	s6 =	simm.s32 $0x0;
	s20 =	sshll.u32 s4, $0x1;
	s4 =	sadd.s32 s21, s2  }
0x9d: {  	[timem:s6], [sflag:s22] =	dma.local [hbm:s4], s20  }
0x9e: {  	_ =	swait.ge [sflag:s22], s20  }
0x9f: {  	s3 =	ssub.s32 $0x0, s20;
	[sflag:s22] =	ssyncset.done $0x0  }
0xa0: {  	[sflag:s22] =	ssyncadd.s32 s3;
	_ =	sdelay $0x1  }
0xa1: {  	s23 =	simm.s32 $0x1B8B  }
0xa2: {  	_ =	swait.ge [sflag:s23], $0x1  }
0xa3: {  	[sflag:s23] =	ssyncset.done $0x0  }
0xa4: {  	s25 =	simm.s32 $0x1B8E;
	s24 =	sld [smem:$0x3FFE];
	[sflag:s23] =	ssyncadd.s32 $0xFFFFFFFF  }
0xa5: {  	s26 =	simm.s32 $execute0_lowered;
	[smem:$0x3FD2] =	sst s25  }
0xa6: {  	s4 =	sshll.u32 s26, $0x1;
	_ =	strace $0x8000004C;
	[dreg:$0x1] =	wrdreg $0xFFFFFFFF  }
0xa7: {  	s28 =	simm.s32 $_size_execute0_lowered;
	s2 =	sadd.s32 s2, s4;
	[dreg:$0x0] =	wrdreg $0x0  }
0xa8: {  	s4 =	sshll.u32 s28, $0x1;
	[dreg:$0x2] =	wrdreg s2  }
0xa9: {  	[dreg:$0x3] =	wrdreg s4  }
0xaa: {  	[dreg:$0x4] =	wrdreg $0xC0  }
0xab: {  	_ =	task [dreg:s6], $0x5FFFF  }
0xac: {  	[dreg:$0x1] =	wrdreg $0xFFFFFFFF  }
0xad: {  	[dreg:$0x0] =	wrdreg $0x60  }
0xae: {  	[dreg:$0x2] =	wrdreg s24  }
0xaf: {  	[dreg:$0x3] =	wrdreg $0xA8000  }
0xb0: {  	[dreg:$0x4] =	wrdreg $0x9  }
0xb1: {  	_ =	task.clear_ibuf [dreg:s6], $0x5FFFF;
	_ =	strace $0x9000004C  }
0xb2: {  	s29 =	simm.s32 $0x9;
	_ =	strace $0x8000004E  }
0xb3: {  	_ =	swait.ge [sflag:s29], $0x1  }
0xb4: {  	[sflag:s29] =	ssyncadd.s32 $0xFFFFFFFF  }
0xb5: {  	_ =	strace $0x9000004E  }
0xb6: {  	_ =	sfence  }
0xb7: {  	s30 =	sld [smem:$0x0];
	_ =	sdelay $0x2  }
0xb8: {  	s31 =	sshll.u32 s1, $0xD;
	s1 =	sshrl.u32 s1, $0x2  }
0xb9: {  	s3 =	sand.u32 $0x4000, s31;
	s1 =	sadd.s32 s1, s30  }
0xba: {  	s0 =	sor.u32 s3, s0;
	s1 =	sshll.u32 s1, $0x11  }
0xbb: {  	s0 =	sor.u32 s1, s0  }
0xbc: {  	s0 =	sadd.s32 $0x8F2B, s0  }
0xbd: {  	[sflag:s0] =	ssyncadd.remote.s32 $0x1  }
0xbe: {  	_ =	sfence.sel $0xFFFF  }
0xbf: {  	[dreg:$0x0] =	wrdreg $0xFFFFFFFF;
	(pc) =	sbr.abs _section_cstart, $3  }
0xc0: {  	[dreg:$0x1] =	wrdreg $0xFFFFFFFF  }
0xc1: {  	_ =	task.clear_ibuf [dreg:s6], $0x2FFFF;
	_ =	strace $0x9FFFFFFF  }
0xc2: {  	(tm) =	ssettm $0x7FFFFFFF  }
0xc3: {  	_ =	shalt  }
tec
execute0_lowered:
.L_overlay_start_1:
0x0: {  	(tag) =	ssettag $0x1  }
0x1: {  	s3 =	rddreg [dreg:$0x0]  }
0x2: {  	s1 =	srdreg.scid;
	s2 =	rddreg [dreg:$0x1];
	s31 =	simm.s32 $0x0  }
0x3: {  	s0 =	stileid.u32;
	s8 =	simm.s32 $0x180;
	[smem:$0x7FF] =	sst s31  }
0x4: {  	s9 =	simm.s32 $0x200;
	_ =	strace $0x8000004D;
	[dreg:$0x9] =	wrdreg s8  }
0x5: {  	s10 =	simm.s32 $0x280;
	s11 =	simm.s32 $0x300;
	[dreg:$0xa] =	wrdreg s9  }
0x6: {  	s13 =	simm.s32 $0x380;
	s15 =	simm.s32 $0x400;
	[dreg:$0xb] =	wrdreg s10  }
0x7: {  	s16 =	simm.s32 $0x480;
	s18 =	simm.s32 $0x500;
	[dreg:$0xc] =	wrdreg s11  }
0x8: {  	s19 =	simm.s32 $0x580;
	s21 =	simm.s32 $0x600;
	[dreg:$0xd] =	wrdreg s13  }
0x9: {  	s22 =	simm.s32 $0x680;
	s23 =	simm.s32 $0x700;
	[dreg:$0xe] =	wrdreg s15  }
0xa: {  	s24 =	simm.s32 $0x780;
	s25 =	simm.s32 $0x800;
	[dreg:$0xf] =	wrdreg s16  }
0xb: {  	s30 =	simm.s32 $0xA80;
	s29 =	simm.s32 $0xB00;
	[dreg:$0x10] =	wrdreg s18  }
0xc: {  	s28 =	simm.s32 $0xB80;
	p0 =	por $0x0, $0x0;
	[dreg:$0x11] =	wrdreg s19  }
0xd: {  	s1 =	sand.u32 $0x1, s1;
	s5 =	smul.u32 $0x14000, s0;
	[dreg:$0x12] =	wrdreg s21  }
0xe: {  	s4 =	sshll.u32 s0, $0x1;
	s14 =	smul.u32 $0x50000, s0;
	[dreg:$0x13] =	wrdreg s22  }
0xf: {  	s20 =	sshll.u32 s0, $0x6;
	s4 =	sor.u32 s1, s4;
	[dreg:$0x14] =	wrdreg s23  }
0x10: {  	s7 =	smul.u32 $0x140000, s1;
	s1 =	ssub.s32 $0x2, s1;
	[dreg:$0x15] =	wrdreg s24  }
0x11: {  	[dreg:$0x16] =	wrdreg s25;
	s10 =	simm.s32 $0x2800;
	s8 =	simm.s32 $0x900  }
0x12: {  	s9 =	simm.s32 $0x980;
	s11 =	simm.s32 $0xA00;
	s25 =	simm.s32 $0xC00  }
0x13: {  	s24 =	simm.s32 $0xD00;
	s23 =	simm.s32 $0xD80;
	s22 =	simm.s32 $0xE00  }
0x14: {  	s21 =	simm.s32 $0xE80;
	s19 =	simm.s32 $0xF80;
	s16 =	simm.s32 $0x1000  }
0x15: {  	s18 =	simm.s32 $0x1100;
	s15 =	simm.s32 $0x1180;
	s13 =	simm.s32 $0x1280  }
0x16: {  	s4 =	smul.u32 $0x280, s4;
	s6 =	sshrl.u32 s5, $0x3;
	[dreg:$0x18] =	wrdreg s8  }
0x17: {  	s12 =	sshrl.u32 s1, $0x1;
	s17 =	sshrl.u32 s14, $0x2;
	[dreg:$0x19] =	wrdreg s9  }
0x18: {  	s8 =	simm.s32 $0x1;
	s9 =	simm.s32 $0x2;
	[dreg:$0x1a] =	wrdreg s11  }
0x19: {  	s14 =	simm.s32 $0x1200;
	s11 =	simm.s32 $0x1380;
	s6 =	sadd.s32 s6, s3  }
0x1a: {  	s5 =	sadd.s32 s5, s7;
	s7 =	simm.s32 $0x100;
	s1 =	ssub.s32 s1, s12  }
0x1b: {  	s12 =	simm.s32 $0x1300;
	s4 =	sadd.s32 s4, s3;
	s6 =	sadd.s32 $0x33200, s6  }
0x1c: {  	s5 =	sshrl.u32 s5, $0x3;
	[dreg:$0x8] =	wrdreg s7;
	s1 =	smax.u32 s1, $0x1  }
0x1d: {  	s7 =	simm.s32 $0x6800;
	[dreg:$0x3] =	wrdreg s6;
	s26 =	sadd.s32 $0x2000, s4  }
0x1e: {  	s3 =	sadd.s32 s5, s3;
	s4 =	sadd.s32 $0x7000, s4;
	s6 =	simm.s32 $0x1400  }
0x1f: {  	s5 =	simm.s32 $0x3;
	p1 =	sne.s32 s1, $0x1;
	[dreg:$0x4] =	wrdreg s26  }
.Ltmp0:
0x20: {  	s0 =	sadd.s32 $0xFFFFFFFF, s1;
	[dreg:$0x5] =	wrdreg s4;
	(pc) =	sbr.rel @!p1 .LBB2_3-.Ltmp0, $4  }
0x21: {  	s3 =	sadd.s32 $0x5B200, s3;
	[dreg:$0x7] =	wrdreg s6;
	s4 =	sadd.s32 s17, s2  }
0x22: {  	s6 =	simm.s32 $0x80;
	s26 =	simm.s32 $0x880;
	s17 =	simm.s32 $0x1080  }
0x23: {  	[dreg:$0x6] =	wrdreg s3;
	s3 =	sor.u32 $0x1C03, s20;
	s4 =	sshrl.u32 s4, $0x3  }
0x24: {  	[dreg:$0x17] =	wrdreg s26;
	s26 =	simm.s32 $0xC80;
	s20 =	simm.s32 $0xF00  }
0x25: {  	[dreg:$0x1b] =	wrdreg s0  }
0x26: {  	s1 =	rddreg [dreg:$0x3]  }
0x27: {  	[spmem:s4], [sflag:s3] =	dma.local [hbm:s1], $0x2800  }
0x28: {  	_ =	swait.ge [sflag:s5], $0x2800  }
0x29: {  	[sflag:s5] =	ssyncset.done $0x0  }
0x2a: {  	s1 =	rddreg [dreg:$0x4];
	[sflag:s5] =	ssyncadd.s32 $0xFFFFD800  }
0x2b: {  	[tilespmem:s31], [sflag:$0x3] =	stream.linear.gather [hbm4b:s1+s31], $0x1400, $0x38;
	[tilespmem:$0x1E800] =	vst v63  }
0x2c: {  	_ =	swait.ge [sflag:s5], $0x1400  }
0x2d: {  	s0 =	rddreg [dreg:$0x5];
	[sflag:s5] =	ssyncset.done $0x0  }
0x2e: {  	s1 =	rddreg [dreg:$0x7];
	[sflag:s5] =	ssyncadd.s32 $0xFFFFEC00  }
0x2f: {  	[tilespmem:s1], [sflag:$0x3] =	stream.linear.gather [hbm4b:s0+s31], $0x1400, $0x38;
	[tilespmem:$0x1E800] =	vst v63  }
0x30: {  	_ =	swait.ge [sflag:s5], $0x1400  }
0x31: {  	[sflag:s5] =	ssyncset.done $0x0  }
0x32: {  	[sflag:s5] =	ssyncadd.s32 $0xFFFFEC00  }
0x33: {  	[bflag:$0x0] =	sbarrier.arrive $0xFFFF  }
0x34: {  	[tilespmem:s10], [sflag:$0x1] =	stream.indirect.gather [spmem:s2], $0x80, s31, s6, $0xb8;
	[tilespmem:$0x1E800] =	vst v63  }
0x35: {  	_ = 	snop  }
0x36: {  	[tilespmem:s7], [sflag:$0x2] =	stream.indirect.gather [spmem:s2], $0x80, s6, s6, $0xb8;
	[tilespmem:$0x1E800] =	vst v63  }
0x37: {  	_ =	swait.ge [sflag:s8], $0x4000  }
0x38: {  	[sflag:s8] =	ssyncset.done $0x0  }
0x39: {  	s1 =	rddreg [dreg:$0x8];
	[sflag:s8] =	ssyncadd.s32 $0xFFFFC000  }
0x3a: {  	[tilespmem:s10], [sflag:$0x1] =	stream.indirect.gather [spmem:s2], $0x80, s1, s6, $0xb8;
	[tilespmem:$0x1E800] =	vst v63  }
0x3b: {  	_ =	swait.ge [sflag:s9], $0x4000  }
0x3c: {  	[sflag:s9] =	ssyncset.done $0x0  }
0x3d: {  	s1 =	rddreg [dreg:$0x9];
	[sflag:s9] =	ssyncadd.s32 $0xFFFFC000  }
0x3e: {  	[tilespmem:s7], [sflag:$0x2] =	stream.indirect.gather [spmem:s2], $0x80, s1, s6, $0xb8;
	[tilespmem:$0x1E800] =	vst v63  }
0x3f: {  	_ =	swait.ge [sflag:s8], $0x4000  }
0x40: {  	[sflag:s8] =	ssyncset.done $0x0  }
0x41: {  	s1 =	rddreg [dreg:$0xa];
	[sflag:s8] =	ssyncadd.s32 $0xFFFFC000  }
0x42: {  	[tilespmem:s10], [sflag:$0x1] =	stream.indirect.gather [spmem:s2], $0x80, s1, s6, $0xb8;
	[tilespmem:$0x1E800] =	vst v63  }
0x43: {  	_ =	swait.ge [sflag:s9], $0x4000  }
0x44: {  	[sflag:s9] =	ssyncset.done $0x0  }
0x45: {  	s1 =	rddreg [dreg:$0xb];
	[sflag:s9] =	ssyncadd.s32 $0xFFFFC000  }
0x46: {  	[tilespmem:s7], [sflag:$0x2] =	stream.indirect.gather [spmem:s2], $0x80, s1, s6, $0xb8;
	[tilespmem:$0x1E800] =	vst v63  }
0x47: {  	_ =	swait.ge [sflag:s8], $0x4000  }
0x48: {  	[sflag:s8] =	ssyncset.done $0x0  }
0x49: {  	s1 =	rddreg [dreg:$0xc];
	[sflag:s8] =	ssyncadd.s32 $0xFFFFC000  }
0x4a: {  	[tilespmem:s10], [sflag:$0x1] =	stream.indirect.gather [spmem:s2], $0x80, s1, s6, $0xb8;
	[tilespmem:$0x1E800] =	vst v63  }
0x4b: {  	_ =	swait.ge [sflag:s9], $0x4000  }
0x4c: {  	[sflag:s9] =	ssyncset.done $0x0  }
0x4d: {  	s1 =	rddreg [dreg:$0xd];
	[sflag:s9] =	ssyncadd.s32 $0xFFFFC000  }
0x4e: {  	[tilespmem:s7], [sflag:$0x2] =	stream.indirect.gather [spmem:s2], $0x80, s1, s6, $0xb8;
	[tilespmem:$0x1E800] =	vst v63  }
0x4f: {  	_ =	swait.ge [sflag:s8], $0x4000  }
0x50: {  	[sflag:s8] =	ssyncset.done $0x0  }
0x51: {  	[sflag:s8] =	ssyncadd.s32 $0xFFFFC000  }
0x52: {  	_ =	swait.ge [sflag:s9], $0x4000  }
0x53: {  	[sflag:s9] =	ssyncset.done $0x0  }
0x54: {  	s0 =	rddreg [dreg:$0xe];
	[sflag:s9] =	ssyncadd.s32 $0xFFFFC000  }
0x55: {  	[tilespmem:s10], [sflag:$0x1] =	stream.indirect.gather [spmem:s2], $0x80, s0, s6, $0xb8;
	[tilespmem:$0x1E800] =	vst v63  }
0x56: {  	s1 =	rddreg [dreg:$0xf]  }
0x57: {  	[tilespmem:s7], [sflag:$0x2] =	stream.indirect.gather [spmem:s2], $0x80, s1, s6, $0xb8;
	[tilespmem:$0x1E800] =	vst v63  }
0x58: {  	_ =	swait.ge [sflag:s8], $0x4000  }
0x59: {  	[sflag:s8] =	ssyncset.done $0x0  }
0x5a: {  	s1 =	rddreg [dreg:$0x10];
	[sflag:s8] =	ssyncadd.s32 $0xFFFFC000  }
0x5b: {  	[tilespmem:s10], [sflag:$0x1] =	stream.indirect.gather [spmem:s2], $0x80, s1, s6, $0xb8;
	[tilespmem:$0x1E800] =	vst v63  }
0x5c: {  	_ =	swait.ge [sflag:s9], $0x4000  }
0x5d: {  	[sflag:s9] =	ssyncset.done $0x0  }
0x5e: {  	s1 =	rddreg [dreg:$0x11];
	[sflag:s9] =	ssyncadd.s32 $0xFFFFC000  }
0x5f: {  	[tilespmem:s7], [sflag:$0x2] =	stream.indirect.gather [spmem:s2], $0x80, s1, s6, $0xb8;
	[tilespmem:$0x1E800] =	vst v63  }
0x60: {  	_ =	swait.ge [sflag:s8], $0x4000  }
0x61: {  	[sflag:s8] =	ssyncset.done $0x0  }
0x62: {  	s1 =	rddreg [dreg:$0x12];
	[sflag:s8] =	ssyncadd.s32 $0xFFFFC000  }
0x63: {  	[tilespmem:s10], [sflag:$0x1] =	stream.indirect.gather [spmem:s2], $0x80, s1, s6, $0xb8;
	[tilespmem:$0x1E800] =	vst v63  }
0x64: {  	_ =	swait.ge [sflag:s9], $0x4000  }
0x65: {  	[sflag:s9] =	ssyncset.done $0x0  }
0x66: {  	s1 =	rddreg [dreg:$0x13];
	[sflag:s9] =	ssyncadd.s32 $0xFFFFC000  }
0x67: {  	[tilespmem:s7], [sflag:$0x2] =	stream.indirect.gather [spmem:s2], $0x80, s1, s6, $0xb8;
	[tilespmem:$0x1E800] =	vst v63  }
0x68: {  	_ =	swait.ge [sflag:s8], $0x4000  }
0x69: {  	[sflag:s8] =	ssyncset.done $0x0  }
0x6a: {  	s1 =	rddreg [dreg:$0x14];
	[sflag:s8] =	ssyncadd.s32 $0xFFFFC000  }
0x6b: {  	[tilespmem:s10], [sflag:$0x1] =	stream.indirect.gather [spmem:s2], $0x80, s1, s6, $0xb8;
	[tilespmem:$0x1E800] =	vst v63  }
0x6c: {  	_ =	swait.ge [sflag:s9], $0x4000  }
0x6d: {  	[sflag:s9] =	ssyncset.done $0x0  }
0x6e: {  	s1 =	rddreg [dreg:$0x15];
	[sflag:s9] =	ssyncadd.s32 $0xFFFFC000  }
0x6f: {  	[tilespmem:s7], [sflag:$0x2] =	stream.indirect.gather [spmem:s2], $0x80, s1, s6, $0xb8;
	[tilespmem:$0x1E800] =	vst v63  }
0x70: {  	_ =	swait.ge [sflag:s8], $0x4000  }
0x71: {  	[sflag:s8] =	ssyncset.done $0x0  }
0x72: {  	[sflag:s8] =	ssyncadd.s32 $0xFFFFC000  }
0x73: {  	_ =	swait.ge [sflag:s9], $0x4000  }
0x74: {  	[sflag:s9] =	ssyncset.done $0x0  }
0x75: {  	s0 =	rddreg [dreg:$0x16];
	[sflag:s9] =	ssyncadd.s32 $0xFFFFC000  }
0x76: {  	[tilespmem:s10], [sflag:$0x1] =	stream.indirect.gather [spmem:s2], $0x80, s0, s6, $0xb8;
	[tilespmem:$0x1E800] =	vst v63  }
0x77: {  	s1 =	rddreg [dreg:$0x17]  }
0x78: {  	[tilespmem:s7], [sflag:$0x2] =	stream.indirect.gather [spmem:s2], $0x80, s1, s6, $0xb8;
	[tilespmem:$0x1E800] =	vst v63  }
0x79: {  	_ =	swait.ge [sflag:s8], $0x4000  }
0x7a: {  	[sflag:s8] =	ssyncset.done $0x0  }
0x7b: {  	s1 =	rddreg [dreg:$0x18];
	[sflag:s8] =	ssyncadd.s32 $0xFFFFC000  }
0x7c: {  	[tilespmem:s10], [sflag:$0x1] =	stream.indirect.gather [spmem:s2], $0x80, s1, s6, $0xb8;
	[tilespmem:$0x1E800] =	vst v63  }
0x7d: {  	_ =	swait.ge [sflag:s9], $0x4000  }
0x7e: {  	[sflag:s9] =	ssyncset.done $0x0  }
0x7f: {  	s1 =	rddreg [dreg:$0x19];
	[sflag:s9] =	ssyncadd.s32 $0xFFFFC000  }
0x80: {  	[tilespmem:s7], [sflag:$0x2] =	stream.indirect.gather [spmem:s2], $0x80, s1, s6, $0xb8;
	[tilespmem:$0x1E800] =	vst v63  }
0x81: {  	_ =	swait.ge [sflag:s8], $0x4000  }
0x82: {  	[sflag:s8] =	ssyncset.done $0x0  }
0x83: {  	s1 =	rddreg [dreg:$0x1a];
	[sflag:s8] =	ssyncadd.s32 $0xFFFFC000  }
0x84: {  	[tilespmem:s10], [sflag:$0x1] =	stream.indirect.gather [spmem:s2], $0x80, s1, s6, $0xb8;
	[tilespmem:$0x1E800] =	vst v63  }
0x85: {  	_ =	swait.ge [sflag:s9], $0x4000  }
0x86: {  	[sflag:s9] =	ssyncset.done $0x0  }
0x87: {  	[sflag:s9] =	ssyncadd.s32 $0xFFFFC000  }
0x88: {  	[tilespmem:s7], [sflag:$0x2] =	stream.indirect.gather [spmem:s2], $0x80, s30, s6, $0xb8;
	[tilespmem:$0x1E800] =	vst v63  }
0x89: {  	_ =	swait.ge [sflag:s8], $0x4000  }
0x8a: {  	[sflag:s8] =	ssyncset.done $0x0  }
0x8b: {  	[sflag:s8] =	ssyncadd.s32 $0xFFFFC000  }
0x8c: {  	[tilespmem:s10], [sflag:$0x1] =	stream.indirect.gather [spmem:s2], $0x80, s29, s6, $0xb8;
	[tilespmem:$0x1E800] =	vst v63  }
0x8d: {  	_ =	swait.ge [sflag:s9], $0x4000  }
0x8e: {  	[sflag:s9] =	ssyncset.done $0x0  }
0x8f: {  	[sflag:s9] =	ssyncadd.s32 $0xFFFFC000  }
0x90: {  	[tilespmem:s7], [sflag:$0x2] =	stream.indirect.gather [spmem:s2], $0x80, s28, s6, $0xb8;
	[tilespmem:$0x1E800] =	vst v63  }
0x91: {  	_ =	swait.ge [sflag:s8], $0x4000  }
0x92: {  	[sflag:s8] =	ssyncset.done $0x0  }
0x93: {  	[sflag:s8] =	ssyncadd.s32 $0xFFFFC000  }
0x94: {  	_ =	swait.ge [sflag:s9], $0x4000  }
0x95: {  	[sflag:s9] =	ssyncset.done $0x0  }
0x96: {  	[sflag:s9] =	ssyncadd.s32 $0xFFFFC000  }
0x97: {  	[tilespmem:s10], [sflag:$0x1] =	stream.indirect.gather [spmem:s2], $0x80, s25, s6, $0xb8;
	[tilespmem:$0x1E800] =	vst v63  }
0x98: {  	_ = 	snop  }
0x99: {  	[tilespmem:s7], [sflag:$0x2] =	stream.indirect.gather [spmem:s2], $0x80, s26, s6, $0xb8;
	[tilespmem:$0x1E800] =	vst v63  }
0x9a: {  	_ =	swait.ge [sflag:s8], $0x4000  }
0x9b: {  	[sflag:s8] =	ssyncset.done $0x0  }
0x9c: {  	[sflag:s8] =	ssyncadd.s32 $0xFFFFC000  }
0x9d: {  	[tilespmem:s10], [sflag:$0x1] =	stream.indirect.gather [spmem:s2], $0x80, s24, s6, $0xb8;
	[tilespmem:$0x1E800] =	vst v63  }
0x9e: {  	_ =	swait.ge [sflag:s9], $0x4000  }
0x9f: {  	[sflag:s9] =	ssyncset.done $0x0  }
0xa0: {  	[sflag:s9] =	ssyncadd.s32 $0xFFFFC000  }
0xa1: {  	[tilespmem:s7], [sflag:$0x2] =	stream.indirect.gather [spmem:s2], $0x80, s23, s6, $0xb8;
	[tilespmem:$0x1E800] =	vst v63  }
0xa2: {  	_ =	swait.ge [sflag:s8], $0x4000  }
0xa3: {  	[sflag:s8] =	ssyncset.done $0x0  }
0xa4: {  	[sflag:s8] =	ssyncadd.s32 $0xFFFFC000  }
0xa5: {  	[tilespmem:s10], [sflag:$0x1] =	stream.indirect.gather [spmem:s2], $0x80, s22, s6, $0xb8;
	[tilespmem:$0x1E800] =	vst v63  }
0xa6: {  	_ =	swait.ge [sflag:s9], $0x4000  }
0xa7: {  	[sflag:s9] =	ssyncset.done $0x0  }
0xa8: {  	[sflag:s9] =	ssyncadd.s32 $0xFFFFC000  }
0xa9: {  	[tilespmem:s7], [sflag:$0x2] =	stream.indirect.gather [spmem:s2], $0x80, s21, s6, $0xb8;
	[tilespmem:$0x1E800] =	vst v63  }
0xaa: {  	_ =	swait.ge [sflag:s8], $0x4000  }
0xab: {  	[sflag:s8] =	ssyncset.done $0x0  }
0xac: {  	[sflag:s8] =	ssyncadd.s32 $0xFFFFC000  }
0xad: {  	[tilespmem:s10], [sflag:$0x1] =	stream.indirect.gather [spmem:s2], $0x80, s20, s6, $0xb8;
	[tilespmem:$0x1E800] =	vst v63  }
0xae: {  	_ =	swait.ge [sflag:s9], $0x4000  }
0xaf: {  	[sflag:s9] =	ssyncset.done $0x0  }
0xb0: {  	[sflag:s9] =	ssyncadd.s32 $0xFFFFC000  }
0xb1: {  	[tilespmem:s7], [sflag:$0x2] =	stream.indirect.gather [spmem:s2], $0x80, s19, s6, $0xb8;
	[tilespmem:$0x1E800] =	vst v63  }
0xb2: {  	_ =	swait.ge [sflag:s8], $0x4000  }
0xb3: {  	[sflag:s8] =	ssyncset.done $0x0  }
0xb4: {  	[sflag:s8] =	ssyncadd.s32 $0xFFFFC000  }
0xb5: {  	_ =	swait.ge [sflag:s9], $0x4000  }
0xb6: {  	[sflag:s9] =	ssyncset.done $0x0  }
0xb7: {  	[sflag:s9] =	ssyncadd.s32 $0xFFFFC000  }
0xb8: {  	[tilespmem:s10], [sflag:$0x1] =	stream.indirect.gather [spmem:s2], $0x80, s16, s6, $0xb8;
	[tilespmem:$0x1E800] =	vst v63  }
0xb9: {  	_ = 	snop  }
0xba: {  	[tilespmem:s7], [sflag:$0x2] =	stream.indirect.gather [spmem:s2], $0x80, s17, s6, $0xb8;
	[tilespmem:$0x1E800] =	vst v63  }
0xbb: {  	_ =	swait.ge [sflag:s8], $0x4000  }
0xbc: {  	[sflag:s8] =	ssyncset.done $0x0  }
0xbd: {  	[sflag:s8] =	ssyncadd.s32 $0xFFFFC000  }
0xbe: {  	[tilespmem:s10], [sflag:$0x1] =	stream.indirect.gather [spmem:s2], $0x80, s18, s6, $0xb8;
	[tilespmem:$0x1E800] =	vst v63  }
0xbf: {  	_ =	swait.ge [sflag:s9], $0x4000  }
0xc0: {  	[sflag:s9] =	ssyncset.done $0x0  }
0xc1: {  	[sflag:s9] =	ssyncadd.s32 $0xFFFFC000  }
0xc2: {  	[tilespmem:s7], [sflag:$0x2] =	stream.indirect.gather [spmem:s2], $0x80, s15, s6, $0xb8;
	[tilespmem:$0x1E800] =	vst v63  }
0xc3: {  	_ =	swait.ge [sflag:s8], $0x4000  }
0xc4: {  	[sflag:s8] =	ssyncset.done $0x0  }
0xc5: {  	[sflag:s8] =	ssyncadd.s32 $0xFFFFC000  }
0xc6: {  	[tilespmem:s10], [sflag:$0x1] =	stream.indirect.gather [spmem:s2], $0x80, s14, s6, $0xb8;
	[tilespmem:$0x1E800] =	vst v63  }
0xc7: {  	_ =	swait.ge [sflag:s9], $0x4000  }
0xc8: {  	[sflag:s9] =	ssyncset.done $0x0  }
0xc9: {  	[sflag:s9] =	ssyncadd.s32 $0xFFFFC000  }
0xca: {  	[tilespmem:s7], [sflag:$0x2] =	stream.indirect.gather [spmem:s2], $0x80, s13, s6, $0xb8;
	[tilespmem:$0x1E800] =	vst v63  }
0xcb: {  	_ =	swait.ge [sflag:s8], $0x4000  }
0xcc: {  	[sflag:s8] =	ssyncset.done $0x0  }
0xcd: {  	[sflag:s8] =	ssyncadd.s32 $0xFFFFC000  }
0xce: {  	[tilespmem:s10], [sflag:$0x1] =	stream.indirect.gather [spmem:s2], $0x80, s12, s6, $0xb8;
	[tilespmem:$0x1E800] =	vst v63  }
0xcf: {  	_ =	swait.ge [sflag:s9], $0x4000  }
0xd0: {  	[sflag:s9] =	ssyncset.done $0x0  }
0xd1: {  	[sflag:s9] =	ssyncadd.s32 $0xFFFFC000  }
0xd2: {  	[tilespmem:s7], [sflag:$0x2] =	stream.indirect.gather [spmem:s2], $0x80, s11, s6, $0xb8;
	[tilespmem:$0x1E800] =	vst v63  }
0xd3: {  	_ =	swait.ge [sflag:s8], $0x4000  }
0xd4: {  	[sflag:s8] =	ssyncset.done $0x0  }
0xd5: {  	[sflag:s8] =	ssyncadd.s32 $0xFFFFC000  }
0xd6: {  	_ =	swait.ge [sflag:s9], $0x4000  }
0xd7: {  	[sflag:s9] =	ssyncset.done $0x0  }
0xd8: {  	[sflag:s9] =	ssyncadd.s32 $0xFFFFC000  }
0xd9: {  	[bflag:$0x0] =	sbarrier.arrive $0xFFFF  }
0xda: {  	s1 =	rddreg [dreg:$0x6]  }
0xdb: {  	[hbm:s1], [sflag:s3] =	dma.local [spmem:s4], $0x2800  }
0xdc: {  	s0 =	rddreg [dreg:$0x1b]  }
0xdd: {  	p1 =	sne.s32 s0, $0x1  }
.Ltmp1:
0xde: {  	_ = 	snop;
	(pc) =	sbr.rel @!p1 .LBB2_3-.Ltmp1, $2  }
0xdf: {  	_ =	sdelay $0x2  }
0xe0: {  	p0 =	por $0x1, $0x1;
	_ =	swait.ge [sflag:s5], $0x2800;
	s1 =	sadd.s32 $0xFFFFFFFF, s0  }
.LBB2_2:
0xe1: {  	[sflag:s5] =	ssyncset.done $0x0  }
0xe2: {  	s0 =	rddreg [dreg:$0x3];
	[sflag:s5] =	ssyncadd.s32 $0xFFFFD800  }
0xe3: {  	[spmem:s4], [sflag:s3] =	dma.local [hbm:s0], $0x2800  }
0xe4: {  	_ =	swait.ge [sflag:s5], $0x2800  }
0xe5: {  	[sflag:s5] =	ssyncset.done $0x0  }
0xe6: {  	s11 =	rddreg [dreg:$0x4];
	[sflag:s5] =	ssyncadd.s32 $0xFFFFD800  }
0xe7: {  	[tilespmem:s31], [sflag:$0x3] =	stream.linear.gather [hbm4b:s11+s31], $0x1400, $0x38;
	[tilespmem:$0x1E800] =	vst v63  }
0xe8: {  	_ =	swait.ge [sflag:s5], $0x1400  }
0xe9: {  	s0 =	rddreg [dreg:$0x5];
	[sflag:s5] =	ssyncset.done $0x0  }
0xea: {  	s11 =	rddreg [dreg:$0x7];
	[sflag:s5] =	ssyncadd.s32 $0xFFFFEC00  }
0xeb: {  	[tilespmem:s11], [sflag:$0x3] =	stream.linear.gather [hbm4b:s0+s31], $0x1400, $0x38;
	[tilespmem:$0x1E800] =	vst v63  }
0xec: {  	_ =	swait.ge [sflag:s5], $0x1400  }
0xed: {  	[sflag:s5] =	ssyncset.done $0x0  }
0xee: {  	[sflag:s5] =	ssyncadd.s32 $0xFFFFEC00  }
0xef: {  	[bflag:$0x0] =	sbarrier.arrive $0xFFFF  }
0xf0: {  	[tilespmem:s10], [sflag:$0x1] =	stream.indirect.gather [spmem:s2], $0x80, s31, s6, $0xb8;
	[tilespmem:$0x1E800] =	vst v63  }
0xf1: {  	_ = 	snop  }
0xf2: {  	[tilespmem:s7], [sflag:$0x2] =	stream.indirect.gather [spmem:s2], $0x80, s6, s6, $0xb8;
	[tilespmem:$0x1E800] =	vst v63  }
0xf3: {  	_ =	swait.ge [sflag:s8], $0x4000  }
0xf4: {  	[sflag:s8] =	ssyncset.done $0x0  }
0xf5: {  	s11 =	rddreg [dreg:$0x8];
	[sflag:s8] =	ssyncadd.s32 $0xFFFFC000  }
0xf6: {  	[tilespmem:s10], [sflag:$0x1] =	stream.indirect.gather [spmem:s2], $0x80, s11, s6, $0xb8;
	[tilespmem:$0x1E800] =	vst v63  }
0xf7: {  	_ =	swait.ge [sflag:s9], $0x4000  }
0xf8: {  	[sflag:s9] =	ssyncset.done $0x0  }
0xf9: {  	s11 =	rddreg [dreg:$0x9];
	[sflag:s9] =	ssyncadd.s32 $0xFFFFC000  }
0xfa: {  	[tilespmem:s7], [sflag:$0x2] =	stream.indirect.gather [spmem:s2], $0x80, s11, s6, $0xb8;
	[tilespmem:$0x1E800] =	vst v63  }
0xfb: {  	_ =	swait.ge [sflag:s8], $0x4000  }
0xfc: {  	[sflag:s8] =	ssyncset.done $0x0  }
0xfd: {  	s11 =	rddreg [dreg:$0xa];
	[sflag:s8] =	ssyncadd.s32 $0xFFFFC000  }
0xfe: {  	[tilespmem:s10], [sflag:$0x1] =	stream.indirect.gather [spmem:s2], $0x80, s11, s6, $0xb8;
	[tilespmem:$0x1E800] =	vst v63  }
0xff: {  	_ =	swait.ge [sflag:s9], $0x4000  }
0x100: {  	[sflag:s9] =	ssyncset.done $0x0  }
0x101: {  	s11 =	rddreg [dreg:$0xb];
	[sflag:s9] =	ssyncadd.s32 $0xFFFFC000  }
0x102: {  	[tilespmem:s7], [sflag:$0x2] =	stream.indirect.gather [spmem:s2], $0x80, s11, s6, $0xb8;
	[tilespmem:$0x1E800] =	vst v63  }
0x103: {  	_ =	swait.ge [sflag:s8], $0x4000  }
0x104: {  	[sflag:s8] =	ssyncset.done $0x0  }
0x105: {  	s11 =	rddreg [dreg:$0xc];
	[sflag:s8] =	ssyncadd.s32 $0xFFFFC000  }
0x106: {  	[tilespmem:s10], [sflag:$0x1] =	stream.indirect.gather [spmem:s2], $0x80, s11, s6, $0xb8;
	[tilespmem:$0x1E800] =	vst v63  }
0x107: {  	_ =	swait.ge [sflag:s9], $0x4000  }
0x108: {  	[sflag:s9] =	ssyncset.done $0x0  }
0x109: {  	s11 =	rddreg [dreg:$0xd];
	[sflag:s9] =	ssyncadd.s32 $0xFFFFC000  }
0x10a: {  	[tilespmem:s7], [sflag:$0x2] =	stream.indirect.gather [spmem:s2], $0x80, s11, s6, $0xb8;
	[tilespmem:$0x1E800] =	vst v63  }
0x10b: {  	_ =	swait.ge [sflag:s8], $0x4000  }
0x10c: {  	[sflag:s8] =	ssyncset.done $0x0  }
0x10d: {  	[sflag:s8] =	ssyncadd.s32 $0xFFFFC000  }
0x10e: {  	_ =	swait.ge [sflag:s9], $0x4000  }
0x10f: {  	[sflag:s9] =	ssyncset.done $0x0  }
0x110: {  	s0 =	rddreg [dreg:$0xe];
	[sflag:s9] =	ssyncadd.s32 $0xFFFFC000  }
0x111: {  	[tilespmem:s10], [sflag:$0x1] =	stream.indirect.gather [spmem:s2], $0x80, s0, s6, $0xb8;
	[tilespmem:$0x1E800] =	vst v63  }
0x112: {  	s11 =	rddreg [dreg:$0xf]  }
0x113: {  	[tilespmem:s7], [sflag:$0x2] =	stream.indirect.gather [spmem:s2], $0x80, s11, s6, $0xb8;
	[tilespmem:$0x1E800] =	vst v63  }
0x114: {  	_ =	swait.ge [sflag:s8], $0x4000  }
0x115: {  	[sflag:s8] =	ssyncset.done $0x0  }
0x116: {  	s11 =	rddreg [dreg:$0x10];
	[sflag:s8] =	ssyncadd.s32 $0xFFFFC000  }
0x117: {  	[tilespmem:s10], [sflag:$0x1] =	stream.indirect.gather [spmem:s2], $0x80, s11, s6, $0xb8;
	[tilespmem:$0x1E800] =	vst v63  }
0x118: {  	_ =	swait.ge [sflag:s9], $0x4000  }
0x119: {  	[sflag:s9] =	ssyncset.done $0x0  }
0x11a: {  	s11 =	rddreg [dreg:$0x11];
	[sflag:s9] =	ssyncadd.s32 $0xFFFFC000  }
0x11b: {  	[tilespmem:s7], [sflag:$0x2] =	stream.indirect.gather [spmem:s2], $0x80, s11, s6, $0xb8;
	[tilespmem:$0x1E800] =	vst v63  }
0x11c: {  	_ =	swait.ge [sflag:s8], $0x4000  }
0x11d: {  	[sflag:s8] =	ssyncset.done $0x0  }
0x11e: {  	s11 =	rddreg [dreg:$0x12];
	[sflag:s8] =	ssyncadd.s32 $0xFFFFC000  }
0x11f: {  	[tilespmem:s10], [sflag:$0x1] =	stream.indirect.gather [spmem:s2], $0x80, s11, s6, $0xb8;
	[tilespmem:$0x1E800] =	vst v63  }
0x120: {  	_ =	swait.ge [sflag:s9], $0x4000  }
0x121: {  	[sflag:s9] =	ssyncset.done $0x0  }
0x122: {  	s11 =	rddreg [dreg:$0x13];
	[sflag:s9] =	ssyncadd.s32 $0xFFFFC000  }
0x123: {  	[tilespmem:s7], [sflag:$0x2] =	stream.indirect.gather [spmem:s2], $0x80, s11, s6, $0xb8;
	[tilespmem:$0x1E800] =	vst v63  }
0x124: {  	_ =	swait.ge [sflag:s8], $0x4000  }
0x125: {  	[sflag:s8] =	ssyncset.done $0x0  }
0x126: {  	s11 =	rddreg [dreg:$0x14];
	[sflag:s8] =	ssyncadd.s32 $0xFFFFC000  }
0x127: {  	[tilespmem:s10], [sflag:$0x1] =	stream.indirect.gather [spmem:s2], $0x80, s11, s6, $0xb8;
	[tilespmem:$0x1E800] =	vst v63  }
0x128: {  	_ =	swait.ge [sflag:s9], $0x4000  }
0x129: {  	[sflag:s9] =	ssyncset.done $0x0  }
0x12a: {  	s11 =	rddreg [dreg:$0x15];
	[sflag:s9] =	ssyncadd.s32 $0xFFFFC000  }
0x12b: {  	[tilespmem:s7], [sflag:$0x2] =	stream.indirect.gather [spmem:s2], $0x80, s11, s6, $0xb8;
	[tilespmem:$0x1E800] =	vst v63  }
0x12c: {  	_ =	swait.ge [sflag:s8], $0x4000  }
0x12d: {  	[sflag:s8] =	ssyncset.done $0x0  }
0x12e: {  	[sflag:s8] =	ssyncadd.s32 $0xFFFFC000  }
0x12f: {  	_ =	swait.ge [sflag:s9], $0x4000  }
0x130: {  	[sflag:s9] =	ssyncset.done $0x0  }
0x131: {  	s0 =	rddreg [dreg:$0x16];
	[sflag:s9] =	ssyncadd.s32 $0xFFFFC000  }
0x132: {  	[tilespmem:s10], [sflag:$0x1] =	stream.indirect.gather [spmem:s2], $0x80, s0, s6, $0xb8;
	[tilespmem:$0x1E800] =	vst v63  }
0x133: {  	s11 =	rddreg [dreg:$0x17]  }
0x134: {  	[tilespmem:s7], [sflag:$0x2] =	stream.indirect.gather [spmem:s2], $0x80, s11, s6, $0xb8;
	[tilespmem:$0x1E800] =	vst v63  }
0x135: {  	_ =	swait.ge [sflag:s8], $0x4000  }
0x136: {  	[sflag:s8] =	ssyncset.done $0x0  }
0x137: {  	s0 =	rddreg [dreg:$0x18];
	[sflag:s8] =	ssyncadd.s32 $0xFFFFC000  }
0x138: {  	[tilespmem:s10], [sflag:$0x1] =	stream.indirect.gather [spmem:s2], $0x80, s0, s6, $0xb8;
	[tilespmem:$0x1E800] =	vst v63  }
0x139: {  	_ =	swait.ge [sflag:s9], $0x4000  }
0x13a: {  	[sflag:s9] =	ssyncset.done $0x0  }
0x13b: {  	s0 =	rddreg [dreg:$0x19];
	[sflag:s9] =	ssyncadd.s32 $0xFFFFC000  }
0x13c: {  	[tilespmem:s7], [sflag:$0x2] =	stream.indirect.gather [spmem:s2], $0x80, s0, s6, $0xb8;
	[tilespmem:$0x1E800] =	vst v63  }
0x13d: {  	_ =	swait.ge [sflag:s8], $0x4000  }
0x13e: {  	[sflag:s8] =	ssyncset.done $0x0  }
0x13f: {  	s0 =	rddreg [dreg:$0x1a];
	[sflag:s8] =	ssyncadd.s32 $0xFFFFC000  }
0x140: {  	[tilespmem:s10], [sflag:$0x1] =	stream.indirect.gather [spmem:s2], $0x80, s0, s6, $0xb8;
	[tilespmem:$0x1E800] =	vst v63  }
0x141: {  	_ =	swait.ge [sflag:s9], $0x4000  }
0x142: {  	[sflag:s9] =	ssyncset.done $0x0  }
0x143: {  	[sflag:s9] =	ssyncadd.s32 $0xFFFFC000  }
0x144: {  	[tilespmem:s7], [sflag:$0x2] =	stream.indirect.gather [spmem:s2], $0x80, s30, s6, $0xb8;
	[tilespmem:$0x1E800] =	vst v63  }
0x145: {  	_ =	swait.ge [sflag:s8], $0x4000  }
0x146: {  	[sflag:s8] =	ssyncset.done $0x0  }
0x147: {  	[sflag:s8] =	ssyncadd.s32 $0xFFFFC000  }
0x148: {  	[tilespmem:s10], [sflag:$0x1] =	stream.indirect.gather [spmem:s2], $0x80, s29, s6, $0xb8;
	[tilespmem:$0x1E800] =	vst v63  }
0x149: {  	_ =	swait.ge [sflag:s9], $0x4000  }
0x14a: {  	[sflag:s9] =	ssyncset.done $0x0  }
0x14b: {  	[sflag:s9] =	ssyncadd.s32 $0xFFFFC000  }
0x14c: {  	[tilespmem:s7], [sflag:$0x2] =	stream.indirect.gather [spmem:s2], $0x80, s28, s6, $0xb8;
	[tilespmem:$0x1E800] =	vst v63  }
0x14d: {  	_ =	swait.ge [sflag:s8], $0x4000  }
0x14e: {  	[sflag:s8] =	ssyncset.done $0x0  }
0x14f: {  	[sflag:s8] =	ssyncadd.s32 $0xFFFFC000  }
0x150: {  	_ =	swait.ge [sflag:s9], $0x4000  }
0x151: {  	[sflag:s9] =	ssyncset.done $0x0  }
0x152: {  	[sflag:s9] =	ssyncadd.s32 $0xFFFFC000  }
0x153: {  	[tilespmem:s10], [sflag:$0x1] =	stream.indirect.gather [spmem:s2], $0x80, s25, s6, $0xb8;
	[tilespmem:$0x1E800] =	vst v63  }
0x154: {  	_ = 	snop  }
0x155: {  	[tilespmem:s7], [sflag:$0x2] =	stream.indirect.gather [spmem:s2], $0x80, s26, s6, $0xb8;
	[tilespmem:$0x1E800] =	vst v63  }
0x156: {  	_ =	swait.ge [sflag:s8], $0x4000  }
0x157: {  	[sflag:s8] =	ssyncset.done $0x0  }
0x158: {  	[sflag:s8] =	ssyncadd.s32 $0xFFFFC000  }
0x159: {  	[tilespmem:s10], [sflag:$0x1] =	stream.indirect.gather [spmem:s2], $0x80, s24, s6, $0xb8;
	[tilespmem:$0x1E800] =	vst v63  }
0x15a: {  	_ =	swait.ge [sflag:s9], $0x4000  }
0x15b: {  	[sflag:s9] =	ssyncset.done $0x0  }
0x15c: {  	[sflag:s9] =	ssyncadd.s32 $0xFFFFC000  }
0x15d: {  	[tilespmem:s7], [sflag:$0x2] =	stream.indirect.gather [spmem:s2], $0x80, s23, s6, $0xb8;
	[tilespmem:$0x1E800] =	vst v63  }
0x15e: {  	_ =	swait.ge [sflag:s8], $0x4000  }
0x15f: {  	[sflag:s8] =	ssyncset.done $0x0  }
0x160: {  	[sflag:s8] =	ssyncadd.s32 $0xFFFFC000  }
0x161: {  	[tilespmem:s10], [sflag:$0x1] =	stream.indirect.gather [spmem:s2], $0x80, s22, s6, $0xb8;
	[tilespmem:$0x1E800] =	vst v63  }
0x162: {  	_ =	swait.ge [sflag:s9], $0x4000  }
0x163: {  	[sflag:s9] =	ssyncset.done $0x0  }
0x164: {  	[sflag:s9] =	ssyncadd.s32 $0xFFFFC000  }
0x165: {  	[tilespmem:s7], [sflag:$0x2] =	stream.indirect.gather [spmem:s2], $0x80, s21, s6, $0xb8;
	[tilespmem:$0x1E800] =	vst v63  }
0x166: {  	_ =	swait.ge [sflag:s8], $0x4000  }
0x167: {  	[sflag:s8] =	ssyncset.done $0x0  }
0x168: {  	[sflag:s8] =	ssyncadd.s32 $0xFFFFC000  }
0x169: {  	[tilespmem:s10], [sflag:$0x1] =	stream.indirect.gather [spmem:s2], $0x80, s20, s6, $0xb8;
	[tilespmem:$0x1E800] =	vst v63  }
0x16a: {  	_ =	swait.ge [sflag:s9], $0x4000  }
0x16b: {  	[sflag:s9] =	ssyncset.done $0x0  }
0x16c: {  	[sflag:s9] =	ssyncadd.s32 $0xFFFFC000  }
0x16d: {  	[tilespmem:s7], [sflag:$0x2] =	stream.indirect.gather [spmem:s2], $0x80, s19, s6, $0xb8;
	[tilespmem:$0x1E800] =	vst v63  }
0x16e: {  	_ =	swait.ge [sflag:s8], $0x4000  }
0x16f: {  	[sflag:s8] =	ssyncset.done $0x0  }
0x170: {  	[sflag:s8] =	ssyncadd.s32 $0xFFFFC000  }
0x171: {  	_ =	swait.ge [sflag:s9], $0x4000  }
0x172: {  	[sflag:s9] =	ssyncset.done $0x0  }
0x173: {  	[sflag:s9] =	ssyncadd.s32 $0xFFFFC000  }
0x174: {  	[tilespmem:s10], [sflag:$0x1] =	stream.indirect.gather [spmem:s2], $0x80, s16, s6, $0xb8;
	[tilespmem:$0x1E800] =	vst v63  }
0x175: {  	_ = 	snop  }
0x176: {  	[tilespmem:s7], [sflag:$0x2] =	stream.indirect.gather [spmem:s2], $0x80, s17, s6, $0xb8;
	[tilespmem:$0x1E800] =	vst v63  }
0x177: {  	_ =	swait.ge [sflag:s8], $0x4000  }
0x178: {  	[sflag:s8] =	ssyncset.done $0x0  }
0x179: {  	[sflag:s8] =	ssyncadd.s32 $0xFFFFC000  }
0x17a: {  	[tilespmem:s10], [sflag:$0x1] =	stream.indirect.gather [spmem:s2], $0x80, s18, s6, $0xb8;
	[tilespmem:$0x1E800] =	vst v63  }
0x17b: {  	_ =	swait.ge [sflag:s9], $0x4000  }
0x17c: {  	[sflag:s9] =	ssyncset.done $0x0  }
0x17d: {  	[sflag:s9] =	ssyncadd.s32 $0xFFFFC000  }
0x17e: {  	[tilespmem:s7], [sflag:$0x2] =	stream.indirect.gather [spmem:s2], $0x80, s15, s6, $0xb8;
	[tilespmem:$0x1E800] =	vst v63  }
0x17f: {  	_ =	swait.ge [sflag:s8], $0x4000  }
0x180: {  	[sflag:s8] =	ssyncset.done $0x0  }
0x181: {  	[sflag:s8] =	ssyncadd.s32 $0xFFFFC000  }
0x182: {  	[tilespmem:s10], [sflag:$0x1] =	stream.indirect.gather [spmem:s2], $0x80, s14, s6, $0xb8;
	[tilespmem:$0x1E800] =	vst v63  }
0x183: {  	_ =	swait.ge [sflag:s9], $0x4000  }
0x184: {  	[sflag:s9] =	ssyncset.done $0x0  }
0x185: {  	[sflag:s9] =	ssyncadd.s32 $0xFFFFC000  }
0x186: {  	[tilespmem:s7], [sflag:$0x2] =	stream.indirect.gather [spmem:s2], $0x80, s13, s6, $0xb8;
	[tilespmem:$0x1E800] =	vst v63  }
0x187: {  	_ =	swait.ge [sflag:s8], $0x4000  }
0x188: {  	[sflag:s8] =	ssyncset.done $0x0  }
0x189: {  	[sflag:s8] =	ssyncadd.s32 $0xFFFFC000  }
0x18a: {  	[tilespmem:s10], [sflag:$0x1] =	stream.indirect.gather [spmem:s2], $0x80, s12, s6, $0xb8;
	[tilespmem:$0x1E800] =	vst v63  }
0x18b: {  	_ =	swait.ge [sflag:s9], $0x4000  }
0x18c: {  	[sflag:s9] =	ssyncset.done $0x0  }
0x18d: {  	s11 =	simm.s32 $0x1380;
	[sflag:s9] =	ssyncadd.s32 $0xFFFFC000  }
0x18e: {  	[tilespmem:s7], [sflag:$0x2] =	stream.indirect.gather [spmem:s2], $0x80, s11, s6, $0xb8;
	[tilespmem:$0x1E800] =	vst v63  }
0x18f: {  	_ =	swait.ge [sflag:s8], $0x4000  }
0x190: {  	[sflag:s8] =	ssyncset.done $0x0  }
0x191: {  	[sflag:s8] =	ssyncadd.s32 $0xFFFFC000  }
0x192: {  	_ =	swait.ge [sflag:s9], $0x4000  }
0x193: {  	p1 =	sne.s32 s1, $0x1;
	[sflag:s9] =	ssyncset.done $0x0  }
.Ltmp2:
0x194: {  	[sflag:s9] =	ssyncadd.s32 $0xFFFFC000;
	(pc) =	sbr.rel @p1 .LBB2_2-.Ltmp2, $4  }
0x195: {  	[bflag:$0x0] =	sbarrier.arrive $0xFFFF  }
0x196: {  	s0 =	rddreg [dreg:$0x6]  }
0x197: {  	[hbm:s0], [sflag:s3] =	dma.local [spmem:s4], $0x2800  }
0x198: {  	s1 =	sadd.s32 $0xFFFFFFFF, s1;
	_ =	swait.ge [sflag:s5], $0x2800  }
.LBB2_3:
0x199: {  	[sflag:s5] =	ssyncset.done @p0 $0x0  }
0x19a: {  	s0 =	rddreg [dreg:$0x3];
	[sflag:s5] =	ssyncadd.s32 @p0 $0xFFFFD800  }
0x19b: {  	[spmem:s4], [sflag:s3] =	dma.local [hbm:s0], $0x2800  }
0x19c: {  	_ =	swait.ge [sflag:s5], $0x2800  }
0x19d: {  	[sflag:s5] =	ssyncset.done $0x0  }
0x19e: {  	s1 =	rddreg [dreg:$0x4];
	[sflag:s5] =	ssyncadd.s32 $0xFFFFD800  }
0x19f: {  	[tilespmem:s31], [sflag:$0x3] =	stream.linear.gather [hbm4b:s1+s31], $0x1400, $0x38;
	[tilespmem:$0x1E800] =	vst v63  }
0x1a0: {  	_ =	swait.ge [sflag:s5], $0x1400  }
0x1a1: {  	s0 =	rddreg [dreg:$0x5];
	[sflag:s5] =	ssyncset.done $0x0  }
0x1a2: {  	s1 =	rddreg [dreg:$0x7];
	[sflag:s5] =	ssyncadd.s32 $0xFFFFEC00  }
0x1a3: {  	[tilespmem:s1], [sflag:$0x3] =	stream.linear.gather [hbm4b:s0+s31], $0x1400, $0x38;
	[tilespmem:$0x1E800] =	vst v63  }
0x1a4: {  	_ =	swait.ge [sflag:s5], $0x1400  }
0x1a5: {  	[sflag:s5] =	ssyncset.done $0x0  }
0x1a6: {  	[sflag:s5] =	ssyncadd.s32 $0xFFFFEC00  }
0x1a7: {  	[bflag:$0x0] =	sbarrier.arrive $0xFFFF  }
0x1a8: {  	[tilespmem:s10], [sflag:$0x1] =	stream.indirect.gather [spmem:s2], $0x80, s31, s6, $0xb8;
	[tilespmem:$0x1E800] =	vst v63  }
0x1a9: {  	_ = 	snop  }
0x1aa: {  	[tilespmem:s7], [sflag:$0x2] =	stream.indirect.gather [spmem:s2], $0x80, s6, s6, $0xb8;
	[tilespmem:$0x1E800] =	vst v63  }
0x1ab: {  	_ =	swait.ge [sflag:s8], $0x4000  }
0x1ac: {  	[sflag:s8] =	ssyncset.done $0x0  }
0x1ad: {  	s1 =	rddreg [dreg:$0x8];
	[sflag:s8] =	ssyncadd.s32 $0xFFFFC000  }
0x1ae: {  	[tilespmem:s10], [sflag:$0x1] =	stream.indirect.gather [spmem:s2], $0x80, s1, s6, $0xb8;
	[tilespmem:$0x1E800] =	vst v63  }
0x1af: {  	_ =	swait.ge [sflag:s9], $0x4000  }
0x1b0: {  	[sflag:s9] =	ssyncset.done $0x0  }
0x1b1: {  	s31 =	rddreg [dreg:$0x9];
	[sflag:s9] =	ssyncadd.s32 $0xFFFFC000  }
0x1b2: {  	[tilespmem:s7], [sflag:$0x2] =	stream.indirect.gather [spmem:s2], $0x80, s31, s6, $0xb8;
	[tilespmem:$0x1E800] =	vst v63  }
0x1b3: {  	_ =	swait.ge [sflag:s8], $0x4000  }
0x1b4: {  	[sflag:s8] =	ssyncset.done $0x0  }
0x1b5: {  	s1 =	rddreg [dreg:$0xa];
	[sflag:s8] =	ssyncadd.s32 $0xFFFFC000  }
0x1b6: {  	[tilespmem:s10], [sflag:$0x1] =	stream.indirect.gather [spmem:s2], $0x80, s1, s6, $0xb8;
	[tilespmem:$0x1E800] =	vst v63  }
0x1b7: {  	_ =	swait.ge [sflag:s9], $0x4000  }
0x1b8: {  	[sflag:s9] =	ssyncset.done $0x0  }
0x1b9: {  	s31 =	rddreg [dreg:$0xb];
	[sflag:s9] =	ssyncadd.s32 $0xFFFFC000  }
0x1ba: {  	[tilespmem:s7], [sflag:$0x2] =	stream.indirect.gather [spmem:s2], $0x80, s31, s6, $0xb8;
	[tilespmem:$0x1E800] =	vst v63  }
0x1bb: {  	_ =	swait.ge [sflag:s8], $0x4000  }
0x1bc: {  	[sflag:s8] =	ssyncset.done $0x0  }
0x1bd: {  	s1 =	rddreg [dreg:$0xc];
	[sflag:s8] =	ssyncadd.s32 $0xFFFFC000  }
0x1be: {  	[tilespmem:s10], [sflag:$0x1] =	stream.indirect.gather [spmem:s2], $0x80, s1, s6, $0xb8;
	[tilespmem:$0x1E800] =	vst v63  }
0x1bf: {  	_ =	swait.ge [sflag:s9], $0x4000  }
0x1c0: {  	[sflag:s9] =	ssyncset.done $0x0  }
0x1c1: {  	s31 =	rddreg [dreg:$0xd];
	[sflag:s9] =	ssyncadd.s32 $0xFFFFC000  }
0x1c2: {  	[tilespmem:s7], [sflag:$0x2] =	stream.indirect.gather [spmem:s2], $0x80, s31, s6, $0xb8;
	[tilespmem:$0x1E800] =	vst v63  }
0x1c3: {  	_ =	swait.ge [sflag:s8], $0x4000  }
0x1c4: {  	[sflag:s8] =	ssyncset.done $0x0  }
0x1c5: {  	[sflag:s8] =	ssyncadd.s32 $0xFFFFC000  }
0x1c6: {  	_ =	swait.ge [sflag:s9], $0x4000  }
0x1c7: {  	[sflag:s9] =	ssyncset.done $0x0  }
0x1c8: {  	s1 =	rddreg [dreg:$0xe];
	[sflag:s9] =	ssyncadd.s32 $0xFFFFC000  }
0x1c9: {  	[tilespmem:s10], [sflag:$0x1] =	stream.indirect.gather [spmem:s2], $0x80, s1, s6, $0xb8;
	[tilespmem:$0x1E800] =	vst v63  }
0x1ca: {  	s31 =	rddreg [dreg:$0xf]  }
0x1cb: {  	[tilespmem:s7], [sflag:$0x2] =	stream.indirect.gather [spmem:s2], $0x80, s31, s6, $0xb8;
	[tilespmem:$0x1E800] =	vst v63  }
0x1cc: {  	_ =	swait.ge [sflag:s8], $0x4000  }
0x1cd: {  	[sflag:s8] =	ssyncset.done $0x0  }
0x1ce: {  	s1 =	rddreg [dreg:$0x10];
	[sflag:s8] =	ssyncadd.s32 $0xFFFFC000  }
0x1cf: {  	[tilespmem:s10], [sflag:$0x1] =	stream.indirect.gather [spmem:s2], $0x80, s1, s6, $0xb8;
	[tilespmem:$0x1E800] =	vst v63  }
0x1d0: {  	_ =	swait.ge [sflag:s9], $0x4000  }
0x1d1: {  	[sflag:s9] =	ssyncset.done $0x0  }
0x1d2: {  	s31 =	rddreg [dreg:$0x11];
	[sflag:s9] =	ssyncadd.s32 $0xFFFFC000  }
0x1d3: {  	[tilespmem:s7], [sflag:$0x2] =	stream.indirect.gather [spmem:s2], $0x80, s31, s6, $0xb8;
	[tilespmem:$0x1E800] =	vst v63  }
0x1d4: {  	_ =	swait.ge [sflag:s8], $0x4000  }
0x1d5: {  	[sflag:s8] =	ssyncset.done $0x0  }
0x1d6: {  	s1 =	rddreg [dreg:$0x12];
	[sflag:s8] =	ssyncadd.s32 $0xFFFFC000  }
0x1d7: {  	[tilespmem:s10], [sflag:$0x1] =	stream.indirect.gather [spmem:s2], $0x80, s1, s6, $0xb8;
	[tilespmem:$0x1E800] =	vst v63  }
0x1d8: {  	_ =	swait.ge [sflag:s9], $0x4000  }
0x1d9: {  	[sflag:s9] =	ssyncset.done $0x0  }
0x1da: {  	s31 =	rddreg [dreg:$0x13];
	[sflag:s9] =	ssyncadd.s32 $0xFFFFC000  }
0x1db: {  	[tilespmem:s7], [sflag:$0x2] =	stream.indirect.gather [spmem:s2], $0x80, s31, s6, $0xb8;
	[tilespmem:$0x1E800] =	vst v63  }
0x1dc: {  	_ =	swait.ge [sflag:s8], $0x4000  }
0x1dd: {  	[sflag:s8] =	ssyncset.done $0x0  }
0x1de: {  	s1 =	rddreg [dreg:$0x14];
	[sflag:s8] =	ssyncadd.s32 $0xFFFFC000  }
0x1df: {  	[tilespmem:s10], [sflag:$0x1] =	stream.indirect.gather [spmem:s2], $0x80, s1, s6, $0xb8;
	[tilespmem:$0x1E800] =	vst v63  }
0x1e0: {  	_ =	swait.ge [sflag:s9], $0x4000  }
0x1e1: {  	[sflag:s9] =	ssyncset.done $0x0  }
0x1e2: {  	s31 =	rddreg [dreg:$0x15];
	[sflag:s9] =	ssyncadd.s32 $0xFFFFC000  }
0x1e3: {  	[tilespmem:s7], [sflag:$0x2] =	stream.indirect.gather [spmem:s2], $0x80, s31, s6, $0xb8;
	[tilespmem:$0x1E800] =	vst v63  }
0x1e4: {  	_ =	swait.ge [sflag:s8], $0x4000  }
0x1e5: {  	[sflag:s8] =	ssyncset.done $0x0  }
0x1e6: {  	[sflag:s8] =	ssyncadd.s32 $0xFFFFC000  }
0x1e7: {  	_ =	swait.ge [sflag:s9], $0x4000  }
0x1e8: {  	[sflag:s9] =	ssyncset.done $0x0  }
0x1e9: {  	s1 =	rddreg [dreg:$0x16];
	[sflag:s9] =	ssyncadd.s32 $0xFFFFC000  }
0x1ea: {  	[tilespmem:s10], [sflag:$0x1] =	stream.indirect.gather [spmem:s2], $0x80, s1, s6, $0xb8;
	[tilespmem:$0x1E800] =	vst v63  }
0x1eb: {  	s31 =	rddreg [dreg:$0x17]  }
0x1ec: {  	[tilespmem:s7], [sflag:$0x2] =	stream.indirect.gather [spmem:s2], $0x80, s31, s6, $0xb8;
	[tilespmem:$0x1E800] =	vst v63  }
0x1ed: {  	_ =	swait.ge [sflag:s8], $0x4000  }
0x1ee: {  	[sflag:s8] =	ssyncset.done $0x0  }
0x1ef: {  	s1 =	rddreg [dreg:$0x18];
	[sflag:s8] =	ssyncadd.s32 $0xFFFFC000  }
0x1f0: {  	[tilespmem:s10], [sflag:$0x1] =	stream.indirect.gather [spmem:s2], $0x80, s1, s6, $0xb8;
	[tilespmem:$0x1E800] =	vst v63  }
0x1f1: {  	_ =	swait.ge [sflag:s9], $0x4000  }
0x1f2: {  	[sflag:s9] =	ssyncset.done $0x0  }
0x1f3: {  	s31 =	rddreg [dreg:$0x19];
	[sflag:s9] =	ssyncadd.s32 $0xFFFFC000  }
0x1f4: {  	[tilespmem:s7], [sflag:$0x2] =	stream.indirect.gather [spmem:s2], $0x80, s31, s6, $0xb8;
	[tilespmem:$0x1E800] =	vst v63  }
0x1f5: {  	_ =	swait.ge [sflag:s8], $0x4000  }
0x1f6: {  	[sflag:s8] =	ssyncset.done $0x0  }
0x1f7: {  	s1 =	rddreg [dreg:$0x1a];
	[sflag:s8] =	ssyncadd.s32 $0xFFFFC000  }
0x1f8: {  	[tilespmem:s10], [sflag:$0x1] =	stream.indirect.gather [spmem:s2], $0x80, s1, s6, $0xb8;
	[tilespmem:$0x1E800] =	vst v63  }
0x1f9: {  	_ =	swait.ge [sflag:s9], $0x4000  }
0x1fa: {  	[sflag:s9] =	ssyncset.done $0x0  }
0x1fb: {  	[sflag:s9] =	ssyncadd.s32 $0xFFFFC000  }
0x1fc: {  	[tilespmem:s7], [sflag:$0x2] =	stream.indirect.gather [spmem:s2], $0x80, s30, s6, $0xb8;
	[tilespmem:$0x1E800] =	vst v63  }
0x1fd: {  	_ =	swait.ge [sflag:s8], $0x4000  }
0x1fe: {  	[sflag:s8] =	ssyncset.done $0x0  }
0x1ff: {  	[sflag:s8] =	ssyncadd.s32 $0xFFFFC000  }
0x200: {  	[tilespmem:s10], [sflag:$0x1] =	stream.indirect.gather [spmem:s2], $0x80, s29, s6, $0xb8;
	[tilespmem:$0x1E800] =	vst v63  }
0x201: {  	_ =	swait.ge [sflag:s9], $0x4000  }
0x202: {  	[sflag:s9] =	ssyncset.done $0x0  }
0x203: {  	[sflag:s9] =	ssyncadd.s32 $0xFFFFC000  }
0x204: {  	[tilespmem:s7], [sflag:$0x2] =	stream.indirect.gather [spmem:s2], $0x80, s28, s6, $0xb8;
	[tilespmem:$0x1E800] =	vst v63  }
0x205: {  	_ =	swait.ge [sflag:s8], $0x4000  }
0x206: {  	[sflag:s8] =	ssyncset.done $0x0  }
0x207: {  	[sflag:s8] =	ssyncadd.s32 $0xFFFFC000  }
0x208: {  	_ =	swait.ge [sflag:s9], $0x4000  }
0x209: {  	[sflag:s9] =	ssyncset.done $0x0  }
0x20a: {  	[sflag:s9] =	ssyncadd.s32 $0xFFFFC000  }
0x20b: {  	[tilespmem:s10], [sflag:$0x1] =	stream.indirect.gather [spmem:s2], $0x80, s25, s6, $0xb8;
	[tilespmem:$0x1E800] =	vst v63  }
0x20c: {  	_ = 	snop  }
0x20d: {  	[tilespmem:s7], [sflag:$0x2] =	stream.indirect.gather [spmem:s2], $0x80, s26, s6, $0xb8;
	[tilespmem:$0x1E800] =	vst v63  }
0x20e: {  	_ =	swait.ge [sflag:s8], $0x4000  }
0x20f: {  	[sflag:s8] =	ssyncset.done $0x0  }
0x210: {  	[sflag:s8] =	ssyncadd.s32 $0xFFFFC000  }
0x211: {  	[tilespmem:s10], [sflag:$0x1] =	stream.indirect.gather [spmem:s2], $0x80, s24, s6, $0xb8;
	[tilespmem:$0x1E800] =	vst v63  }
0x212: {  	_ =	swait.ge [sflag:s9], $0x4000  }
0x213: {  	[sflag:s9] =	ssyncset.done $0x0  }
0x214: {  	[sflag:s9] =	ssyncadd.s32 $0xFFFFC000  }
0x215: {  	[tilespmem:s7], [sflag:$0x2] =	stream.indirect.gather [spmem:s2], $0x80, s23, s6, $0xb8;
	[tilespmem:$0x1E800] =	vst v63  }
0x216: {  	_ =	swait.ge [sflag:s8], $0x4000  }
0x217: {  	[sflag:s8] =	ssyncset.done $0x0  }
0x218: {  	[sflag:s8] =	ssyncadd.s32 $0xFFFFC000  }
0x219: {  	[tilespmem:s10], [sflag:$0x1] =	stream.indirect.gather [spmem:s2], $0x80, s22, s6, $0xb8;
	[tilespmem:$0x1E800] =	vst v63  }
0x21a: {  	_ =	swait.ge [sflag:s9], $0x4000  }
0x21b: {  	[sflag:s9] =	ssyncset.done $0x0  }
0x21c: {  	[sflag:s9] =	ssyncadd.s32 $0xFFFFC000  }
0x21d: {  	[tilespmem:s7], [sflag:$0x2] =	stream.indirect.gather [spmem:s2], $0x80, s21, s6, $0xb8;
	[tilespmem:$0x1E800] =	vst v63  }
0x21e: {  	_ =	swait.ge [sflag:s8], $0x4000  }
0x21f: {  	[sflag:s8] =	ssyncset.done $0x0  }
0x220: {  	[sflag:s8] =	ssyncadd.s32 $0xFFFFC000  }
0x221: {  	[tilespmem:s10], [sflag:$0x1] =	stream.indirect.gather [spmem:s2], $0x80, s20, s6, $0xb8;
	[tilespmem:$0x1E800] =	vst v63  }
0x222: {  	_ =	swait.ge [sflag:s9], $0x4000  }
0x223: {  	[sflag:s9] =	ssyncset.done $0x0  }
0x224: {  	[sflag:s9] =	ssyncadd.s32 $0xFFFFC000  }
0x225: {  	[tilespmem:s7], [sflag:$0x2] =	stream.indirect.gather [spmem:s2], $0x80, s19, s6, $0xb8;
	[tilespmem:$0x1E800] =	vst v63  }
0x226: {  	_ =	swait.ge [sflag:s8], $0x4000  }
0x227: {  	[sflag:s8] =	ssyncset.done $0x0  }
0x228: {  	[sflag:s8] =	ssyncadd.s32 $0xFFFFC000  }
0x229: {  	_ =	swait.ge [sflag:s9], $0x4000  }
0x22a: {  	[sflag:s9] =	ssyncset.done $0x0  }
0x22b: {  	[sflag:s9] =	ssyncadd.s32 $0xFFFFC000  }
0x22c: {  	[tilespmem:s10], [sflag:$0x1] =	stream.indirect.gather [spmem:s2], $0x80, s16, s6, $0xb8;
	[tilespmem:$0x1E800] =	vst v63  }
0x22d: {  	_ = 	snop  }
0x22e: {  	[tilespmem:s7], [sflag:$0x2] =	stream.indirect.gather [spmem:s2], $0x80, s17, s6, $0xb8;
	[tilespmem:$0x1E800] =	vst v63  }
0x22f: {  	_ =	swait.ge [sflag:s8], $0x4000  }
0x230: {  	[sflag:s8] =	ssyncset.done $0x0  }
0x231: {  	[sflag:s8] =	ssyncadd.s32 $0xFFFFC000  }
0x232: {  	[tilespmem:s10], [sflag:$0x1] =	stream.indirect.gather [spmem:s2], $0x80, s18, s6, $0xb8;
	[tilespmem:$0x1E800] =	vst v63  }
0x233: {  	_ =	swait.ge [sflag:s9], $0x4000  }
0x234: {  	[sflag:s9] =	ssyncset.done $0x0  }
0x235: {  	[sflag:s9] =	ssyncadd.s32 $0xFFFFC000  }
0x236: {  	[tilespmem:s7], [sflag:$0x2] =	stream.indirect.gather [spmem:s2], $0x80, s15, s6, $0xb8;
	[tilespmem:$0x1E800] =	vst v63  }
0x237: {  	_ =	swait.ge [sflag:s8], $0x4000  }
0x238: {  	[sflag:s8] =	ssyncset.done $0x0  }
0x239: {  	[sflag:s8] =	ssyncadd.s32 $0xFFFFC000  }
0x23a: {  	[tilespmem:s10], [sflag:$0x1] =	stream.indirect.gather [spmem:s2], $0x80, s14, s6, $0xb8;
	[tilespmem:$0x1E800] =	vst v63  }
0x23b: {  	_ =	swait.ge [sflag:s9], $0x4000  }
0x23c: {  	[sflag:s9] =	ssyncset.done $0x0  }
0x23d: {  	[sflag:s9] =	ssyncadd.s32 $0xFFFFC000  }
0x23e: {  	[tilespmem:s7], [sflag:$0x2] =	stream.indirect.gather [spmem:s2], $0x80, s13, s6, $0xb8;
	[tilespmem:$0x1E800] =	vst v63  }
0x23f: {  	_ =	swait.ge [sflag:s8], $0x4000  }
0x240: {  	[sflag:s8] =	ssyncset.done $0x0  }
0x241: {  	[sflag:s8] =	ssyncadd.s32 $0xFFFFC000  }
0x242: {  	[tilespmem:s10], [sflag:$0x1] =	stream.indirect.gather [spmem:s2], $0x80, s12, s6, $0xb8;
	[tilespmem:$0x1E800] =	vst v63  }
0x243: {  	_ =	swait.ge [sflag:s9], $0x4000  }
0x244: {  	[sflag:s9] =	ssyncset.done $0x0  }
0x245: {  	[sflag:s9] =	ssyncadd.s32 $0xFFFFC000  }
0x246: {  	[tilespmem:s7], [sflag:$0x2] =	stream.indirect.gather [spmem:s2], $0x80, s11, s6, $0xb8;
	[tilespmem:$0x1E800] =	vst v63  }
0x247: {  	_ =	swait.ge [sflag:s8], $0x4000  }
0x248: {  	[sflag:s8] =	ssyncset.done $0x0  }
0x249: {  	[sflag:s8] =	ssyncadd.s32 $0xFFFFC000  }
0x24a: {  	_ =	swait.ge [sflag:s9], $0x4000  }
0x24b: {  	[sflag:s9] =	ssyncset.done $0x0  }
0x24c: {  	[sflag:s9] =	ssyncadd.s32 $0xFFFFC000  }
0x24d: {  	[bflag:$0x0] =	sbarrier.arrive $0xFFFF  }
0x24e: {  	s30 =	rddreg [dreg:$0x6]  }
0x24f: {  	[hbm:s30], [sflag:s3] =	dma.local [spmem:s4], $0x2800  }
0x250: {  	_ =	swait.ge [sflag:s5], $0x2800  }
0x251: {  	[sflag:s5] =	ssyncset.done $0x0  }
0x252: {  	[sflag:s5] =	ssyncadd.s32 $0xFFFFD800  }
0x253: {  	_ =	sfence.sel $0x180000  }
0x254: {  	[bflag:$0x0] =	sbarrier.arrive $0xFFFF  }
0x255: {  	_ =	strace $0x9000004D  }
0x256: {  	s31 =	stileid.u32;
	[bflag:$0x2] =	sbarrier.arrive $0xFFFF  }
0x257: {  	p0 =	sne.s32 s31, $0x0;
	s0 =	rddreg [dreg:$0x2]  }
0x258: {  	s0 =	sadd.s32 @!p0 $0x100000, s0  }
0x259: {  	[sflag:s0] =	ssyncadd.tile.s32 @!p0 $0x1;
	_ =	shalt  }
.Lfunc_end2:
_tile_overlayer_lowered:
.L_overlay_start_2:
0x25a: {  	(tag) =	ssettag $0x2  }
0x25b: {  	s0 =	rddreg [dreg:$0x0];
	s2 =	stileid.u32  }
0x25c: {  	s1 =	rddreg [dreg:$0x1];
	p0 =	sne.s32 s2, $0x0  }
0x25d: {  	s3 =	rddreg [dreg:$0x2];
	[bflag:$0x3] =	sbarrier.arrive $0xFFFF;
	s2 =	simm.s32 @!p0 $0x1C03  }
0x25e: {  	[timem:s3], [sflag:s2] =	dma.local @!p0 [hbm:s0], s1  }
0x25f: {  	s0 =	simm.s32 @!p0 $0x3  }
0x260: {  	_ =	swait.ge @!p0 [sflag:s0], s1  }
0x261: {  	s1 =	ssub.s32 @!p0 $0x0, s1;
	[sflag:s0] =	ssyncset.done @!p0 $0x0  }
0x262: {  	[sflag:s0] =	ssyncadd.s32 @!p0 s1  }
0x263: {  	[bflag:$0x3] =	sbarrier.arrive $0xFFFF  }
0x264: {  	_ =	shalt  }

// kernel: kernel.9.cloned.1.call-start
scs
__scs_entry_jumppad:
0x0: {  	(pc) =	sbr.rel $0x88, $3  }
0x1: {  	(tag) =	ssettag $0x0;
	lr =	simm.s32 $0x1  }
0x2: {  	[smem:$0x3F99] =	sst lr;
	_ =	strace $0xD0000000  }
0x3: {  	_ = 	snop  }
0x4: {  	_ = 	snop  }
0x5: {  	_ = 	snop  }
0x6: {  	_ = 	snop  }
0x7: {  	_ = 	snop  }
__scs_overlays_trampoline_lowered:
0x8: {  	[smem:$0x3FA8] =	sst s0  }
0x9: {  	[smem:$0x3FA9] =	sst s1  }
0xa: {  	[smem:$0x3FAA] =	sst s2  }
0xb: {  	[smem:$0x3FAB] =	sst s3  }
0xc: {  	[smem:$0x3FAC] =	sst s4  }
0xd: {  	[smem:$0x3FAD] =	sst s5  }
0xe: {  	[smem:$0x3FAE] =	sst s6  }
0xf: {  	[smem:$0x3FAF] =	sst s7  }
0x10: {  	[smem:$0x3FB0] =	sst s8  }
0x11: {  	[smem:$0x3FB1] =	sst s9;
	s0 =	simm.s32 @!p0 $0x0  }
0x12: {  	s1 =	sld [smem:$0x3F97];
	s0 =	simm.s32 @p0 $0x1  }
0x13: {  	[smem:$0x3FB2] =	sst s0;
	s0 =	simm.s32 @!p1 $0x0  }
0x14: {  	s2 =	sld [smem:$0x3F96];
	s0 =	simm.s32 @p1 $0x1  }
0x15: {  	[smem:$0x3FB3] =	sst s0;
	s0 =	simm.s32 @!p2 $0x0  }
0x16: {  	s3 =	sld [smem:$0x3FDB];
	s0 =	simm.s32 @p2 $0x1  }
0x17: {  	s4 =	simm.s32 $0x1BF5;
	[smem:$0x3FB5] =	sst s0  }
0x18: {  	s0 =	sld [smem:$0x3F98];
	_ =	swait.ge [sflag:s4], $0x0  }
0x19: {  	s7 =	sld [smem:$0x3F99]  }
0x1a: {  	s8 =	sadd.s32 $0xFFFFE003, lr  }
0x1b: {  	s9 =	sadd.s32 $0xFFFFFEF7, lr;
	s5 =	simm.s32 $0xFFFFFFFF;
	p2 =	slt.u32 s8, $0xFFFFF086  }
0x1c: {  	p1 =	slt.u32 s9, $0xF7A;
	s5 =	simm.s32 @!p2 $0x0  }
0x1d: {  	s5 =	simm.s32 @p1 $0x1;
	p0 =	seq.s32 s7, s2  }
0x1e: {  	s7 =	smul.u32 @!p0 $0xF7A, s2;
	p2 =	seq.s32 @!p0 s5, $0x0  }
0x1f: {  	s9 =	smul.u32 $0xF7A, s1;
	s8 =	simm.s32 @!p0 $0x1BF5;
	p2 =	por !p2, p0  }
0x20: {  	[sflag:s8] =	ssyncset.s32 @!p0 $0xFFFFF086;
	s6 =	sadd.s32 @!p0 s3, s7;
	s7 =	simm.s32 @!p0 $0x108  }
0x21: {  	s3 =	sadd.s32 s3, s9;
	s6 =	sadd.s32 @!p0 $0x88, s6;
	s7 =	simm.s32 @p2 $0x1082  }
0x22: {  	[simem:s7], [sflag:s8] =	dma.local @!p0 [hbm:s6], $0xF7A  }
0x23: {  	s9 =	sor.u32 $0xD0000000, s2;
	s6 =	simm.s32 $0x108;
	_ =	swait.ge @!p0 [sflag:s8], $0x0  }
0x24: {  	s3 =	sadd.s32 $0x88, s3;
	s6 =	simm.s32 @!p1 $0x1082;
	[sflag:s4] =	ssyncset.s32 $0xFFFFF086  }
0x25: {  	[simem:s6], [sflag:s4] =	dma.local [hbm:s3], $0xF7A  }
0x26: {  	[smem:$0x3F99] =	sst s1;
	(tag) =	ssettag s2;
	_ =	strace s9  }
0x27: {  	s1 =	sld [smem:$0x3FA9]  }
0x28: {  	s2 =	sld [smem:$0x3FAA]  }
0x29: {  	s4 =	sld [smem:$0x3FAC]  }
0x2a: {  	p0 =	seq.s32 s5, $0x0;
	s5 =	sld [smem:$0x3FAD]  }
0x2b: {  	s6 =	sld [smem:$0x3FAE]  }
0x2c: {  	s7 =	sld [smem:$0x3FAF]  }
0x2d: {  	s3 =	simm.s32 $0x108;
	s8 =	sld [smem:$0x3FB0]  }
0x2e: {  	s3 =	simm.s32 @!p0 $0x1082;
	s9 =	sld [smem:$0x3FB1]  }
0x2f: {  	lr =	sadd.s32 s0, s3;
	s0 =	sld [smem:$0x3FA8]  }
0x30: {  	s3 =	sld [smem:$0x3FAB]  }
0x31: {  	[smem:$0x3FB4] =	sst s10  }
0x32: {  	s10 =	sld [smem:$0x3FB2];
	_ =	sdelay $0x3  }
0x33: {  	p0 =	seq.s32 s10, $0x1;
	s10 =	sld [smem:$0x3FB4];
	_ =	sdelay $0x3  }
0x34: {  	[smem:$0x3FB4] =	sst s10  }
0x35: {  	s10 =	sld [smem:$0x3FB3];
	_ =	sdelay $0x3  }
0x36: {  	p1 =	seq.s32 s10, $0x1;
	s10 =	sld [smem:$0x3FB4];
	_ =	sdelay $0x3  }
0x37: {  	[smem:$0x3FB4] =	sst s10  }
0x38: {  	s10 =	sld [smem:$0x3FB5]  }
0x39: {  	_ = 	snop;
	(pc) =	sbr.ind lr, $3  }
0x3a: {  	_ = 	snop  }
0x3b: {  	_ = 	snop  }
0x3c: {  	p2 =	seq.s32 s10, $0x1;
	s10 =	sld [smem:$0x3FB4]  }
0x3d: {  	_ =	shalt  }
0x3e: {  	_ =	shalt  }
0x3f: {  	_ =	shalt  }
0x40: {  	_ =	shalt  }
0x41: {  	_ =	shalt  }
0x42: {  	_ =	shalt  }
0x43: {  	_ =	shalt  }
0x44: {  	_ =	shalt  }
0x45: {  	_ =	shalt  }
0x46: {  	_ =	shalt  }
0x47: {  	_ =	shalt  }
0x48: {  	_ =	shalt  }
0x49: {  	_ =	shalt  }
0x4a: {  	_ =	shalt  }
0x4b: {  	_ =	shalt  }
0x4c: {  	_ =	shalt  }
0x4d: {  	_ =	shalt  }
0x4e: {  	_ =	shalt  }
0x4f: {  	_ =	shalt  }
0x50: {  	_ =	shalt  }
0x51: {  	_ =	shalt  }
0x52: {  	_ =	shalt  }
0x53: {  	_ =	shalt  }
0x54: {  	_ =	shalt  }
0x55: {  	_ =	shalt  }
0x56: {  	_ =	shalt  }
0x57: {  	_ =	shalt  }
0x58: {  	_ =	shalt  }
0x59: {  	_ =	shalt  }
0x5a: {  	_ =	shalt  }
0x5b: {  	_ =	shalt  }
0x5c: {  	_ =	shalt  }
0x5d: {  	_ =	shalt  }
0x5e: {  	_ =	shalt  }
0x5f: {  	_ =	shalt  }
0x60: {  	_ =	shalt  }
0x61: {  	_ =	shalt  }
0x62: {  	_ =	shalt  }
0x63: {  	_ =	shalt  }
0x64: {  	_ =	shalt  }
0x65: {  	_ =	shalt  }
0x66: {  	_ =	shalt  }
0x67: {  	_ =	shalt  }
0x68: {  	_ =	shalt  }
0x69: {  	_ =	shalt  }
0x6a: {  	_ =	shalt  }
0x6b: {  	_ =	shalt  }
0x6c: {  	_ =	shalt  }
0x6d: {  	_ =	shalt  }
0x6e: {  	_ =	shalt  }
0x6f: {  	_ =	shalt  }
0x70: {  	_ =	shalt  }
0x71: {  	_ =	shalt  }
0x72: {  	_ =	shalt  }
0x73: {  	_ =	shalt  }
0x74: {  	_ =	shalt  }
0x75: {  	_ =	shalt  }
0x76: {  	_ =	shalt  }
0x77: {  	_ =	shalt  }
0x78: {  	_ =	shalt  }
0x79: {  	_ =	shalt  }
0x7a: {  	_ =	shalt  }
0x7b: {  	_ =	shalt  }
0x7c: {  	_ =	shalt  }
0x7d: {  	_ =	shalt  }
0x7e: {  	_ =	shalt  }
0x7f: {  	_ =	shalt  }
0x80: {  	_ =	shalt  }
0x81: {  	_ =	shalt  }
0x82: {  	_ =	shalt  }
0x83: {  	_ =	shalt  }
0x84: {  	_ =	shalt  }
0x85: {  	_ =	shalt  }
0x86: {  	_ =	shalt  }
0x87: {  	_ =	shalt  }
.Lfunc_end0:
.L_simem_size_0:
called_computation_lowered:
.L_overlay_start_0:
0x88: {  	s2 =	sld [smem:$0x3FD9]  }
0x89: {  	s3 =	sld [smem:$0x3FFE];
	_ =	sdelay $0x1  }
0x8a: {  	s1 =	srdreg.scid  }
0x8b: {  	s0 =	sand.u32 $0x1, s1  }
0x8c: {  	s16 =	sshll.u32 s0, $0xA;
	s2 =	sadd.s32 s3, s2  }
0x8d: {  	s2 =	sadd.s32 s2, s16  }
0x8e: {  	[smem:$0x3FC0] =	sst s2  }
0x8f: {  	_ = 	snop  }
0x90: {  	(tm) =	ssettm $0x1  }
0x91: {  	s17 =	sld [smem:$0x3FFB];
	_ =	sdelay $0x3  }
0x92: {  	_ =	strace s17  }
0x93: {  	s2 =	sld [smem:$0x3FFC];
	_ =	sdelay $0x3  }
0x94: {  	_ =	strace s2  }
0x95: {  	s2 =	sld [smem:$0x3FFD];
	_ =	sdelay $0x3  }
0x96: {  	_ =	strace s2  }
0x97: {  	_ =	strace $0x8FFFFFFF  }
0x98: {  	s18 =	sld [smem:$0x3FDB];
	_ =	sdelay $0x1  }
0x99: {  	s19 =	simm.s32 $_scs_section_size  }
0x9a: {  	s4 =	simm.s32 $_size__tile_overlayer_lowered;
	s5 =	simm.s32 $_tile_overlayer_lowered  }
0x9b: {  	s22 =	simm.s32 $0x1BFF;
	s21 =	sshll.u32 s5, $0x1;
	s2 =	sadd.s32 s19, s18  }
0x9c: {  	s6 =	simm.s32 $0x0;
	s20 =	sshll.u32 s4, $0x1;
	s4 =	sadd.s32 s21, s2  }
0x9d: {  	[timem:s6], [sflag:s22] =	dma.local [hbm:s4], s20  }
0x9e: {  	_ =	swait.ge [sflag:s22], s20  }
0x9f: {  	s3 =	ssub.s32 $0x0, s20;
	[sflag:s22] =	ssyncset.done $0x0  }
0xa0: {  	[sflag:s22] =	ssyncadd.s32 s3;
	_ =	sdelay $0x1  }
0xa1: {  	s23 =	simm.s32 $0x1B8B  }
0xa2: {  	_ =	swait.ge [sflag:s23], $0x1  }
0xa3: {  	[sflag:s23] =	ssyncset.done $0x0  }
0xa4: {  	s25 =	simm.s32 $0x1B8E;
	s24 =	sld [smem:$0x3FFE];
	[sflag:s23] =	ssyncadd.s32 $0xFFFFFFFF  }
0xa5: {  	s26 =	simm.s32 $execute0_lowered;
	[smem:$0x3FD2] =	sst s25  }
0xa6: {  	s4 =	sshll.u32 s26, $0x1;
	_ =	strace $0x80000046;
	[dreg:$0x1] =	wrdreg $0xFFFFFFFF  }
0xa7: {  	s28 =	simm.s32 $_size_execute0_lowered;
	s2 =	sadd.s32 s2, s4;
	[dreg:$0x0] =	wrdreg $0x0  }
0xa8: {  	s4 =	sshll.u32 s28, $0x1;
	[dreg:$0x2] =	wrdreg s2  }
0xa9: {  	[dreg:$0x3] =	wrdreg s4  }
0xaa: {  	[dreg:$0x4] =	wrdreg $0xC0  }
0xab: {  	_ =	task [dreg:s6], $0x5FFFF  }
0xac: {  	[dreg:$0x1] =	wrdreg $0xFFFFFFFF  }
0xad: {  	[dreg:$0x0] =	wrdreg $0x60  }
0xae: {  	[dreg:$0x2] =	wrdreg s24  }
0xaf: {  	[dreg:$0x3] =	wrdreg $0x54000  }
0xb0: {  	[dreg:$0x4] =	wrdreg $0x9  }
0xb1: {  	_ =	task.clear_ibuf [dreg:s6], $0x5FFFF;
	_ =	strace $0x90000046  }
0xb2: {  	s29 =	simm.s32 $0x9;
	_ =	strace $0x80000048  }
0xb3: {  	_ =	swait.ge [sflag:s29], $0x1  }
0xb4: {  	[sflag:s29] =	ssyncadd.s32 $0xFFFFFFFF  }
0xb5: {  	_ =	strace $0x90000048  }
0xb6: {  	_ =	sfence  }
0xb7: {  	s30 =	sld [smem:$0x0];
	_ =	sdelay $0x2  }
0xb8: {  	s31 =	sshll.u32 s1, $0xD;
	s1 =	sshrl.u32 s1, $0x2  }
0xb9: {  	s3 =	sand.u32 $0x4000, s31;
	s1 =	sadd.s32 s1, s30  }
0xba: {  	s0 =	sor.u32 s3, s0;
	s1 =	sshll.u32 s1, $0x11  }
0xbb: {  	s0 =	sor.u32 s1, s0  }
0xbc: {  	s0 =	sadd.s32 $0x8F2B, s0  }
0xbd: {  	[sflag:s0] =	ssyncadd.remote.s32 $0x1  }
0xbe: {  	_ =	sfence.sel $0xFFFF  }
0xbf: {  	[dreg:$0x0] =	wrdreg $0xFFFFFFFF;
	(pc) =	sbr.abs _section_cstart, $3  }
0xc0: {  	[dreg:$0x1] =	wrdreg $0xFFFFFFFF  }
0xc1: {  	_ =	task.clear_ibuf [dreg:s6], $0x2FFFF;
	_ =	strace $0x9FFFFFFF  }
0xc2: {  	(tm) =	ssettm $0x7FFFFFFF  }
0xc3: {  	_ =	shalt  }
tec
execute0_lowered:
.L_overlay_start_1:
0x0: {  	(tag) =	ssettag $0x1  }
0x1: {  	s1 =	srdreg.scid;
	s5 =	rddreg [dreg:$0x0]  }
0x2: {  	s0 =	stileid.u32;
	s2 =	rddreg [dreg:$0x1];
	s3 =	simm.s32 $0x0  }
0x3: {  	s14 =	simm.s32 $0x0;
	s4 =	sand.u32 $0x1, s1;
	s1 =	rddreg [dreg:$0x2]  }
0x4: {  	s25 =	sshll.u32 s0, $0x1;
	s7 =	smul.u32 $0x14000, s0;
	[smem:$0x7FF] =	sst s3  }
0x5: {  	s29 =	smul.u32 $0x50000, s0;
	s31 =	sshll.u32 s0, $0x6;
	s6 =	sor.u32 s4, s25  }
0x6: {  	s9 =	smul.u32 $0x140000, s4;
	_ =	strace $0x80000047;
	s28 =	ssub.s32 $0x2, s4  }
0x7: {  	s4 =	sadd.s32 $0x34000, s5;
	s6 =	smul.u32 $0x280, s6;
	s8 =	sshrl.u32 s7, $0x3  }
0x8: {  	s11 =	sshrl.u32 s28, $0x1;
	s30 =	sshrl.u32 s29, $0x2;
	s26 =	sadd.s32 s8, s5  }
0x9: {  	s7 =	sadd.s32 s7, s9;
	s11 =	ssub.s32 s28, s11;
	s13 =	sadd.s32 s30, s2  }
0xa: {  	s10 =	sadd.s32 s6, s5;
	s7 =	sshrl.u32 s7, $0x3;
	s6 =	sor.u32 $0x1C01, s31  }
0xb: {  	s9 =	smax.u32 s11, $0x1;
	s11 =	simm.s32 $0x1;
	s12 =	sadd.s32 s7, s5  }
0xc: {  	s5 =	sadd.s32 $0xC000, s26;
	s7 =	sadd.s32 $0x7000, s10;
	s10 =	sshrl.u32 s13, $0x3  }
0xd: {  	s13 =	simm.s32 $0x80;
	s8 =	sadd.s32 $0x34800, s12;
	s12 =	simm.s32 $0x1400  }
.LBB2_1:
0xe: {  	[spmem:s10], [sflag:s6] =	dma.local [hbm:s5], $0x2800  }
0xf: {  	_ =	swait.ge [sflag:s11], $0x2800  }
0x10: {  	[sflag:s11] =	ssyncset.done $0x0  }
0x11: {  	[sflag:s11] =	ssyncadd.s32 $0xFFFFD800  }
0x12: {  	[tilespmem:s12], [sflag:$0x1] =	stream.linear.gather [hbm4b:s4+s3], $0x4000, $0x38;
	[tilespmem:$0x7C00] =	vst v63  }
0x13: {  	_ =	swait.ge [sflag:s11], $0x4000  }
0x14: {  	[sflag:s11] =	ssyncset.done $0x0  }
0x15: {  	[sflag:s11] =	ssyncadd.s32 $0xFFFFC000  }
0x16: {  	[tilespmem:s3], [sflag:$0x1] =	stream.linear.gather [hbm4b:s7+s3], $0x1400, $0x38;
	[tilespmem:$0x7C00] =	vst v63  }
0x17: {  	_ =	swait.ge [sflag:s11], $0x1400  }
0x18: {  	[sflag:s11] =	ssyncset.done $0x0  }
0x19: {  	[sflag:s11] =	ssyncadd.s32 $0xFFFFEC00  }
0x1a: {  	s15 =	simm.s32 $0x0;
	[bflag:$0x0] =	sbarrier.arrive $0xFFFF  }
0x1b: {  	[spmem:s2] =	stream.indirect.scatter.add.f32 [tilespmem:s12], [sflag:$0x1], $0x10, s15, s13, $0xb8;
	[tilespmem:$0x7C00] =	vst v63  }
0x1c: {  	_ =	swait.ge [sflag:s11], $0x800  }
0x1d: {  	s15 =	simm.s32 $0x200;
	[sflag:s11] =	ssyncset.done $0x0  }
.LBB2_2:
0x1e: {  	s16 =	sshra.s32 s15, $0x2;
	[sflag:s11] =	ssyncadd.s32 $0xFFFFF800;
	p0 =	sne.s32 s15, $0x4E00  }
0x1f: {  	[spmem:s2] =	stream.indirect.scatter.add.f32 [tilespmem:s12], [sflag:$0x1], $0x10, s16, s13, $0xb8;
	[tilespmem:$0x7C00] =	vst v63  }
.Ltmp0:
0x20: {  	_ = 	snop;
	(pc) =	sbr.rel @p0 .LBB2_2-.Ltmp0, $4  }
0x21: {  	_ = 	snop  }
0x22: {  	s15 =	sadd.s32 $0x200, s15  }
0x23: {  	_ =	swait.ge [sflag:s11], $0x800  }
0x24: {  	[sflag:s11] =	ssyncset.done $0x0  }
0x25: {  	s14 =	sadd.s32 $0x1, s14  }
0x26: {  	[sflag:s11] =	ssyncadd.s32 $0xFFFFF800;
	p0 =	sne.s32 s14, s9  }
.Ltmp1:
0x27: {  	[bflag:$0x0] =	sbarrier.arrive $0xFFFF;
	(pc) =	sbr.rel @p0 .LBB2_1-.Ltmp1, $4  }
0x28: {  	[hbm:s8], [sflag:s6] =	dma.local [spmem:s10], $0x2800  }
0x29: {  	_ =	swait.ge [sflag:s11], $0x2800  }
0x2a: {  	[sflag:s11] =	ssyncset.done $0x0  }
0x2b: {  	[sflag:s11] =	ssyncadd.s32 $0xFFFFD800  }
0x2c: {  	_ =	sfence.sel $0x180000  }
0x2d: {  	[bflag:$0x0] =	sbarrier.arrive $0xFFFF  }
0x2e: {  	p0 =	sne.s32 s0, $0x0;
	_ =	strace $0x90000047  }
0x2f: {  	s0 =	sadd.s32 @!p0 $0x100000, s1;
	[bflag:$0x2] =	sbarrier.arrive $0xFFFF  }
0x30: {  	[sflag:s0] =	ssyncadd.tile.s32 @!p0 $0x1;
	_ =	shalt  }
.Lfunc_end2:
_tile_overlayer_lowered:
.L_overlay_start_2:
0x31: {  	(tag) =	ssettag $0x2  }
0x32: {  	s0 =	rddreg [dreg:$0x0];
	s2 =	stileid.u32  }
0x33: {  	s1 =	rddreg [dreg:$0x1];
	p0 =	sne.s32 s2, $0x0  }
0x34: {  	s3 =	rddreg [dreg:$0x2];
	[bflag:$0x3] =	sbarrier.arrive $0xFFFF;
	s2 =	simm.s32 @!p0 $0x1C01  }
0x35: {  	[timem:s3], [sflag:s2] =	dma.local @!p0 [hbm:s0], s1  }
0x36: {  	s0 =	simm.s32 @!p0 $0x1  }
0x37: {  	_ =	swait.ge @!p0 [sflag:s0], s1  }
0x38: {  	s1 =	ssub.s32 @!p0 $0x0, s1;
	[sflag:s0] =	ssyncset.done @!p0 $0x0  }
0x39: {  	[sflag:s0] =	ssyncadd.s32 @!p0 s1  }
0x3a: {  	[bflag:$0x3] =	sbarrier.arrive $0xFFFF  }
0x3b: {  	_ =	shalt  }

</sc_bundles>
